<compile_context>
chip_gen: v7x
topology: tpu7x:2x2x1
jax: 0.10.2.dev20260603
libtpu: 0.0.44.dev20260713+nightly
codegen_flags: <defaults>
</compile_context>

<pallas_src>
import functools

import jax
import jax.numpy as jnp
from jax import lax
from jax.experimental import pallas as pl
from jax.experimental.pallas import tpu as pltpu
from jax.experimental.pallas import tpu_sc as plsc

_N = 2048
_L = 240
_L2 = 236
_C = 256
_E = 65536
_B = 4
_NB = 256
_QROWS = 512
_QWORDS = _QROWS * _N



def _sc_count_body(dst_ref, src_ref, a_ref, ebuf_d, ebuf_s, idx1, val1, zbuf,
                   shared):
    cid = lax.axis_index("c")
    sid = lax.axis_index("s")
    zeros16 = jnp.zeros((16,), jnp.float32)
    ones16 = jnp.ones((16,), jnp.float32)
    iota16 = lax.iota(jnp.int32, 16)

    def _zi(i, c):
        zbuf[pl.ds(i * 16, 16)] = zeros16
        return c
    lax.fori_loop(0, 256, _zi, 0)

    eb = sid * 4096
    pltpu.sync_copy(dst_ref.at[pl.ds(eb, 4096)], ebuf_d)
    pltpu.sync_copy(src_ref.at[pl.ds(eb, 4096)], ebuf_s)

    for p in range(2):
        q = cid * 2 + p
        qbase = q * _QROWS
        for r in range(16):
            pltpu.sync_copy(zbuf, shared.at[pl.ds(sid * 65536 + r * 4096, 4096)])
        plsc.subcore_barrier()

        def _chunk(j, c):
            for jj in range(8):
                off = j * 128 + jj * 16
                dv = ebuf_d[pl.ds(off, 16)]
                sv = ebuf_s[pl.ds(off, 16)]
                rel = dv - qbase
                m = (rel >= 0) & (rel < _QROWS)
                idx = (rel << 11) + sv
                idx = jnp.where(m, idx, iota16 * 2048 + sid * 16)
                val = jnp.where(m, ones16, zeros16)
                idx1[pl.ds(jj * 16, 16)] = idx
                val1[pl.ds(jj * 16, 16)] = val
            pltpu.sync_copy(val1, shared.at[idx1], add=True)
            return c
        lax.fori_loop(0, 32, _chunk, 0)
        plsc.subcore_barrier()

        pltpu.sync_copy(shared.at[pl.ds(sid * 65536, 65536)],
                        a_ref.at[pl.ds(qbase * 2048 + sid * 65536, 65536)])
        plsc.subcore_barrier()


def _build_counts(dst, src):
    mesh = plsc.VectorSubcoreMesh(core_axis_name="c", subcore_axis_name="s")
    f = pl.kernel(
        _sc_count_body,
        mesh=mesh,
        out_type=jax.ShapeDtypeStruct((_N * _N,), jnp.float32),
        scratch_types=[
            pltpu.VMEM((4096,), jnp.int32),
            pltpu.VMEM((4096,), jnp.int32),
            pltpu.VMEM((128,), jnp.int32),
            pltpu.VMEM((128,), jnp.float32),
            pltpu.VMEM((4096,), jnp.float32),
            pltpu.VMEM_SHARED((_QWORDS,), jnp.float32),
        ],
    )
    return f(dst, src)



def _sn_body(wt1_ref, u1_ref, wt2_ref, u2_ref, s1_ref, s2_ref):
    def sig(wt, u):
        v = jnp.sum(wt * u, axis=1, keepdims=True)
        nv = jnp.sqrt(jnp.sum(v * v))
        vn = v / (nv + 1e-12)
        w = jnp.sum(wt * vn, axis=0, keepdims=True)
        nw = jnp.sqrt(jnp.sum(w * w))
        return (nw * nw) / (nw + 1e-12)

    s1_ref[...] = sig(wt1_ref[...], u1_ref[...]).reshape(1, 1)
    s2_ref[...] = sig(wt2_ref[...], u2_ref[...]).reshape(1, 1)


def _sn_call(wt1, u1r, wt2, u2r):
    return pl.pallas_call(
        _sn_body,
        out_shape=[jax.ShapeDtypeStruct((1, 1), jnp.float32),
                   jax.ShapeDtypeStruct((1, 1), jnp.float32)],
    )(wt1, u1r, wt2, u2r)



def _deg_body(a_ref, dinv_ref):
    deg = jnp.sum(a_ref[...], axis=1, keepdims=True) + 1.0
    dinv_ref[...] = lax.rsqrt(deg)


def _deg_call(a):
    return pl.pallas_call(
        _deg_body,
        grid=(_N // _NB,),
        in_specs=[pl.BlockSpec((_NB, _N), lambda i: (i, 0))],
        out_specs=pl.BlockSpec((_NB, 1), lambda i: (i, 0)),
        out_shape=jax.ShapeDtypeStruct((_N, 1), jnp.float32),
    )(a)



_NBW = 512


def _conv_body(x_ref, w1_ref, b1_ref, w2_ref, b2_ref, wg_ref, wl_ref, bl_ref,
               s1_ref, s2_ref, h_ref, r_ref):
    x = x_ref[0]
    w1 = w1_ref[...] * (1.0 / s1_ref[0, 0])
    w2 = w2_ref[...] * (1.0 / s2_ref[0, 0])
    b1 = b1_ref[...]
    acc = b2_ref[...] + jnp.zeros((_L2, _NBW), jnp.float32)
    x0 = x[0:238]
    x1 = x[1:239]
    x2 = x[2:240]
    for f in range(16):
        s = (x0 * w1[3 * f:3 * f + 1] +
             x1 * w1[3 * f + 1:3 * f + 2] +
             x2 * w1[3 * f + 2:3 * f + 3] +
             b1[f:f + 1])
        y = jnp.maximum(s, 0.01 * s)
        acc = (acc +
               y[0:236] * w2[3 * f:3 * f + 1] +
               y[1:237] * w2[3 * f + 1:3 * f + 2] +
               y[2:238] * w2[3 * f + 2:3 * f + 3])
    c2 = jnp.maximum(acc, 0.01 * acc)
    h_ref[0] = lax.dot_general(c2, wg_ref[...], (((0,), (0,)), ((), ())),
                               preferred_element_type=jnp.float32)
    r_ref[0] = (lax.dot_general(x, wl_ref[...], (((0,), (0,)), ((), ())),
                                preferred_element_type=jnp.float32)
                + bl_ref[...])


def _conv_call(Xt, w1t, b1t, w2t, b2t, Wg, Wl, blr, s1, s2):
    nblocks = _N // _NBW
    return pl.pallas_call(
        _conv_body,
        grid=(_B, nblocks),
        in_specs=[
            pl.BlockSpec((1, _L, _NBW), lambda b, i: (b, 0, i)),
            pl.BlockSpec((48, _NBW), lambda b, i: (0, i)),
            pl.BlockSpec((16, _NBW), lambda b, i: (0, i)),
            pl.BlockSpec((48, _NBW), lambda b, i: (0, i)),
            pl.BlockSpec((1, _NBW), lambda b, i: (0, i)),
            pl.BlockSpec((_L2, _C), lambda b, i: (0, 0)),
            pl.BlockSpec((_L, _C), lambda b, i: (0, 0)),
            pl.BlockSpec((1, _C), lambda b, i: (0, 0)),
            pl.BlockSpec((1, 1), lambda b, i: (0, 0)),
            pl.BlockSpec((1, 1), lambda b, i: (0, 0)),
        ],
        out_specs=[
            pl.BlockSpec((1, _NBW, _C), lambda b, i: (b, i, 0)),
            pl.BlockSpec((1, _NBW, _C), lambda b, i: (b, i, 0)),
        ],
        out_shape=[jax.ShapeDtypeStruct((_B, _N, _C), jnp.float32),
                   jax.ShapeDtypeStruct((_B, _N, _C), jnp.float32)],
    )(Xt, w1t, b1t, w2t, b2t, Wg, Wl, blr, s1, s2)



def _gcn_body(a_ref, hp_ref, hblk_ref, r_ref, dcol_ref, drow_ref, bg_ref,
              gnw_ref, gnb_ref, gms_ref, wo_ref, bo_ref, out_ref, cls_ref):
    i = pl.program_id(0)
    nsteps = pl.num_programs(0)
    a = a_ref[...] * drow_ref[...]
    dloc = dcol_ref[...]
    bg = bg_ref[...]
    ts = []
    for c in range(_B):
        m = jnp.dot(a, hp_ref[c], preferred_element_type=jnp.float32)
        t = dloc * m + (dloc * dloc) * hblk_ref[c] + bg
        ts.append(t)
    mean = (ts[0] + ts[1] + ts[2] + ts[3]) * 0.25
    gms = gms_ref[...]
    outs = [t - mean * gms for t in ts]
    var = (outs[0] * outs[0] + outs[1] * outs[1] +
           outs[2] * outs[2] + outs[3] * outs[3]) * 0.25
    denom = lax.rsqrt(var + 1e-5)
    gnw = gnw_ref[...]
    gnb = gnb_ref[...]
    psums = []
    for c in range(_B):
        tt = gnw * outs[c] * denom + gnb + r_ref[c]
        tt = jnp.where(tt > 0, tt, jnp.exp(tt) - 1.0)
        psums.append(jnp.sum(tt, axis=0, keepdims=True))
    add = jnp.concatenate(psums, axis=0)

    @pl.when(i == 0)
    def _():
        out_ref[...] = jnp.zeros_like(out_ref)

    out_ref[...] += add

    @pl.when(i == nsteps - 1)
    def _():
        out = out_ref[...] * (1.0 / _N)
        out_ref[...] = out
        cls_ref[...] = (jnp.dot(out, wo_ref[...],
                                preferred_element_type=jnp.float32)
                        + bo_ref[...])


def _gcn_call(a, h, r, dcol, drow, bgr, gnwr, gnbr, gmsr, Wo, bor):
    nblocks = _N // _NB
    return pl.pallas_call(
        _gcn_body,
        grid=(nblocks,),
        in_specs=[
            pl.BlockSpec((_NB, _N), lambda i: (i, 0)),
            pl.BlockSpec((_B, _N, _C), lambda i: (0, 0, 0)),
            pl.BlockSpec((_B, _NB, _C), lambda i: (0, i, 0)),
            pl.BlockSpec((_B, _NB, _C), lambda i: (0, i, 0)),
            pl.BlockSpec((_NB, 1), lambda i: (i, 0)),
            pl.BlockSpec((1, _N), lambda i: (0, 0)),
            pl.BlockSpec((1, _C), lambda i: (0, 0)),
            pl.BlockSpec((1, _C), lambda i: (0, 0)),
            pl.BlockSpec((1, _C), lambda i: (0, 0)),
            pl.BlockSpec((1, _C), lambda i: (0, 0)),
            pl.BlockSpec((_C, 16), lambda i: (0, 0)),
            pl.BlockSpec((1, 16), lambda i: (0, 0)),
        ],
        out_specs=[
            pl.BlockSpec((_B, _C), lambda i: (0, 0)),
            pl.BlockSpec((_B, 16), lambda i: (0, 0)),
        ],
        out_shape=[jax.ShapeDtypeStruct((_B, _C), jnp.float32),
                   jax.ShapeDtypeStruct((_B, 16), jnp.float32)],
    )(a, h, h, r, dcol, drow, bgr, gnwr, gnbr, gmsr, Wo, bor)



def kernel(X, edge_index, W1, b1, u1, W2, b2, u2, Wg, bg, Wl, bl,
           gn_weight, gn_bias, gn_mean_scale, Wo, bo):
    src = edge_index[0]
    dst = edge_index[1]
    a_flat = _build_counts(dst, src)
    a = a_flat.reshape(_N, _N)

    wt1 = W1.reshape(16 * _N, 3).T
    u1r = u1.reshape(1, 16 * _N)
    wt2 = W2.reshape(_N, 48).T
    u2r = u2.reshape(1, _N)
    s1, s2 = _sn_call(wt1, u1r, wt2, u2r)

    dcol = _deg_call(a)
    drow = dcol.reshape(1, _N)

    Xt = X.transpose(0, 2, 1)
    w1t = W1.reshape(_N, 16, 3).transpose(1, 2, 0).reshape(48, _N)
    b1t = b1.reshape(_N, 16).T
    w2t = W2.transpose(1, 2, 0).reshape(48, _N)
    b2t = b2.reshape(1, _N)
    blr = bl.reshape(1, _C)
    h, r = _conv_call(Xt, w1t, b1t, w2t, b2t, Wg, Wl, blr, s1, s2)

    output, cls = _gcn_call(a, h, r, dcol, drow, bg.reshape(1, _C),
                            gn_weight.reshape(1, _C), gn_bias.reshape(1, _C),
                            gn_mean_scale.reshape(1, _C), Wo,
                            bo.reshape(1, 16))
    return (output, cls)

# --- scband reference (transcript-rebuilt; emitter-appended) ---
"""Pipeline reference for scband-body-gnn-33715493273805 (READ-ONLY COPY).

The authoritative reference and input builder live on the scoring server;
editing this copy changes nothing except your own understanding.
"""

import jax, jax.numpy as jnp
import numpy as np

N = 2048
L = 240
K = 3
C_OUT = 256
L2 = L - 2 * K + 2  # 236
E = 65536
B = 4


def _sn(W, u):
    # spectral norm with one power-iteration step (torch spectral_norm behavior)
    Wm = W.reshape(W.shape[0], -1)
    v = Wm.T @ u
    v = v / (jnp.linalg.norm(v) + 1e-12)
    u2 = Wm @ v
    u2 = u2 / (jnp.linalg.norm(u2) + 1e-12)
    sigma = jnp.dot(u2, Wm @ v)
    return W / sigma


def _conv1d(x, W, b, groups):
    # x: [B, Cin, L], W: [Cout, Cin//groups, K]
    y = jax.lax.conv_general_dilated(x, W, window_strides=(1,), padding='VALID',
                                     dimension_numbers=('NCH', 'OIH', 'NCH'),
                                     feature_group_count=groups)
    return y + b[None, :, None]


def _gcn(x, src, dst, norm, W, b):
    h = x @ W
    msg = h[src] * norm[:, None]
    out = jnp.zeros((x.shape[0], W.shape[1]), dtype=x.dtype).at[dst].add(msg)
    return out + b


def setup_inputs(seed: int = 0) -> dict:
    key = jax.random.key(seed)
    ks = jax.random.split(key, 12)
    scale = 0.05
    inp = {}
    inp['X'] = jax.random.normal(ks[0], (B, N, L), dtype=jnp.float32)
    inp['edge_index'] = jax.random.randint(ks[1], (2, E), 0, N, dtype=jnp.int32)
    inp['W1'] = jax.random.normal(ks[2], (16 * N, 1, K), dtype=jnp.float32) * scale
    inp['b1'] = jnp.zeros((16 * N,), dtype=jnp.float32)
    inp['u1'] = jax.random.normal(ks[3], (16 * N,), dtype=jnp.float32)
    inp['W2'] = jax.random.normal(ks[4], (N, 16, K), dtype=jnp.float32) * scale
    inp['b2'] = jnp.zeros((N,), dtype=jnp.float32)
    inp['u2'] = jax.random.normal(ks[5], (N,), dtype=jnp.float32)
    inp['Wg'] = jax.random.normal(ks[6], (L2, C_OUT), dtype=jnp.float32) * scale
    inp['bg'] = jnp.zeros((C_OUT,), dtype=jnp.float32)
    inp['Wl'] = jax.random.normal(ks[7], (L, C_OUT), dtype=jnp.float32) * scale
    inp['bl'] = jnp.zeros((C_OUT,), dtype=jnp.float32)
    inp['gn_weight'] = jnp.ones((C_OUT,), dtype=jnp.float32)
    inp['gn_bias'] = jnp.zeros((C_OUT,), dtype=jnp.float32)
    inp['gn_mean_scale'] = jnp.ones((C_OUT,), dtype=jnp.float32)
    inp['Wo'] = jax.random.normal(ks[8], (C_OUT, 16), dtype=jnp.float32) * scale
    inp['bo'] = jnp.zeros((16,), dtype=jnp.float32)
    return inp


def reference(X, edge_index, W1, b1, u1, W2, b2, u2, Wg, bg, Wl, bl,
              gn_weight, gn_bias, gn_mean_scale, Wo, bo):
    n = X.shape[1]
    W1sn = _sn(W1, u1)
    W2sn = _sn(W2, u2)
    c1 = jax.nn.leaky_relu(_conv1d(X, W1sn, b1, n), 0.01)
    c2 = jax.nn.leaky_relu(_conv1d(c1, W2sn, b2, n), 0.01)
    # GCN with self loops (edge_weight=None -> all ones)
    loop = jnp.arange(n, dtype=edge_index.dtype)
    src = jnp.concatenate([edge_index[0], loop])
    dst = jnp.concatenate([edge_index[1], loop])
    deg = jnp.zeros((n,), dtype=X.dtype).at[dst].add(1.0)
    dinv = jnp.where(deg > 0, 1.0 / jnp.sqrt(deg), 0.0)
    norm = dinv[src] * dinv[dst]
    T = jax.vmap(lambda xt: _gcn(xt, src, dst, norm, Wg, bg))(c2)
    # GraphNorm with batch=None: single graph over dim 0
    mean = T.mean(axis=0, keepdims=True)
    out = T - mean * gn_mean_scale
    var = (out ** 2).mean(axis=0, keepdims=True)
    T = gn_weight * out / jnp.sqrt(var + 1e-5) + gn_bias
    T = jax.nn.elu(T + X @ Wl + bl)
    # global_mean_pool with batch=None on 3D input: mean over node dim
    output = T.mean(axis=-2)
    class_output = output @ Wo + bo
    return (output, class_output)

if __name__ == "__main__":
    import jax
    _d = setup_inputs()
    print(jax.jit(kernel)(*tuple(_d.values())))

</pallas_src>

<mosaic_0001>
#map = affine_map<(d0, d1) -> (0)>
module attributes {stable_mosaic.version = 14 : i64} {
  func.func @_sc_count_body(%arg0: i32, %arg1: i32, %arg2: memref<65536xi32, #tpu.memory_space<hbm>>, %arg3: memref<65536xi32, #tpu.memory_space<hbm>>, %arg4: memref<4194304xf32, #tpu.memory_space<hbm>>, %arg5: memref<4096xi32, #tpu.memory_space<vmem>>, %arg6: memref<4096xi32, #tpu.memory_space<vmem>>, %arg7: memref<128xi32, #tpu.memory_space<vmem>>, %arg8: memref<128xf32, #tpu.memory_space<vmem>>, %arg9: memref<4096xf32, #tpu.memory_space<vmem>>, %arg10: memref<1048576xf32, #tpu.memory_space<vmem_shared>>) attributes {dimension_semantics = [#tpu.dimension_semantics<core_parallel>, #tpu.dimension_semantics<subcore_parallel>], iteration_bounds = array<i64: 2, 16>, scalar_prefetch = 0 : i64, scratch_operands = 6 : i64, tpu.core_type = #tpu.core_type<sc_vector_subcore>, window_params = [{transform_indices = #map}, {transform_indices = #map}, {transform_indices = #map}]} {
    %broadcast_in_dim3A = arith.constant 0.000000e+00 : f32
    %broadcast_in_dim3A_0 = vector.broadcast %broadcast_in_dim3A : f32 to vector<16xf32>
    %broadcast_in_dim3A_1 = arith.constant 1.000000e+00 : f32
    %broadcast_in_dim3A_2 = vector.broadcast %broadcast_in_dim3A_1 : f32 to vector<16xf32>
    %iota3A = tpu.iota {dimensions = array<i32: 0>} : vector<16xi32>
    %scan3A = arith.constant 0 : i32
    %scan3A_3 = arith.constant 0 : i32
    %scan3A_4 = arith.constant 256 : i32
    %scan3A_5 = arith.addi %scan3A_3, %scan3A_4 : i32
    %scan3A_6 = arith.constant 1 : i32
    scf.for %scan3A_179 = %scan3A_3 to %scan3A_5 step %scan3A_6  : i32 {
      %mul3A_180 = arith.constant 16 : i32
      %mul3A_181 = arith.muli %scan3A_179, %mul3A_180 : i32
      %swap3A = arith.index_cast %mul3A_181 : i32 to index
      %swap3A_182 = tpu.vector_load %arg9[%swap3A] {strides = array<i32>} : memref<4096xf32, #tpu.memory_space<vmem>>, vector<16xf32>,
      %swap3A_183 = vector.shape_cast %swap3A_182 : vector<16xf32> to vector<16xf32>
      %swap3A_184 = vector.shape_cast %broadcast_in_dim3A_0 : vector<16xf32> to vector<16xf32>
      tpu.vector_store %arg9[%swap3A], %swap3A_184 {strides = array<i32>} : memref<4096xf32, #tpu.memory_space<vmem>>, vector<16xf32>,
    }
    %scan3A_7 = arith.constant 256 : i32
    %mul3A = arith.constant 4096 : i32
    %mul3A_8 = arith.muli %arg1, %mul3A : i32
    "tpu.region"() ({
      %run_scoped3A = tpu.sem_alloc : memref<!tpu.dma_semaphore, #tpu.memory_space<semaphore_mem>>
      %dma_start3A = tpu.memref_slice %arg2[%mul3A_8] : memref<65536xi32, #tpu.memory_space<hbm>> -> memref<4096xi32, #tpu.memory_space<hbm>>
      %dma_start3A_179 = tpu.memref_slice %arg2[%mul3A_8] : memref<65536xi32, #tpu.memory_space<hbm>> -> memref<4096xi32, #tpu.memory_space<hbm>>
      tpu.enqueue_dma source(%dma_start3A_179 : memref<4096xi32, #tpu.memory_space<hbm>>) target(%arg5 : memref<4096xi32, #tpu.memory_space<vmem>>) target_semaphore(%run_scoped3A : memref<!tpu.dma_semaphore, #tpu.memory_space<semaphore_mem>>)
      %dma_wait3A = tpu.memref_slice %arg2[%mul3A_8] : memref<65536xi32, #tpu.memory_space<hbm>> -> memref<4096xi32, #tpu.memory_space<hbm>>
      %dma_wait3A_180 = tpu.memref_slice %arg2[%mul3A_8] : memref<65536xi32, #tpu.memory_space<hbm>> -> memref<4096xi32, #tpu.memory_space<hbm>>
      tpu.wait_dma2 semaphore(%run_scoped3A : memref<!tpu.dma_semaphore, #tpu.memory_space<semaphore_mem>>) src(%dma_wait3A_180 : memref<4096xi32, #tpu.memory_space<hbm>>) dst(%arg5 : memref<4096xi32, #tpu.memory_space<vmem>>)
      tpu.yield
    }) : () -> ()
    "tpu.region"() ({
      %run_scoped3A = tpu.sem_alloc : memref<!tpu.dma_semaphore, #tpu.memory_space<semaphore_mem>>
      %dma_start3A = tpu.memref_slice %arg3[%mul3A_8] : memref<65536xi32, #tpu.memory_space<hbm>> -> memref<4096xi32, #tpu.memory_space<hbm>>
      %dma_start3A_179 = tpu.memref_slice %arg3[%mul3A_8] : memref<65536xi32, #tpu.memory_space<hbm>> -> memref<4096xi32, #tpu.memory_space<hbm>>
      tpu.enqueue_dma source(%dma_start3A_179 : memref<4096xi32, #tpu.memory_space<hbm>>) target(%arg6 : memref<4096xi32, #tpu.memory_space<vmem>>) target_semaphore(%run_scoped3A : memref<!tpu.dma_semaphore, #tpu.memory_space<semaphore_mem>>)
      %dma_wait3A = tpu.memref_slice %arg3[%mul3A_8] : memref<65536xi32, #tpu.memory_space<hbm>> -> memref<4096xi32, #tpu.memory_space<hbm>>
      %dma_wait3A_180 = tpu.memref_slice %arg3[%mul3A_8] : memref<65536xi32, #tpu.memory_space<hbm>> -> memref<4096xi32, #tpu.memory_space<hbm>>
      tpu.wait_dma2 semaphore(%run_scoped3A : memref<!tpu.dma_semaphore, #tpu.memory_space<semaphore_mem>>) src(%dma_wait3A_180 : memref<4096xi32, #tpu.memory_space<hbm>>) dst(%arg6 : memref<4096xi32, #tpu.memory_space<vmem>>)
      tpu.yield
    }) : () -> ()
    %mul3A_9 = arith.constant 2 : i32
    %mul3A_10 = arith.muli %arg0, %mul3A_9 : i32
    %add3A = arith.constant 0 : i32
    %add3A_11 = arith.addi %mul3A_10, %add3A : i32
    %mul3A_12 = arith.constant 512 : i32
    %mul3A_13 = arith.muli %add3A_11, %mul3A_12 : i32
    %mul3A_14 = arith.constant 65536 : i32
    %mul3A_15 = arith.muli %arg1, %mul3A_14 : i32
    %add3A_16 = arith.constant 0 : i32
    %add3A_17 = arith.addi %mul3A_15, %add3A_16 : i32
    "tpu.region"() ({
      %run_scoped3A = tpu.sem_alloc : memref<!tpu.dma_semaphore, #tpu.memory_space<semaphore_mem>>
      %dma_start3A = tpu.memref_slice %arg10[%add3A_17] : memref<1048576xf32, #tpu.memory_space<vmem_shared>> -> memref<4096xf32, #tpu.memory_space<vmem_shared>>
      %dma_start3A_179 = tpu.memref_slice %arg10[%add3A_17] : memref<1048576xf32, #tpu.memory_space<vmem_shared>> -> memref<4096xf32, #tpu.memory_space<vmem_shared>>
      tpu.enqueue_dma source(%arg9 : memref<4096xf32, #tpu.memory_space<vmem>>) target(%dma_start3A_179 : memref<4096xf32, #tpu.memory_space<vmem_shared>>) target_semaphore(%run_scoped3A : memref<!tpu.dma_semaphore, #tpu.memory_space<semaphore_mem>>)
      %dma_wait3A = tpu.memref_slice %arg10[%add3A_17] : memref<1048576xf32, #tpu.memory_space<vmem_shared>> -> memref<4096xf32, #tpu.memory_space<vmem_shared>>
      %dma_wait3A_180 = tpu.memref_slice %arg10[%add3A_17] : memref<1048576xf32, #tpu.memory_space<vmem_shared>> -> memref<4096xf32, #tpu.memory_space<vmem_shared>>
      tpu.wait_dma2 semaphore(%run_scoped3A : memref<!tpu.dma_semaphore, #tpu.memory_space<semaphore_mem>>) src(%arg9 : memref<4096xf32, #tpu.memory_space<vmem>>) dst(%dma_wait3A_180 : memref<4096xf32, #tpu.memory_space<vmem_shared>>)
      tpu.yield
    }) : () -> ()
    %mul3A_18 = arith.constant 65536 : i32
    %mul3A_19 = arith.muli %arg1, %mul3A_18 : i32
    %add3A_20 = arith.constant 4096 : i32
    %add3A_21 = arith.addi %mul3A_19, %add3A_20 : i32
    "tpu.region"() ({
      %run_scoped3A = tpu.sem_alloc : memref<!tpu.dma_semaphore, #tpu.memory_space<semaphore_mem>>
      %dma_start3A = tpu.memref_slice %arg10[%add3A_21] : memref<1048576xf32, #tpu.memory_space<vmem_shared>> -> memref<4096xf32, #tpu.memory_space<vmem_shared>>
      %dma_start3A_179 = tpu.memref_slice %arg10[%add3A_21] : memref<1048576xf32, #tpu.memory_space<vmem_shared>> -> memref<4096xf32, #tpu.memory_space<vmem_shared>>
      tpu.enqueue_dma source(%arg9 : memref<4096xf32, #tpu.memory_space<vmem>>) target(%dma_start3A_179 : memref<4096xf32, #tpu.memory_space<vmem_shared>>) target_semaphore(%run_scoped3A : memref<!tpu.dma_semaphore, #tpu.memory_space<semaphore_mem>>)
      %dma_wait3A = tpu.memref_slice %arg10[%add3A_21] : memref<1048576xf32, #tpu.memory_space<vmem_shared>> -> memref<4096xf32, #tpu.memory_space<vmem_shared>>
      %dma_wait3A_180 = tpu.memref_slice %arg10[%add3A_21] : memref<1048576xf32, #tpu.memory_space<vmem_shared>> -> memref<4096xf32, #tpu.memory_space<vmem_shared>>
      tpu.wait_dma2 semaphore(%run_scoped3A : memref<!tpu.dma_semaphore, #tpu.memory_space<semaphore_mem>>) src(%arg9 : memref<4096xf32, #tpu.memory_space<vmem>>) dst(%dma_wait3A_180 : memref<4096xf32, #tpu.memory_space<vmem_shared>>)
      tpu.yield
    }) : () -> ()
    %mul3A_22 = arith.constant 65536 : i32
    %mul3A_23 = arith.muli %arg1, %mul3A_22 : i32
    %add3A_24 = arith.constant 8192 : i32
    %add3A_25 = arith.addi %mul3A_23, %add3A_24 : i32
    "tpu.region"() ({
      %run_scoped3A = tpu.sem_alloc : memref<!tpu.dma_semaphore, #tpu.memory_space<semaphore_mem>>
      %dma_start3A = tpu.memref_slice %arg10[%add3A_25] : memref<1048576xf32, #tpu.memory_space<vmem_shared>> -> memref<4096xf32, #tpu.memory_space<vmem_shared>>
      %dma_start3A_179 = tpu.memref_slice %arg10[%add3A_25] : memref<1048576xf32, #tpu.memory_space<vmem_shared>> -> memref<4096xf32, #tpu.memory_space<vmem_shared>>
      tpu.enqueue_dma source(%arg9 : memref<4096xf32, #tpu.memory_space<vmem>>) target(%dma_start3A_179 : memref<4096xf32, #tpu.memory_space<vmem_shared>>) target_semaphore(%run_scoped3A : memref<!tpu.dma_semaphore, #tpu.memory_space<semaphore_mem>>)
      %dma_wait3A = tpu.memref_slice %arg10[%add3A_25] : memref<1048576xf32, #tpu.memory_space<vmem_shared>> -> memref<4096xf32, #tpu.memory_space<vmem_shared>>
      %dma_wait3A_180 = tpu.memref_slice %arg10[%add3A_25] : memref<1048576xf32, #tpu.memory_space<vmem_shared>> -> memref<4096xf32, #tpu.memory_space<vmem_shared>>
      tpu.wait_dma2 semaphore(%run_scoped3A : memref<!tpu.dma_semaphore, #tpu.memory_space<semaphore_mem>>) src(%arg9 : memref<4096xf32, #tpu.memory_space<vmem>>) dst(%dma_wait3A_180 : memref<4096xf32, #tpu.memory_space<vmem_shared>>)
      tpu.yield
    }) : () -> ()
    %mul3A_26 = arith.constant 65536 : i32
    %mul3A_27 = arith.muli %arg1, %mul3A_26 : i32
    %add3A_28 = arith.constant 12288 : i32
    %add3A_29 = arith.addi %mul3A_27, %add3A_28 : i32
    "tpu.region"() ({
      %run_scoped3A = tpu.sem_alloc : memref<!tpu.dma_semaphore, #tpu.memory_space<semaphore_mem>>
      %dma_start3A = tpu.memref_slice %arg10[%add3A_29] : memref<1048576xf32, #tpu.memory_space<vmem_shared>> -> memref<4096xf32, #tpu.memory_space<vmem_shared>>
      %dma_start3A_179 = tpu.memref_slice %arg10[%add3A_29] : memref<1048576xf32, #tpu.memory_space<vmem_shared>> -> memref<4096xf32, #tpu.memory_space<vmem_shared>>
      tpu.enqueue_dma source(%arg9 : memref<4096xf32, #tpu.memory_space<vmem>>) target(%dma_start3A_179 : memref<4096xf32, #tpu.memory_space<vmem_shared>>) target_semaphore(%run_scoped3A : memref<!tpu.dma_semaphore, #tpu.memory_space<semaphore_mem>>)
      %dma_wait3A = tpu.memref_slice %arg10[%add3A_29] : memref<1048576xf32, #tpu.memory_space<vmem_shared>> -> memref<4096xf32, #tpu.memory_space<vmem_shared>>
      %dma_wait3A_180 = tpu.memref_slice %arg10[%add3A_29] : memref<1048576xf32, #tpu.memory_space<vmem_shared>> -> memref<4096xf32, #tpu.memory_space<vmem_shared>>
      tpu.wait_dma2 semaphore(%run_scoped3A : memref<!tpu.dma_semaphore, #tpu.memory_space<semaphore_mem>>) src(%arg9 : memref<4096xf32, #tpu.memory_space<vmem>>) dst(%dma_wait3A_180 : memref<4096xf32, #tpu.memory_space<vmem_shared>>)
      tpu.yield
    }) : () -> ()
    %mul3A_30 = arith.constant 65536 : i32
    %mul3A_31 = arith.muli %arg1, %mul3A_30 : i32
    %add3A_32 = arith.constant 16384 : i32
    %add3A_33 = arith.addi %mul3A_31, %add3A_32 : i32
    "tpu.region"() ({
      %run_scoped3A = tpu.sem_alloc : memref<!tpu.dma_semaphore, #tpu.memory_space<semaphore_mem>>
      %dma_start3A = tpu.memref_slice %arg10[%add3A_33] : memref<1048576xf32, #tpu.memory_space<vmem_shared>> -> memref<4096xf32, #tpu.memory_space<vmem_shared>>
      %dma_start3A_179 = tpu.memref_slice %arg10[%add3A_33] : memref<1048576xf32, #tpu.memory_space<vmem_shared>> -> memref<4096xf32, #tpu.memory_space<vmem_shared>>
      tpu.enqueue_dma source(%arg9 : memref<4096xf32, #tpu.memory_space<vmem>>) target(%dma_start3A_179 : memref<4096xf32, #tpu.memory_space<vmem_shared>>) target_semaphore(%run_scoped3A : memref<!tpu.dma_semaphore, #tpu.memory_space<semaphore_mem>>)
      %dma_wait3A = tpu.memref_slice %arg10[%add3A_33] : memref<1048576xf32, #tpu.memory_space<vmem_shared>> -> memref<4096xf32, #tpu.memory_space<vmem_shared>>
      %dma_wait3A_180 = tpu.memref_slice %arg10[%add3A_33] : memref<1048576xf32, #tpu.memory_space<vmem_shared>> -> memref<4096xf32, #tpu.memory_space<vmem_shared>>
      tpu.wait_dma2 semaphore(%run_scoped3A : memref<!tpu.dma_semaphore, #tpu.memory_space<semaphore_mem>>) src(%arg9 : memref<4096xf32, #tpu.memory_space<vmem>>) dst(%dma_wait3A_180 : memref<4096xf32, #tpu.memory_space<vmem_shared>>)
      tpu.yield
    }) : () -> ()
    %mul3A_34 = arith.constant 65536 : i32
    %mul3A_35 = arith.muli %arg1, %mul3A_34 : i32
    %add3A_36 = arith.constant 20480 : i32
    %add3A_37 = arith.addi %mul3A_35, %add3A_36 : i32
    "tpu.region"() ({
      %run_scoped3A = tpu.sem_alloc : memref<!tpu.dma_semaphore, #tpu.memory_space<semaphore_mem>>
      %dma_start3A = tpu.memref_slice %arg10[%add3A_37] : memref<1048576xf32, #tpu.memory_space<vmem_shared>> -> memref<4096xf32, #tpu.memory_space<vmem_shared>>
      %dma_start3A_179 = tpu.memref_slice %arg10[%add3A_37] : memref<1048576xf32, #tpu.memory_space<vmem_shared>> -> memref<4096xf32, #tpu.memory_space<vmem_shared>>
      tpu.enqueue_dma source(%arg9 : memref<4096xf32, #tpu.memory_space<vmem>>) target(%dma_start3A_179 : memref<4096xf32, #tpu.memory_space<vmem_shared>>) target_semaphore(%run_scoped3A : memref<!tpu.dma_semaphore, #tpu.memory_space<semaphore_mem>>)
      %dma_wait3A = tpu.memref_slice %arg10[%add3A_37] : memref<1048576xf32, #tpu.memory_space<vmem_shared>> -> memref<4096xf32, #tpu.memory_space<vmem_shared>>
      %dma_wait3A_180 = tpu.memref_slice %arg10[%add3A_37] : memref<1048576xf32, #tpu.memory_space<vmem_shared>> -> memref<4096xf32, #tpu.memory_space<vmem_shared>>
      tpu.wait_dma2 semaphore(%run_scoped3A : memref<!tpu.dma_semaphore, #tpu.memory_space<semaphore_mem>>) src(%arg9 : memref<4096xf32, #tpu.memory_space<vmem>>) dst(%dma_wait3A_180 : memref<4096xf32, #tpu.memory_space<vmem_shared>>)
      tpu.yield
    }) : () -> ()
    %mul3A_38 = arith.constant 65536 : i32
    %mul3A_39 = arith.muli %arg1, %mul3A_38 : i32
    %add3A_40 = arith.constant 24576 : i32
    %add3A_41 = arith.addi %mul3A_39, %add3A_40 : i32
    "tpu.region"() ({
      %run_scoped3A = tpu.sem_alloc : memref<!tpu.dma_semaphore, #tpu.memory_space<semaphore_mem>>
      %dma_start3A = tpu.memref_slice %arg10[%add3A_41] : memref<1048576xf32, #tpu.memory_space<vmem_shared>> -> memref<4096xf32, #tpu.memory_space<vmem_shared>>
      %dma_start3A_179 = tpu.memref_slice %arg10[%add3A_41] : memref<1048576xf32, #tpu.memory_space<vmem_shared>> -> memref<4096xf32, #tpu.memory_space<vmem_shared>>
      tpu.enqueue_dma source(%arg9 : memref<4096xf32, #tpu.memory_space<vmem>>) target(%dma_start3A_179 : memref<4096xf32, #tpu.memory_space<vmem_shared>>) target_semaphore(%run_scoped3A : memref<!tpu.dma_semaphore, #tpu.memory_space<semaphore_mem>>)
      %dma_wait3A = tpu.memref_slice %arg10[%add3A_41] : memref<1048576xf32, #tpu.memory_space<vmem_shared>> -> memref<4096xf32, #tpu.memory_space<vmem_shared>>
      %dma_wait3A_180 = tpu.memref_slice %arg10[%add3A_41] : memref<1048576xf32, #tpu.memory_space<vmem_shared>> -> memref<4096xf32, #tpu.memory_space<vmem_shared>>
      tpu.wait_dma2 semaphore(%run_scoped3A : memref<!tpu.dma_semaphore, #tpu.memory_space<semaphore_mem>>) src(%arg9 : memref<4096xf32, #tpu.memory_space<vmem>>) dst(%dma_wait3A_180 : memref<4096xf32, #tpu.memory_space<vmem_shared>>)
      tpu.yield
    }) : () -> ()
    %mul3A_42 = arith.constant 65536 : i32
    %mul3A_43 = arith.muli %arg1, %mul3A_42 : i32
    %add3A_44 = arith.constant 28672 : i32
    %add3A_45 = arith.addi %mul3A_43, %add3A_44 : i32
    "tpu.region"() ({
      %run_scoped3A = tpu.sem_alloc : memref<!tpu.dma_semaphore, #tpu.memory_space<semaphore_mem>>
      %dma_start3A = tpu.memref_slice %arg10[%add3A_45] : memref<1048576xf32, #tpu.memory_space<vmem_shared>> -> memref<4096xf32, #tpu.memory_space<vmem_shared>>
      %dma_start3A_179 = tpu.memref_slice %arg10[%add3A_45] : memref<1048576xf32, #tpu.memory_space<vmem_shared>> -> memref<4096xf32, #tpu.memory_space<vmem_shared>>
      tpu.enqueue_dma source(%arg9 : memref<4096xf32, #tpu.memory_space<vmem>>) target(%dma_start3A_179 : memref<4096xf32, #tpu.memory_space<vmem_shared>>) target_semaphore(%run_scoped3A : memref<!tpu.dma_semaphore, #tpu.memory_space<semaphore_mem>>)
      %dma_wait3A = tpu.memref_slice %arg10[%add3A_45] : memref<1048576xf32, #tpu.memory_space<vmem_shared>> -> memref<4096xf32, #tpu.memory_space<vmem_shared>>
      %dma_wait3A_180 = tpu.memref_slice %arg10[%add3A_45] : memref<1048576xf32, #tpu.memory_space<vmem_shared>> -> memref<4096xf32, #tpu.memory_space<vmem_shared>>
      tpu.wait_dma2 semaphore(%run_scoped3A : memref<!tpu.dma_semaphore, #tpu.memory_space<semaphore_mem>>) src(%arg9 : memref<4096xf32, #tpu.memory_space<vmem>>) dst(%dma_wait3A_180 : memref<4096xf32, #tpu.memory_space<vmem_shared>>)
      tpu.yield
    }) : () -> ()
    %mul3A_46 = arith.constant 65536 : i32
    %mul3A_47 = arith.muli %arg1, %mul3A_46 : i32
    %add3A_48 = arith.constant 32768 : i32
    %add3A_49 = arith.addi %mul3A_47, %add3A_48 : i32
    "tpu.region"() ({
      %run_scoped3A = tpu.sem_alloc : memref<!tpu.dma_semaphore, #tpu.memory_space<semaphore_mem>>
      %dma_start3A = tpu.memref_slice %arg10[%add3A_49] : memref<1048576xf32, #tpu.memory_space<vmem_shared>> -> memref<4096xf32, #tpu.memory_space<vmem_shared>>
      %dma_start3A_179 = tpu.memref_slice %arg10[%add3A_49] : memref<1048576xf32, #tpu.memory_space<vmem_shared>> -> memref<4096xf32, #tpu.memory_space<vmem_shared>>
      tpu.enqueue_dma source(%arg9 : memref<4096xf32, #tpu.memory_space<vmem>>) target(%dma_start3A_179 : memref<4096xf32, #tpu.memory_space<vmem_shared>>) target_semaphore(%run_scoped3A : memref<!tpu.dma_semaphore, #tpu.memory_space<semaphore_mem>>)
      %dma_wait3A = tpu.memref_slice %arg10[%add3A_49] : memref<1048576xf32, #tpu.memory_space<vmem_shared>> -> memref<4096xf32, #tpu.memory_space<vmem_shared>>
      %dma_wait3A_180 = tpu.memref_slice %arg10[%add3A_49] : memref<1048576xf32, #tpu.memory_space<vmem_shared>> -> memref<4096xf32, #tpu.memory_space<vmem_shared>>
      tpu.wait_dma2 semaphore(%run_scoped3A : memref<!tpu.dma_semaphore, #tpu.memory_space<semaphore_mem>>) src(%arg9 : memref<4096xf32, #tpu.memory_space<vmem>>) dst(%dma_wait3A_180 : memref<4096xf32, #tpu.memory_space<vmem_shared>>)
      tpu.yield
    }) : () -> ()
    %mul3A_50 = arith.constant 65536 : i32
    %mul3A_51 = arith.muli %arg1, %mul3A_50 : i32
    %add3A_52 = arith.constant 36864 : i32
    %add3A_53 = arith.addi %mul3A_51, %add3A_52 : i32
    "tpu.region"() ({
      %run_scoped3A = tpu.sem_alloc : memref<!tpu.dma_semaphore, #tpu.memory_space<semaphore_mem>>
      %dma_start3A = tpu.memref_slice %arg10[%add3A_53] : memref<1048576xf32, #tpu.memory_space<vmem_shared>> -> memref<4096xf32, #tpu.memory_space<vmem_shared>>
      %dma_start3A_179 = tpu.memref_slice %arg10[%add3A_53] : memref<1048576xf32, #tpu.memory_space<vmem_shared>> -> memref<4096xf32, #tpu.memory_space<vmem_shared>>
      tpu.enqueue_dma source(%arg9 : memref<4096xf32, #tpu.memory_space<vmem>>) target(%dma_start3A_179 : memref<4096xf32, #tpu.memory_space<vmem_shared>>) target_semaphore(%run_scoped3A : memref<!tpu.dma_semaphore, #tpu.memory_space<semaphore_mem>>)
      %dma_wait3A = tpu.memref_slice %arg10[%add3A_53] : memref<1048576xf32, #tpu.memory_space<vmem_shared>> -> memref<4096xf32, #tpu.memory_space<vmem_shared>>
      %dma_wait3A_180 = tpu.memref_slice %arg10[%add3A_53] : memref<1048576xf32, #tpu.memory_space<vmem_shared>> -> memref<4096xf32, #tpu.memory_space<vmem_shared>>
      tpu.wait_dma2 semaphore(%run_scoped3A : memref<!tpu.dma_semaphore, #tpu.memory_space<semaphore_mem>>) src(%arg9 : memref<4096xf32, #tpu.memory_space<vmem>>) dst(%dma_wait3A_180 : memref<4096xf32, #tpu.memory_space<vmem_shared>>)
      tpu.yield
    }) : () -> ()
    %mul3A_54 = arith.constant 65536 : i32
    %mul3A_55 = arith.muli %arg1, %mul3A_54 : i32
    %add3A_56 = arith.constant 40960 : i32
    %add3A_57 = arith.addi %mul3A_55, %add3A_56 : i32
    "tpu.region"() ({
      %run_scoped3A = tpu.sem_alloc : memref<!tpu.dma_semaphore, #tpu.memory_space<semaphore_mem>>
      %dma_start3A = tpu.memref_slice %arg10[%add3A_57] : memref<1048576xf32, #tpu.memory_space<vmem_shared>> -> memref<4096xf32, #tpu.memory_space<vmem_shared>>
      %dma_start3A_179 = tpu.memref_slice %arg10[%add3A_57] : memref<1048576xf32, #tpu.memory_space<vmem_shared>> -> memref<4096xf32, #tpu.memory_space<vmem_shared>>
      tpu.enqueue_dma source(%arg9 : memref<4096xf32, #tpu.memory_space<vmem>>) target(%dma_start3A_179 : memref<4096xf32, #tpu.memory_space<vmem_shared>>) target_semaphore(%run_scoped3A : memref<!tpu.dma_semaphore, #tpu.memory_space<semaphore_mem>>)
      %dma_wait3A = tpu.memref_slice %arg10[%add3A_57] : memref<1048576xf32, #tpu.memory_space<vmem_shared>> -> memref<4096xf32, #tpu.memory_space<vmem_shared>>
      %dma_wait3A_180 = tpu.memref_slice %arg10[%add3A_57] : memref<1048576xf32, #tpu.memory_space<vmem_shared>> -> memref<4096xf32, #tpu.memory_space<vmem_shared>>
      tpu.wait_dma2 semaphore(%run_scoped3A : memref<!tpu.dma_semaphore, #tpu.memory_space<semaphore_mem>>) src(%arg9 : memref<4096xf32, #tpu.memory_space<vmem>>) dst(%dma_wait3A_180 : memref<4096xf32, #tpu.memory_space<vmem_shared>>)
      tpu.yield
    }) : () -> ()
    %mul3A_58 = arith.constant 65536 : i32
    %mul3A_59 = arith.muli %arg1, %mul3A_58 : i32
    %add3A_60 = arith.constant 45056 : i32
    %add3A_61 = arith.addi %mul3A_59, %add3A_60 : i32
    "tpu.region"() ({
      %run_scoped3A = tpu.sem_alloc : memref<!tpu.dma_semaphore, #tpu.memory_space<semaphore_mem>>
      %dma_start3A = tpu.memref_slice %arg10[%add3A_61] : memref<1048576xf32, #tpu.memory_space<vmem_shared>> -> memref<4096xf32, #tpu.memory_space<vmem_shared>>
      %dma_start3A_179 = tpu.memref_slice %arg10[%add3A_61] : memref<1048576xf32, #tpu.memory_space<vmem_shared>> -> memref<4096xf32, #tpu.memory_space<vmem_shared>>
      tpu.enqueue_dma source(%arg9 : memref<4096xf32, #tpu.memory_space<vmem>>) target(%dma_start3A_179 : memref<4096xf32, #tpu.memory_space<vmem_shared>>) target_semaphore(%run_scoped3A : memref<!tpu.dma_semaphore, #tpu.memory_space<semaphore_mem>>)
      %dma_wait3A = tpu.memref_slice %arg10[%add3A_61] : memref<1048576xf32, #tpu.memory_space<vmem_shared>> -> memref<4096xf32, #tpu.memory_space<vmem_shared>>
      %dma_wait3A_180 = tpu.memref_slice %arg10[%add3A_61] : memref<1048576xf32, #tpu.memory_space<vmem_shared>> -> memref<4096xf32, #tpu.memory_space<vmem_shared>>
      tpu.wait_dma2 semaphore(%run_scoped3A : memref<!tpu.dma_semaphore, #tpu.memory_space<semaphore_mem>>) src(%arg9 : memref<4096xf32, #tpu.memory_space<vmem>>) dst(%dma_wait3A_180 : memref<4096xf32, #tpu.memory_space<vmem_shared>>)
      tpu.yield
    }) : () -> ()
    %mul3A_62 = arith.constant 65536 : i32
    %mul3A_63 = arith.muli %arg1, %mul3A_62 : i32
    %add3A_64 = arith.constant 49152 : i32
    %add3A_65 = arith.addi %mul3A_63, %add3A_64 : i32
    "tpu.region"() ({
      %run_scoped3A = tpu.sem_alloc : memref<!tpu.dma_semaphore, #tpu.memory_space<semaphore_mem>>
      %dma_start3A = tpu.memref_slice %arg10[%add3A_65] : memref<1048576xf32, #tpu.memory_space<vmem_shared>> -> memref<4096xf32, #tpu.memory_space<vmem_shared>>
      %dma_start3A_179 = tpu.memref_slice %arg10[%add3A_65] : memref<1048576xf32, #tpu.memory_space<vmem_shared>> -> memref<4096xf32, #tpu.memory_space<vmem_shared>>
      tpu.enqueue_dma source(%arg9 : memref<4096xf32, #tpu.memory_space<vmem>>) target(%dma_start3A_179 : memref<4096xf32, #tpu.memory_space<vmem_shared>>) target_semaphore(%run_scoped3A : memref<!tpu.dma_semaphore, #tpu.memory_space<semaphore_mem>>)
      %dma_wait3A = tpu.memref_slice %arg10[%add3A_65] : memref<1048576xf32, #tpu.memory_space<vmem_shared>> -> memref<4096xf32, #tpu.memory_space<vmem_shared>>
      %dma_wait3A_180 = tpu.memref_slice %arg10[%add3A_65] : memref<1048576xf32, #tpu.memory_space<vmem_shared>> -> memref<4096xf32, #tpu.memory_space<vmem_shared>>
      tpu.wait_dma2 semaphore(%run_scoped3A : memref<!tpu.dma_semaphore, #tpu.memory_space<semaphore_mem>>) src(%arg9 : memref<4096xf32, #tpu.memory_space<vmem>>) dst(%dma_wait3A_180 : memref<4096xf32, #tpu.memory_space<vmem_shared>>)
      tpu.yield
    }) : () -> ()
    %mul3A_66 = arith.constant 65536 : i32
    %mul3A_67 = arith.muli %arg1, %mul3A_66 : i32
    %add3A_68 = arith.constant 53248 : i32
    %add3A_69 = arith.addi %mul3A_67, %add3A_68 : i32
    "tpu.region"() ({
      %run_scoped3A = tpu.sem_alloc : memref<!tpu.dma_semaphore, #tpu.memory_space<semaphore_mem>>
      %dma_start3A = tpu.memref_slice %arg10[%add3A_69] : memref<1048576xf32, #tpu.memory_space<vmem_shared>> -> memref<4096xf32, #tpu.memory_space<vmem_shared>>
      %dma_start3A_179 = tpu.memref_slice %arg10[%add3A_69] : memref<1048576xf32, #tpu.memory_space<vmem_shared>> -> memref<4096xf32, #tpu.memory_space<vmem_shared>>
      tpu.enqueue_dma source(%arg9 : memref<4096xf32, #tpu.memory_space<vmem>>) target(%dma_start3A_179 : memref<4096xf32, #tpu.memory_space<vmem_shared>>) target_semaphore(%run_scoped3A : memref<!tpu.dma_semaphore, #tpu.memory_space<semaphore_mem>>)
      %dma_wait3A = tpu.memref_slice %arg10[%add3A_69] : memref<1048576xf32, #tpu.memory_space<vmem_shared>> -> memref<4096xf32, #tpu.memory_space<vmem_shared>>
      %dma_wait3A_180 = tpu.memref_slice %arg10[%add3A_69] : memref<1048576xf32, #tpu.memory_space<vmem_shared>> -> memref<4096xf32, #tpu.memory_space<vmem_shared>>
      tpu.wait_dma2 semaphore(%run_scoped3A : memref<!tpu.dma_semaphore, #tpu.memory_space<semaphore_mem>>) src(%arg9 : memref<4096xf32, #tpu.memory_space<vmem>>) dst(%dma_wait3A_180 : memref<4096xf32, #tpu.memory_space<vmem_shared>>)
      tpu.yield
    }) : () -> ()
    %mul3A_70 = arith.constant 65536 : i32
    %mul3A_71 = arith.muli %arg1, %mul3A_70 : i32
    %add3A_72 = arith.constant 57344 : i32
    %add3A_73 = arith.addi %mul3A_71, %add3A_72 : i32
    "tpu.region"() ({
      %run_scoped3A = tpu.sem_alloc : memref<!tpu.dma_semaphore, #tpu.memory_space<semaphore_mem>>
      %dma_start3A = tpu.memref_slice %arg10[%add3A_73] : memref<1048576xf32, #tpu.memory_space<vmem_shared>> -> memref<4096xf32, #tpu.memory_space<vmem_shared>>
      %dma_start3A_179 = tpu.memref_slice %arg10[%add3A_73] : memref<1048576xf32, #tpu.memory_space<vmem_shared>> -> memref<4096xf32, #tpu.memory_space<vmem_shared>>
      tpu.enqueue_dma source(%arg9 : memref<4096xf32, #tpu.memory_space<vmem>>) target(%dma_start3A_179 : memref<4096xf32, #tpu.memory_space<vmem_shared>>) target_semaphore(%run_scoped3A : memref<!tpu.dma_semaphore, #tpu.memory_space<semaphore_mem>>)
      %dma_wait3A = tpu.memref_slice %arg10[%add3A_73] : memref<1048576xf32, #tpu.memory_space<vmem_shared>> -> memref<4096xf32, #tpu.memory_space<vmem_shared>>
      %dma_wait3A_180 = tpu.memref_slice %arg10[%add3A_73] : memref<1048576xf32, #tpu.memory_space<vmem_shared>> -> memref<4096xf32, #tpu.memory_space<vmem_shared>>
      tpu.wait_dma2 semaphore(%run_scoped3A : memref<!tpu.dma_semaphore, #tpu.memory_space<semaphore_mem>>) src(%arg9 : memref<4096xf32, #tpu.memory_space<vmem>>) dst(%dma_wait3A_180 : memref<4096xf32, #tpu.memory_space<vmem_shared>>)
      tpu.yield
    }) : () -> ()
    %mul3A_74 = arith.constant 65536 : i32
    %mul3A_75 = arith.muli %arg1, %mul3A_74 : i32
    %add3A_76 = arith.constant 61440 : i32
    %add3A_77 = arith.addi %mul3A_75, %add3A_76 : i32
    "tpu.region"() ({
      %run_scoped3A = tpu.sem_alloc : memref<!tpu.dma_semaphore, #tpu.memory_space<semaphore_mem>>
      %dma_start3A = tpu.memref_slice %arg10[%add3A_77] : memref<1048576xf32, #tpu.memory_space<vmem_shared>> -> memref<4096xf32, #tpu.memory_space<vmem_shared>>
      %dma_start3A_179 = tpu.memref_slice %arg10[%add3A_77] : memref<1048576xf32, #tpu.memory_space<vmem_shared>> -> memref<4096xf32, #tpu.memory_space<vmem_shared>>
      tpu.enqueue_dma source(%arg9 : memref<4096xf32, #tpu.memory_space<vmem>>) target(%dma_start3A_179 : memref<4096xf32, #tpu.memory_space<vmem_shared>>) target_semaphore(%run_scoped3A : memref<!tpu.dma_semaphore, #tpu.memory_space<semaphore_mem>>)
      %dma_wait3A = tpu.memref_slice %arg10[%add3A_77] : memref<1048576xf32, #tpu.memory_space<vmem_shared>> -> memref<4096xf32, #tpu.memory_space<vmem_shared>>
      %dma_wait3A_180 = tpu.memref_slice %arg10[%add3A_77] : memref<1048576xf32, #tpu.memory_space<vmem_shared>> -> memref<4096xf32, #tpu.memory_space<vmem_shared>>
      tpu.wait_dma2 semaphore(%run_scoped3A : memref<!tpu.dma_semaphore, #tpu.memory_space<semaphore_mem>>) src(%arg9 : memref<4096xf32, #tpu.memory_space<vmem>>) dst(%dma_wait3A_180 : memref<4096xf32, #tpu.memory_space<vmem_shared>>)
      tpu.yield
    }) : () -> ()
    %barrier3A = arith.constant 0 : index
    tpu.barrier barrier_id(%barrier3A)
    %scan3A_78 = arith.constant 0 : i32
    %scan3A_79 = arith.constant 0 : i32
    %scan3A_80 = arith.constant 32 : i32
    %scan3A_81 = arith.addi %scan3A_79, %scan3A_80 : i32
    %scan3A_82 = arith.constant 1 : i32
    scf.for %scan3A_179 = %scan3A_79 to %scan3A_81 step %scan3A_82  : i32 {
      %mul3A_180 = arith.constant 128 : i32
      %mul3A_181 = arith.muli %scan3A_179, %mul3A_180 : i32
      %add3A_182 = arith.constant 0 : i32
      %add3A_183 = arith.addi %mul3A_181, %add3A_182 : i32
      %get3A = arith.index_cast %add3A_183 : i32 to index
      %get3A_184 = tpu.vector_load %arg5[%get3A] {strides = array<i32>} : memref<4096xi32, #tpu.memory_space<vmem>>, vector<16xi32>,
      %get3A_185 = vector.shape_cast %get3A_184 : vector<16xi32> to vector<16xi32>
      %get3A_186 = arith.index_cast %add3A_183 : i32 to index
      %get3A_187 = tpu.vector_load %arg6[%get3A_186] {strides = array<i32>} : memref<4096xi32, #tpu.memory_space<vmem>>, vector<16xi32>,
      %get3A_188 = vector.shape_cast %get3A_187 : vector<16xi32> to vector<16xi32>
      %sub3A = vector.broadcast %mul3A_13 : i32 to vector<16xi32>
      %sub3A_189 = arith.subi %get3A_185, %sub3A : vector<16xi32>
      %ge3A = arith.constant 0 : i32
      %ge3A_190 = vector.broadcast %ge3A : i32 to vector<16xi32>
      %ge3A_191 = arith.cmpi sge, %sub3A_189, %ge3A_190 : vector<16xi32>
      %lt3A = arith.constant 512 : i32
      %lt3A_192 = vector.broadcast %lt3A : i32 to vector<16xi32>
      %lt3A_193 = arith.cmpi slt, %sub3A_189, %lt3A_192 : vector<16xi32>
      %and3A = arith.andi %ge3A_191, %lt3A_193 : vector<16xi1>
      %shift_left3A = arith.constant 11 : i32
      %shift_left3A_194 = vector.broadcast %shift_left3A : i32 to vector<16xi32>
      %shift_left3A_195 = arith.shli %sub3A_189, %shift_left3A_194 : vector<16xi32>
      %add3A_196 = arith.addi %shift_left3A_195, %get3A_188 : vector<16xi32>
      %mul3A_197 = arith.constant 2048 : i32
      %mul3A_198 = vector.broadcast %mul3A_197 : i32 to vector<16xi32>
      %mul3A_199 = arith.muli %iota3A, %mul3A_198 : vector<16xi32>
      %mul3A_200 = arith.constant 16 : i32
      %mul3A_201 = arith.muli %arg1, %mul3A_200 : i32
      %add3A_202 = vector.broadcast %mul3A_201 : i32 to vector<16xi32>
      %add3A_203 = arith.addi %mul3A_199, %add3A_202 : vector<16xi32>
      %select_n3A = arith.select %and3A, %add3A_196, %add3A_203 : vector<16xi1>, vector<16xi32>
      %select_n3A_204 = arith.select %and3A, %broadcast_in_dim3A_2, %broadcast_in_dim3A_0 : vector<16xi1>, vector<16xf32>
      %swap3A = arith.constant 0 : index
      %swap3A_205 = tpu.vector_load %arg7[%swap3A] {strides = array<i32>} : memref<128xi32, #tpu.memory_space<vmem>>, vector<16xi32>,
      %swap3A_206 = vector.shape_cast %swap3A_205 : vector<16xi32> to vector<16xi32>
      %swap3A_207 = vector.shape_cast %select_n3A : vector<16xi32> to vector<16xi32>
      tpu.vector_store %arg7[%swap3A], %swap3A_207 {strides = array<i32>} : memref<128xi32, #tpu.memory_space<vmem>>, vector<16xi32>,
      %swap3A_208 = arith.constant 0 : index
      %swap3A_209 = tpu.vector_load %arg8[%swap3A_208] {strides = array<i32>} : memref<128xf32, #tpu.memory_space<vmem>>, vector<16xf32>,
      %swap3A_210 = vector.shape_cast %swap3A_209 : vector<16xf32> to vector<16xf32>
      %swap3A_211 = vector.shape_cast %select_n3A_204 : vector<16xf32> to vector<16xf32>
      tpu.vector_store %arg8[%swap3A_208], %swap3A_211 {strides = array<i32>} : memref<128xf32, #tpu.memory_space<vmem>>, vector<16xf32>,
      %mul3A_212 = arith.constant 128 : i32
      %mul3A_213 = arith.muli %scan3A_179, %mul3A_212 : i32
      %add3A_214 = arith.constant 16 : i32
      %add3A_215 = arith.addi %mul3A_213, %add3A_214 : i32
      %get3A_216 = arith.index_cast %add3A_215 : i32 to index
      %get3A_217 = tpu.vector_load %arg5[%get3A_216] {strides = array<i32>} : memref<4096xi32, #tpu.memory_space<vmem>>, vector<16xi32>,
      %get3A_218 = vector.shape_cast %get3A_217 : vector<16xi32> to vector<16xi32>
      %get3A_219 = arith.index_cast %add3A_215 : i32 to index
      %get3A_220 = tpu.vector_load %arg6[%get3A_219] {strides = array<i32>} : memref<4096xi32, #tpu.memory_space<vmem>>, vector<16xi32>,
      %get3A_221 = vector.shape_cast %get3A_220 : vector<16xi32> to vector<16xi32>
      %sub3A_222 = vector.broadcast %mul3A_13 : i32 to vector<16xi32>
      %sub3A_223 = arith.subi %get3A_218, %sub3A_222 : vector<16xi32>
      %ge3A_224 = arith.constant 0 : i32
      %ge3A_225 = vector.broadcast %ge3A_224 : i32 to vector<16xi32>
      %ge3A_226 = arith.cmpi sge, %sub3A_223, %ge3A_225 : vector<16xi32>
      %lt3A_227 = arith.constant 512 : i32
      %lt3A_228 = vector.broadcast %lt3A_227 : i32 to vector<16xi32>
      %lt3A_229 = arith.cmpi slt, %sub3A_223, %lt3A_228 : vector<16xi32>
      %and3A_230 = arith.andi %ge3A_226, %lt3A_229 : vector<16xi1>
      %shift_left3A_231 = arith.constant 11 : i32
      %shift_left3A_232 = vector.broadcast %shift_left3A_231 : i32 to vector<16xi32>
      %shift_left3A_233 = arith.shli %sub3A_223, %shift_left3A_232 : vector<16xi32>
      %add3A_234 = arith.addi %shift_left3A_233, %get3A_221 : vector<16xi32>
      %mul3A_235 = arith.constant 2048 : i32
      %mul3A_236 = vector.broadcast %mul3A_235 : i32 to vector<16xi32>
      %mul3A_237 = arith.muli %iota3A, %mul3A_236 : vector<16xi32>
      %mul3A_238 = arith.constant 16 : i32
      %mul3A_239 = arith.muli %arg1, %mul3A_238 : i32
      %add3A_240 = vector.broadcast %mul3A_239 : i32 to vector<16xi32>
      %add3A_241 = arith.addi %mul3A_237, %add3A_240 : vector<16xi32>
      %select_n3A_242 = arith.select %and3A_230, %add3A_234, %add3A_241 : vector<16xi1>, vector<16xi32>
      %select_n3A_243 = arith.select %and3A_230, %broadcast_in_dim3A_2, %broadcast_in_dim3A_0 : vector<16xi1>, vector<16xf32>
      %swap3A_244 = arith.constant 16 : index
      %swap3A_245 = tpu.vector_load %arg7[%swap3A_244] {strides = array<i32>} : memref<128xi32, #tpu.memory_space<vmem>>, vector<16xi32>,
      %swap3A_246 = vector.shape_cast %swap3A_245 : vector<16xi32> to vector<16xi32>
      %swap3A_247 = vector.shape_cast %select_n3A_242 : vector<16xi32> to vector<16xi32>
      tpu.vector_store %arg7[%swap3A_244], %swap3A_247 {strides = array<i32>} : memref<128xi32, #tpu.memory_space<vmem>>, vector<16xi32>,
      %swap3A_248 = arith.constant 16 : index
      %swap3A_249 = tpu.vector_load %arg8[%swap3A_248] {strides = array<i32>} : memref<128xf32, #tpu.memory_space<vmem>>, vector<16xf32>,
      %swap3A_250 = vector.shape_cast %swap3A_249 : vector<16xf32> to vector<16xf32>
      %swap3A_251 = vector.shape_cast %select_n3A_243 : vector<16xf32> to vector<16xf32>
      tpu.vector_store %arg8[%swap3A_248], %swap3A_251 {strides = array<i32>} : memref<128xf32, #tpu.memory_space<vmem>>, vector<16xf32>,
      %mul3A_252 = arith.constant 128 : i32
      %mul3A_253 = arith.muli %scan3A_179, %mul3A_252 : i32
      %add3A_254 = arith.constant 32 : i32
      %add3A_255 = arith.addi %mul3A_253, %add3A_254 : i32
      %get3A_256 = arith.index_cast %add3A_255 : i32 to index
      %get3A_257 = tpu.vector_load %arg5[%get3A_256] {strides = array<i32>} : memref<4096xi32, #tpu.memory_space<vmem>>, vector<16xi32>,
      %get3A_258 = vector.shape_cast %get3A_257 : vector<16xi32> to vector<16xi32>
      %get3A_259 = arith.index_cast %add3A_255 : i32 to index
      %get3A_260 = tpu.vector_load %arg6[%get3A_259] {strides = array<i32>} : memref<4096xi32, #tpu.memory_space<vmem>>, vector<16xi32>,
      %get3A_261 = vector.shape_cast %get3A_260 : vector<16xi32> to vector<16xi32>
      %sub3A_262 = vector.broadcast %mul3A_13 : i32 to vector<16xi32>
      %sub3A_263 = arith.subi %get3A_258, %sub3A_262 : vector<16xi32>
      %ge3A_264 = arith.constant 0 : i32
      %ge3A_265 = vector.broadcast %ge3A_264 : i32 to vector<16xi32>
      %ge3A_266 = arith.cmpi sge, %sub3A_263, %ge3A_265 : vector<16xi32>
      %lt3A_267 = arith.constant 512 : i32
      %lt3A_268 = vector.broadcast %lt3A_267 : i32 to vector<16xi32>
      %lt3A_269 = arith.cmpi slt, %sub3A_263, %lt3A_268 : vector<16xi32>
      %and3A_270 = arith.andi %ge3A_266, %lt3A_269 : vector<16xi1>
      %shift_left3A_271 = arith.constant 11 : i32
      %shift_left3A_272 = vector.broadcast %shift_left3A_271 : i32 to vector<16xi32>
      %shift_left3A_273 = arith.shli %sub3A_263, %shift_left3A_272 : vector<16xi32>
      %add3A_274 = arith.addi %shift_left3A_273, %get3A_261 : vector<16xi32>
      %mul3A_275 = arith.constant 2048 : i32
      %mul3A_276 = vector.broadcast %mul3A_275 : i32 to vector<16xi32>
      %mul3A_277 = arith.muli %iota3A, %mul3A_276 : vector<16xi32>
      %mul3A_278 = arith.constant 16 : i32
      %mul3A_279 = arith.muli %arg1, %mul3A_278 : i32
      %add3A_280 = vector.broadcast %mul3A_279 : i32 to vector<16xi32>
      %add3A_281 = arith.addi %mul3A_277, %add3A_280 : vector<16xi32>
      %select_n3A_282 = arith.select %and3A_270, %add3A_274, %add3A_281 : vector<16xi1>, vector<16xi32>
      %select_n3A_283 = arith.select %and3A_270, %broadcast_in_dim3A_2, %broadcast_in_dim3A_0 : vector<16xi1>, vector<16xf32>
      %swap3A_284 = arith.constant 32 : index
      %swap3A_285 = tpu.vector_load %arg7[%swap3A_284] {strides = array<i32>} : memref<128xi32, #tpu.memory_space<vmem>>, vector<16xi32>,
      %swap3A_286 = vector.shape_cast %swap3A_285 : vector<16xi32> to vector<16xi32>
      %swap3A_287 = vector.shape_cast %select_n3A_282 : vector<16xi32> to vector<16xi32>
      tpu.vector_store %arg7[%swap3A_284], %swap3A_287 {strides = array<i32>} : memref<128xi32, #tpu.memory_space<vmem>>, vector<16xi32>,
      %swap3A_288 = arith.constant 32 : index
      %swap3A_289 = tpu.vector_load %arg8[%swap3A_288] {strides = array<i32>} : memref<128xf32, #tpu.memory_space<vmem>>, vector<16xf32>,
      %swap3A_290 = vector.shape_cast %swap3A_289 : vector<16xf32> to vector<16xf32>
      %swap3A_291 = vector.shape_cast %select_n3A_283 : vector<16xf32> to vector<16xf32>
      tpu.vector_store %arg8[%swap3A_288], %swap3A_291 {strides = array<i32>} : memref<128xf32, #tpu.memory_space<vmem>>, vector<16xf32>,
      %mul3A_292 = arith.constant 128 : i32
      %mul3A_293 = arith.muli %scan3A_179, %mul3A_292 : i32
      %add3A_294 = arith.constant 48 : i32
      %add3A_295 = arith.addi %mul3A_293, %add3A_294 : i32
      %get3A_296 = arith.index_cast %add3A_295 : i32 to index
      %get3A_297 = tpu.vector_load %arg5[%get3A_296] {strides = array<i32>} : memref<4096xi32, #tpu.memory_space<vmem>>, vector<16xi32>,
      %get3A_298 = vector.shape_cast %get3A_297 : vector<16xi32> to vector<16xi32>
      %get3A_299 = arith.index_cast %add3A_295 : i32 to index
      %get3A_300 = tpu.vector_load %arg6[%get3A_299] {strides = array<i32>} : memref<4096xi32, #tpu.memory_space<vmem>>, vector<16xi32>,
      %get3A_301 = vector.shape_cast %get3A_300 : vector<16xi32> to vector<16xi32>
      %sub3A_302 = vector.broadcast %mul3A_13 : i32 to vector<16xi32>
      %sub3A_303 = arith.subi %get3A_298, %sub3A_302 : vector<16xi32>
      %ge3A_304 = arith.constant 0 : i32
      %ge3A_305 = vector.broadcast %ge3A_304 : i32 to vector<16xi32>
      %ge3A_306 = arith.cmpi sge, %sub3A_303, %ge3A_305 : vector<16xi32>
      %lt3A_307 = arith.constant 512 : i32
      %lt3A_308 = vector.broadcast %lt3A_307 : i32 to vector<16xi32>
      %lt3A_309 = arith.cmpi slt, %sub3A_303, %lt3A_308 : vector<16xi32>
      %and3A_310 = arith.andi %ge3A_306, %lt3A_309 : vector<16xi1>
      %shift_left3A_311 = arith.constant 11 : i32
      %shift_left3A_312 = vector.broadcast %shift_left3A_311 : i32 to vector<16xi32>
      %shift_left3A_313 = arith.shli %sub3A_303, %shift_left3A_312 : vector<16xi32>
      %add3A_314 = arith.addi %shift_left3A_313, %get3A_301 : vector<16xi32>
      %mul3A_315 = arith.constant 2048 : i32
      %mul3A_316 = vector.broadcast %mul3A_315 : i32 to vector<16xi32>
      %mul3A_317 = arith.muli %iota3A, %mul3A_316 : vector<16xi32>
      %mul3A_318 = arith.constant 16 : i32
      %mul3A_319 = arith.muli %arg1, %mul3A_318 : i32
      %add3A_320 = vector.broadcast %mul3A_319 : i32 to vector<16xi32>
      %add3A_321 = arith.addi %mul3A_317, %add3A_320 : vector<16xi32>
      %select_n3A_322 = arith.select %and3A_310, %add3A_314, %add3A_321 : vector<16xi1>, vector<16xi32>
      %select_n3A_323 = arith.select %and3A_310, %broadcast_in_dim3A_2, %broadcast_in_dim3A_0 : vector<16xi1>, vector<16xf32>
      %swap3A_324 = arith.constant 48 : index
      %swap3A_325 = tpu.vector_load %arg7[%swap3A_324] {strides = array<i32>} : memref<128xi32, #tpu.memory_space<vmem>>, vector<16xi32>,
      %swap3A_326 = vector.shape_cast %swap3A_325 : vector<16xi32> to vector<16xi32>
      %swap3A_327 = vector.shape_cast %select_n3A_322 : vector<16xi32> to vector<16xi32>
      tpu.vector_store %arg7[%swap3A_324], %swap3A_327 {strides = array<i32>} : memref<128xi32, #tpu.memory_space<vmem>>, vector<16xi32>,
      %swap3A_328 = arith.constant 48 : index
      %swap3A_329 = tpu.vector_load %arg8[%swap3A_328] {strides = array<i32>} : memref<128xf32, #tpu.memory_space<vmem>>, vector<16xf32>,
      %swap3A_330 = vector.shape_cast %swap3A_329 : vector<16xf32> to vector<16xf32>
      %swap3A_331 = vector.shape_cast %select_n3A_323 : vector<16xf32> to vector<16xf32>
      tpu.vector_store %arg8[%swap3A_328], %swap3A_331 {strides = array<i32>} : memref<128xf32, #tpu.memory_space<vmem>>, vector<16xf32>,
      %mul3A_332 = arith.constant 128 : i32
      %mul3A_333 = arith.muli %scan3A_179, %mul3A_332 : i32
      %add3A_334 = arith.constant 64 : i32
      %add3A_335 = arith.addi %mul3A_333, %add3A_334 : i32
      %get3A_336 = arith.index_cast %add3A_335 : i32 to index
      %get3A_337 = tpu.vector_load %arg5[%get3A_336] {strides = array<i32>} : memref<4096xi32, #tpu.memory_space<vmem>>, vector<16xi32>,
      %get3A_338 = vector.shape_cast %get3A_337 : vector<16xi32> to vector<16xi32>
      %get3A_339 = arith.index_cast %add3A_335 : i32 to index
      %get3A_340 = tpu.vector_load %arg6[%get3A_339] {strides = array<i32>} : memref<4096xi32, #tpu.memory_space<vmem>>, vector<16xi32>,
      %get3A_341 = vector.shape_cast %get3A_340 : vector<16xi32> to vector<16xi32>
      %sub3A_342 = vector.broadcast %mul3A_13 : i32 to vector<16xi32>
      %sub3A_343 = arith.subi %get3A_338, %sub3A_342 : vector<16xi32>
      %ge3A_344 = arith.constant 0 : i32
      %ge3A_345 = vector.broadcast %ge3A_344 : i32 to vector<16xi32>
      %ge3A_346 = arith.cmpi sge, %sub3A_343, %ge3A_345 : vector<16xi32>
      %lt3A_347 = arith.constant 512 : i32
      %lt3A_348 = vector.broadcast %lt3A_347 : i32 to vector<16xi32>
      %lt3A_349 = arith.cmpi slt, %sub3A_343, %lt3A_348 : vector<16xi32>
      %and3A_350 = arith.andi %ge3A_346, %lt3A_349 : vector<16xi1>
      %shift_left3A_351 = arith.constant 11 : i32
      %shift_left3A_352 = vector.broadcast %shift_left3A_351 : i32 to vector<16xi32>
      %shift_left3A_353 = arith.shli %sub3A_343, %shift_left3A_352 : vector<16xi32>
      %add3A_354 = arith.addi %shift_left3A_353, %get3A_341 : vector<16xi32>
      %mul3A_355 = arith.constant 2048 : i32
      %mul3A_356 = vector.broadcast %mul3A_355 : i32 to vector<16xi32>
      %mul3A_357 = arith.muli %iota3A, %mul3A_356 : vector<16xi32>
      %mul3A_358 = arith.constant 16 : i32
      %mul3A_359 = arith.muli %arg1, %mul3A_358 : i32
      %add3A_360 = vector.broadcast %mul3A_359 : i32 to vector<16xi32>
      %add3A_361 = arith.addi %mul3A_357, %add3A_360 : vector<16xi32>
      %select_n3A_362 = arith.select %and3A_350, %add3A_354, %add3A_361 : vector<16xi1>, vector<16xi32>
      %select_n3A_363 = arith.select %and3A_350, %broadcast_in_dim3A_2, %broadcast_in_dim3A_0 : vector<16xi1>, vector<16xf32>
      %swap3A_364 = arith.constant 64 : index
      %swap3A_365 = tpu.vector_load %arg7[%swap3A_364] {strides = array<i32>} : memref<128xi32, #tpu.memory_space<vmem>>, vector<16xi32>,
      %swap3A_366 = vector.shape_cast %swap3A_365 : vector<16xi32> to vector<16xi32>
      %swap3A_367 = vector.shape_cast %select_n3A_362 : vector<16xi32> to vector<16xi32>
      tpu.vector_store %arg7[%swap3A_364], %swap3A_367 {strides = array<i32>} : memref<128xi32, #tpu.memory_space<vmem>>, vector<16xi32>,
      %swap3A_368 = arith.constant 64 : index
      %swap3A_369 = tpu.vector_load %arg8[%swap3A_368] {strides = array<i32>} : memref<128xf32, #tpu.memory_space<vmem>>, vector<16xf32>,
      %swap3A_370 = vector.shape_cast %swap3A_369 : vector<16xf32> to vector<16xf32>
      %swap3A_371 = vector.shape_cast %select_n3A_363 : vector<16xf32> to vector<16xf32>
      tpu.vector_store %arg8[%swap3A_368], %swap3A_371 {strides = array<i32>} : memref<128xf32, #tpu.memory_space<vmem>>, vector<16xf32>,
      %mul3A_372 = arith.constant 128 : i32
      %mul3A_373 = arith.muli %scan3A_179, %mul3A_372 : i32
      %add3A_374 = arith.constant 80 : i32
      %add3A_375 = arith.addi %mul3A_373, %add3A_374 : i32
      %get3A_376 = arith.index_cast %add3A_375 : i32 to index
      %get3A_377 = tpu.vector_load %arg5[%get3A_376] {strides = array<i32>} : memref<4096xi32, #tpu.memory_space<vmem>>, vector<16xi32>,
      %get3A_378 = vector.shape_cast %get3A_377 : vector<16xi32> to vector<16xi32>
      %get3A_379 = arith.index_cast %add3A_375 : i32 to index
      %get3A_380 = tpu.vector_load %arg6[%get3A_379] {strides = array<i32>} : memref<4096xi32, #tpu.memory_space<vmem>>, vector<16xi32>,
      %get3A_381 = vector.shape_cast %get3A_380 : vector<16xi32> to vector<16xi32>
      %sub3A_382 = vector.broadcast %mul3A_13 : i32 to vector<16xi32>
      %sub3A_383 = arith.subi %get3A_378, %sub3A_382 : vector<16xi32>
      %ge3A_384 = arith.constant 0 : i32
      %ge3A_385 = vector.broadcast %ge3A_384 : i32 to vector<16xi32>
      %ge3A_386 = arith.cmpi sge, %sub3A_383, %ge3A_385 : vector<16xi32>
      %lt3A_387 = arith.constant 512 : i32
      %lt3A_388 = vector.broadcast %lt3A_387 : i32 to vector<16xi32>
      %lt3A_389 = arith.cmpi slt, %sub3A_383, %lt3A_388 : vector<16xi32>
      %and3A_390 = arith.andi %ge3A_386, %lt3A_389 : vector<16xi1>
      %shift_left3A_391 = arith.constant 11 : i32
      %shift_left3A_392 = vector.broadcast %shift_left3A_391 : i32 to vector<16xi32>
      %shift_left3A_393 = arith.shli %sub3A_383, %shift_left3A_392 : vector<16xi32>
      %add3A_394 = arith.addi %shift_left3A_393, %get3A_381 : vector<16xi32>
      %mul3A_395 = arith.constant 2048 : i32
      %mul3A_396 = vector.broadcast %mul3A_395 : i32 to vector<16xi32>
      %mul3A_397 = arith.muli %iota3A, %mul3A_396 : vector<16xi32>
      %mul3A_398 = arith.constant 16 : i32
      %mul3A_399 = arith.muli %arg1, %mul3A_398 : i32
      %add3A_400 = vector.broadcast %mul3A_399 : i32 to vector<16xi32>
      %add3A_401 = arith.addi %mul3A_397, %add3A_400 : vector<16xi32>
      %select_n3A_402 = arith.select %and3A_390, %add3A_394, %add3A_401 : vector<16xi1>, vector<16xi32>
      %select_n3A_403 = arith.select %and3A_390, %broadcast_in_dim3A_2, %broadcast_in_dim3A_0 : vector<16xi1>, vector<16xf32>
      %swap3A_404 = arith.constant 80 : index
      %swap3A_405 = tpu.vector_load %arg7[%swap3A_404] {strides = array<i32>} : memref<128xi32, #tpu.memory_space<vmem>>, vector<16xi32>,
      %swap3A_406 = vector.shape_cast %swap3A_405 : vector<16xi32> to vector<16xi32>
      %swap3A_407 = vector.shape_cast %select_n3A_402 : vector<16xi32> to vector<16xi32>
      tpu.vector_store %arg7[%swap3A_404], %swap3A_407 {strides = array<i32>} : memref<128xi32, #tpu.memory_space<vmem>>, vector<16xi32>,
      %swap3A_408 = arith.constant 80 : index
      %swap3A_409 = tpu.vector_load %arg8[%swap3A_408] {strides = array<i32>} : memref<128xf32, #tpu.memory_space<vmem>>, vector<16xf32>,
      %swap3A_410 = vector.shape_cast %swap3A_409 : vector<16xf32> to vector<16xf32>
      %swap3A_411 = vector.shape_cast %select_n3A_403 : vector<16xf32> to vector<16xf32>
      tpu.vector_store %arg8[%swap3A_408], %swap3A_411 {strides = array<i32>} : memref<128xf32, #tpu.memory_space<vmem>>, vector<16xf32>,
      %mul3A_412 = arith.constant 128 : i32
      %mul3A_413 = arith.muli %scan3A_179, %mul3A_412 : i32
      %add3A_414 = arith.constant 96 : i32
      %add3A_415 = arith.addi %mul3A_413, %add3A_414 : i32
      %get3A_416 = arith.index_cast %add3A_415 : i32 to index
      %get3A_417 = tpu.vector_load %arg5[%get3A_416] {strides = array<i32>} : memref<4096xi32, #tpu.memory_space<vmem>>, vector<16xi32>,
      %get3A_418 = vector.shape_cast %get3A_417 : vector<16xi32> to vector<16xi32>
      %get3A_419 = arith.index_cast %add3A_415 : i32 to index
      %get3A_420 = tpu.vector_load %arg6[%get3A_419] {strides = array<i32>} : memref<4096xi32, #tpu.memory_space<vmem>>, vector<16xi32>,
      %get3A_421 = vector.shape_cast %get3A_420 : vector<16xi32> to vector<16xi32>
      %sub3A_422 = vector.broadcast %mul3A_13 : i32 to vector<16xi32>
      %sub3A_423 = arith.subi %get3A_418, %sub3A_422 : vector<16xi32>
      %ge3A_424 = arith.constant 0 : i32
      %ge3A_425 = vector.broadcast %ge3A_424 : i32 to vector<16xi32>
      %ge3A_426 = arith.cmpi sge, %sub3A_423, %ge3A_425 : vector<16xi32>
      %lt3A_427 = arith.constant 512 : i32
      %lt3A_428 = vector.broadcast %lt3A_427 : i32 to vector<16xi32>
      %lt3A_429 = arith.cmpi slt, %sub3A_423, %lt3A_428 : vector<16xi32>
      %and3A_430 = arith.andi %ge3A_426, %lt3A_429 : vector<16xi1>
      %shift_left3A_431 = arith.constant 11 : i32
      %shift_left3A_432 = vector.broadcast %shift_left3A_431 : i32 to vector<16xi32>
      %shift_left3A_433 = arith.shli %sub3A_423, %shift_left3A_432 : vector<16xi32>
      %add3A_434 = arith.addi %shift_left3A_433, %get3A_421 : vector<16xi32>
      %mul3A_435 = arith.constant 2048 : i32
      %mul3A_436 = vector.broadcast %mul3A_435 : i32 to vector<16xi32>
      %mul3A_437 = arith.muli %iota3A, %mul3A_436 : vector<16xi32>
      %mul3A_438 = arith.constant 16 : i32
      %mul3A_439 = arith.muli %arg1, %mul3A_438 : i32
      %add3A_440 = vector.broadcast %mul3A_439 : i32 to vector<16xi32>
      %add3A_441 = arith.addi %mul3A_437, %add3A_440 : vector<16xi32>
      %select_n3A_442 = arith.select %and3A_430, %add3A_434, %add3A_441 : vector<16xi1>, vector<16xi32>
      %select_n3A_443 = arith.select %and3A_430, %broadcast_in_dim3A_2, %broadcast_in_dim3A_0 : vector<16xi1>, vector<16xf32>
      %swap3A_444 = arith.constant 96 : index
      %swap3A_445 = tpu.vector_load %arg7[%swap3A_444] {strides = array<i32>} : memref<128xi32, #tpu.memory_space<vmem>>, vector<16xi32>,
      %swap3A_446 = vector.shape_cast %swap3A_445 : vector<16xi32> to vector<16xi32>
      %swap3A_447 = vector.shape_cast %select_n3A_442 : vector<16xi32> to vector<16xi32>
      tpu.vector_store %arg7[%swap3A_444], %swap3A_447 {strides = array<i32>} : memref<128xi32, #tpu.memory_space<vmem>>, vector<16xi32>,
      %swap3A_448 = arith.constant 96 : index
      %swap3A_449 = tpu.vector_load %arg8[%swap3A_448] {strides = array<i32>} : memref<128xf32, #tpu.memory_space<vmem>>, vector<16xf32>,
      %swap3A_450 = vector.shape_cast %swap3A_449 : vector<16xf32> to vector<16xf32>
      %swap3A_451 = vector.shape_cast %select_n3A_443 : vector<16xf32> to vector<16xf32>
      tpu.vector_store %arg8[%swap3A_448], %swap3A_451 {strides = array<i32>} : memref<128xf32, #tpu.memory_space<vmem>>, vector<16xf32>,
      %mul3A_452 = arith.constant 128 : i32
      %mul3A_453 = arith.muli %scan3A_179, %mul3A_452 : i32
      %add3A_454 = arith.constant 112 : i32
      %add3A_455 = arith.addi %mul3A_453, %add3A_454 : i32
      %get3A_456 = arith.index_cast %add3A_455 : i32 to index
      %get3A_457 = tpu.vector_load %arg5[%get3A_456] {strides = array<i32>} : memref<4096xi32, #tpu.memory_space<vmem>>, vector<16xi32>,
      %get3A_458 = vector.shape_cast %get3A_457 : vector<16xi32> to vector<16xi32>
      %get3A_459 = arith.index_cast %add3A_455 : i32 to index
      %get3A_460 = tpu.vector_load %arg6[%get3A_459] {strides = array<i32>} : memref<4096xi32, #tpu.memory_space<vmem>>, vector<16xi32>,
      %get3A_461 = vector.shape_cast %get3A_460 : vector<16xi32> to vector<16xi32>
      %sub3A_462 = vector.broadcast %mul3A_13 : i32 to vector<16xi32>
      %sub3A_463 = arith.subi %get3A_458, %sub3A_462 : vector<16xi32>
      %ge3A_464 = arith.constant 0 : i32
      %ge3A_465 = vector.broadcast %ge3A_464 : i32 to vector<16xi32>
      %ge3A_466 = arith.cmpi sge, %sub3A_463, %ge3A_465 : vector<16xi32>
      %lt3A_467 = arith.constant 512 : i32
      %lt3A_468 = vector.broadcast %lt3A_467 : i32 to vector<16xi32>
      %lt3A_469 = arith.cmpi slt, %sub3A_463, %lt3A_468 : vector<16xi32>
      %and3A_470 = arith.andi %ge3A_466, %lt3A_469 : vector<16xi1>
      %shift_left3A_471 = arith.constant 11 : i32
      %shift_left3A_472 = vector.broadcast %shift_left3A_471 : i32 to vector<16xi32>
      %shift_left3A_473 = arith.shli %sub3A_463, %shift_left3A_472 : vector<16xi32>
      %add3A_474 = arith.addi %shift_left3A_473, %get3A_461 : vector<16xi32>
      %mul3A_475 = arith.constant 2048 : i32
      %mul3A_476 = vector.broadcast %mul3A_475 : i32 to vector<16xi32>
      %mul3A_477 = arith.muli %iota3A, %mul3A_476 : vector<16xi32>
      %mul3A_478 = arith.constant 16 : i32
      %mul3A_479 = arith.muli %arg1, %mul3A_478 : i32
      %add3A_480 = vector.broadcast %mul3A_479 : i32 to vector<16xi32>
      %add3A_481 = arith.addi %mul3A_477, %add3A_480 : vector<16xi32>
      %select_n3A_482 = arith.select %and3A_470, %add3A_474, %add3A_481 : vector<16xi1>, vector<16xi32>
      %select_n3A_483 = arith.select %and3A_470, %broadcast_in_dim3A_2, %broadcast_in_dim3A_0 : vector<16xi1>, vector<16xf32>
      %swap3A_484 = arith.constant 112 : index
      %swap3A_485 = tpu.vector_load %arg7[%swap3A_484] {strides = array<i32>} : memref<128xi32, #tpu.memory_space<vmem>>, vector<16xi32>,
      %swap3A_486 = vector.shape_cast %swap3A_485 : vector<16xi32> to vector<16xi32>
      %swap3A_487 = vector.shape_cast %select_n3A_482 : vector<16xi32> to vector<16xi32>
      tpu.vector_store %arg7[%swap3A_484], %swap3A_487 {strides = array<i32>} : memref<128xi32, #tpu.memory_space<vmem>>, vector<16xi32>,
      %swap3A_488 = arith.constant 112 : index
      %swap3A_489 = tpu.vector_load %arg8[%swap3A_488] {strides = array<i32>} : memref<128xf32, #tpu.memory_space<vmem>>, vector<16xf32>,
      %swap3A_490 = vector.shape_cast %swap3A_489 : vector<16xf32> to vector<16xf32>
      %swap3A_491 = vector.shape_cast %select_n3A_483 : vector<16xf32> to vector<16xf32>
      tpu.vector_store %arg8[%swap3A_488], %swap3A_491 {strides = array<i32>} : memref<128xf32, #tpu.memory_space<vmem>>, vector<16xf32>,
      "tpu.region"() ({
        %run_scoped3A = tpu.sem_alloc : memref<!tpu.dma_semaphore, #tpu.memory_space<semaphore_mem>>
        %dma_start3A = arith.constant 0 : i32
        %dma_start3A_492 = tpu.memref_slice %arg10[%dma_start3A] : memref<1048576xf32, #tpu.memory_space<vmem_shared>> -> memref<1048576xf32, #tpu.memory_space<vmem_shared>>
        tpu.enqueue_indirect_dma source(%arg8 : memref<128xf32, #tpu.memory_space<vmem>>) target(%dma_start3A_492 : memref<1048576xf32, #tpu.memory_space<vmem_shared>>) offsets(%arg7 : memref<128xi32, #tpu.memory_space<vmem>>) semaphore(%run_scoped3A : memref<!tpu.dma_semaphore, #tpu.memory_space<semaphore_mem>>) {add = true}
        %dma_wait3A = arith.constant 0 : i32
        %dma_wait3A_493 = tpu.memref_slice %arg10[%dma_wait3A] : memref<1048576xf32, #tpu.memory_space<vmem_shared>> -> memref<1048576xf32, #tpu.memory_space<vmem_shared>>
        tpu.wait_indirect_dma semaphore(%run_scoped3A : memref<!tpu.dma_semaphore, #tpu.memory_space<semaphore_mem>>) src(%arg8 : memref<128xf32, #tpu.memory_space<vmem>>) dst(%dma_wait3A_493 : memref<1048576xf32, #tpu.memory_space<vmem_shared>>)
        tpu.yield
      }) : () -> ()
    }
    %scan3A_83 = arith.constant 32 : i32
    %barrier3A_84 = arith.constant 0 : index
    tpu.barrier barrier_id(%barrier3A_84)
    %mul3A_85 = arith.constant 65536 : i32
    %mul3A_86 = arith.muli %arg1, %mul3A_85 : i32
    %mul3A_87 = arith.constant 2048 : i32
    %mul3A_88 = arith.muli %mul3A_13, %mul3A_87 : i32
    %mul3A_89 = arith.constant 65536 : i32
    %mul3A_90 = arith.muli %arg1, %mul3A_89 : i32
    %add3A_91 = arith.addi %mul3A_88, %mul3A_90 : i32
    "tpu.region"() ({
      %run_scoped3A = tpu.sem_alloc : memref<!tpu.dma_semaphore, #tpu.memory_space<semaphore_mem>>
      %dma_start3A = tpu.memref_slice %arg4[%add3A_91] : memref<4194304xf32, #tpu.memory_space<hbm>> -> memref<65536xf32, #tpu.memory_space<hbm>>
      %dma_start3A_179 = tpu.memref_slice %arg10[%mul3A_86] : memref<1048576xf32, #tpu.memory_space<vmem_shared>> -> memref<65536xf32, #tpu.memory_space<vmem_shared>>
      tpu.enqueue_dma source(%dma_start3A_179 : memref<65536xf32, #tpu.memory_space<vmem_shared>>) target(%dma_start3A : memref<65536xf32, #tpu.memory_space<hbm>>) target_semaphore(%run_scoped3A : memref<!tpu.dma_semaphore, #tpu.memory_space<semaphore_mem>>)
      %dma_wait3A = tpu.memref_slice %arg4[%add3A_91] : memref<4194304xf32, #tpu.memory_space<hbm>> -> memref<65536xf32, #tpu.memory_space<hbm>>
      %dma_wait3A_180 = tpu.memref_slice %arg10[%mul3A_86] : memref<1048576xf32, #tpu.memory_space<vmem_shared>> -> memref<65536xf32, #tpu.memory_space<vmem_shared>>
      tpu.wait_dma2 semaphore(%run_scoped3A : memref<!tpu.dma_semaphore, #tpu.memory_space<semaphore_mem>>) src(%dma_wait3A_180 : memref<65536xf32, #tpu.memory_space<vmem_shared>>) dst(%dma_wait3A : memref<65536xf32, #tpu.memory_space<hbm>>)
      tpu.yield
    }) : () -> ()
    %barrier3A_92 = arith.constant 0 : index
    tpu.barrier barrier_id(%barrier3A_92)
    %mul3A_93 = arith.constant 2 : i32
    %mul3A_94 = arith.muli %arg0, %mul3A_93 : i32
    %add3A_95 = arith.constant 1 : i32
    %add3A_96 = arith.addi %mul3A_94, %add3A_95 : i32
    %mul3A_97 = arith.constant 512 : i32
    %mul3A_98 = arith.muli %add3A_96, %mul3A_97 : i32
    %mul3A_99 = arith.constant 65536 : i32
    %mul3A_100 = arith.muli %arg1, %mul3A_99 : i32
    %add3A_101 = arith.constant 0 : i32
    %add3A_102 = arith.addi %mul3A_100, %add3A_101 : i32
    "tpu.region"() ({
      %run_scoped3A = tpu.sem_alloc : memref<!tpu.dma_semaphore, #tpu.memory_space<semaphore_mem>>
      %dma_start3A = tpu.memref_slice %arg10[%add3A_102] : memref<1048576xf32, #tpu.memory_space<vmem_shared>> -> memref<4096xf32, #tpu.memory_space<vmem_shared>>
      %dma_start3A_179 = tpu.memref_slice %arg10[%add3A_102] : memref<1048576xf32, #tpu.memory_space<vmem_shared>> -> memref<4096xf32, #tpu.memory_space<vmem_shared>>
      tpu.enqueue_dma source(%arg9 : memref<4096xf32, #tpu.memory_space<vmem>>) target(%dma_start3A_179 : memref<4096xf32, #tpu.memory_space<vmem_shared>>) target_semaphore(%run_scoped3A : memref<!tpu.dma_semaphore, #tpu.memory_space<semaphore_mem>>)
      %dma_wait3A = tpu.memref_slice %arg10[%add3A_102] : memref<1048576xf32, #tpu.memory_space<vmem_shared>> -> memref<4096xf32, #tpu.memory_space<vmem_shared>>
      %dma_wait3A_180 = tpu.memref_slice %arg10[%add3A_102] : memref<1048576xf32, #tpu.memory_space<vmem_shared>> -> memref<4096xf32, #tpu.memory_space<vmem_shared>>
      tpu.wait_dma2 semaphore(%run_scoped3A : memref<!tpu.dma_semaphore, #tpu.memory_space<semaphore_mem>>) src(%arg9 : memref<4096xf32, #tpu.memory_space<vmem>>) dst(%dma_wait3A_180 : memref<4096xf32, #tpu.memory_space<vmem_shared>>)
      tpu.yield
    }) : () -> ()
    %mul3A_103 = arith.constant 65536 : i32
    %mul3A_104 = arith.muli %arg1, %mul3A_103 : i32
    %add3A_105 = arith.constant 4096 : i32
    %add3A_106 = arith.addi %mul3A_104, %add3A_105 : i32
    "tpu.region"() ({
      %run_scoped3A = tpu.sem_alloc : memref<!tpu.dma_semaphore, #tpu.memory_space<semaphore_mem>>
      %dma_start3A = tpu.memref_slice %arg10[%add3A_106] : memref<1048576xf32, #tpu.memory_space<vmem_shared>> -> memref<4096xf32, #tpu.memory_space<vmem_shared>>
      %dma_start3A_179 = tpu.memref_slice %arg10[%add3A_106] : memref<1048576xf32, #tpu.memory_space<vmem_shared>> -> memref<4096xf32, #tpu.memory_space<vmem_shared>>
      tpu.enqueue_dma source(%arg9 : memref<4096xf32, #tpu.memory_space<vmem>>) target(%dma_start3A_179 : memref<4096xf32, #tpu.memory_space<vmem_shared>>) target_semaphore(%run_scoped3A : memref<!tpu.dma_semaphore, #tpu.memory_space<semaphore_mem>>)
      %dma_wait3A = tpu.memref_slice %arg10[%add3A_106] : memref<1048576xf32, #tpu.memory_space<vmem_shared>> -> memref<4096xf32, #tpu.memory_space<vmem_shared>>
      %dma_wait3A_180 = tpu.memref_slice %arg10[%add3A_106] : memref<1048576xf32, #tpu.memory_space<vmem_shared>> -> memref<4096xf32, #tpu.memory_space<vmem_shared>>
      tpu.wait_dma2 semaphore(%run_scoped3A : memref<!tpu.dma_semaphore, #tpu.memory_space<semaphore_mem>>) src(%arg9 : memref<4096xf32, #tpu.memory_space<vmem>>) dst(%dma_wait3A_180 : memref<4096xf32, #tpu.memory_space<vmem_shared>>)
      tpu.yield
    }) : () -> ()
    %mul3A_107 = arith.constant 65536 : i32
    %mul3A_108 = arith.muli %arg1, %mul3A_107 : i32
    %add3A_109 = arith.constant 8192 : i32
    %add3A_110 = arith.addi %mul3A_108, %add3A_109 : i32
    "tpu.region"() ({
      %run_scoped3A = tpu.sem_alloc : memref<!tpu.dma_semaphore, #tpu.memory_space<semaphore_mem>>
      %dma_start3A = tpu.memref_slice %arg10[%add3A_110] : memref<1048576xf32, #tpu.memory_space<vmem_shared>> -> memref<4096xf32, #tpu.memory_space<vmem_shared>>
      %dma_start3A_179 = tpu.memref_slice %arg10[%add3A_110] : memref<1048576xf32, #tpu.memory_space<vmem_shared>> -> memref<4096xf32, #tpu.memory_space<vmem_shared>>
      tpu.enqueue_dma source(%arg9 : memref<4096xf32, #tpu.memory_space<vmem>>) target(%dma_start3A_179 : memref<4096xf32, #tpu.memory_space<vmem_shared>>) target_semaphore(%run_scoped3A : memref<!tpu.dma_semaphore, #tpu.memory_space<semaphore_mem>>)
      %dma_wait3A = tpu.memref_slice %arg10[%add3A_110] : memref<1048576xf32, #tpu.memory_space<vmem_shared>> -> memref<4096xf32, #tpu.memory_space<vmem_shared>>
      %dma_wait3A_180 = tpu.memref_slice %arg10[%add3A_110] : memref<1048576xf32, #tpu.memory_space<vmem_shared>> -> memref<4096xf32, #tpu.memory_space<vmem_shared>>
      tpu.wait_dma2 semaphore(%run_scoped3A : memref<!tpu.dma_semaphore, #tpu.memory_space<semaphore_mem>>) src(%arg9 : memref<4096xf32, #tpu.memory_space<vmem>>) dst(%dma_wait3A_180 : memref<4096xf32, #tpu.memory_space<vmem_shared>>)
      tpu.yield
    }) : () -> ()
    %mul3A_111 = arith.constant 65536 : i32
    %mul3A_112 = arith.muli %arg1, %mul3A_111 : i32
    %add3A_113 = arith.constant 12288 : i32
    %add3A_114 = arith.addi %mul3A_112, %add3A_113 : i32
    "tpu.region"() ({
      %run_scoped3A = tpu.sem_alloc : memref<!tpu.dma_semaphore, #tpu.memory_space<semaphore_mem>>
      %dma_start3A = tpu.memref_slice %arg10[%add3A_114] : memref<1048576xf32, #tpu.memory_space<vmem_shared>> -> memref<4096xf32, #tpu.memory_space<vmem_shared>>
      %dma_start3A_179 = tpu.memref_slice %arg10[%add3A_114] : memref<1048576xf32, #tpu.memory_space<vmem_shared>> -> memref<4096xf32, #tpu.memory_space<vmem_shared>>
      tpu.enqueue_dma source(%arg9 : memref<4096xf32, #tpu.memory_space<vmem>>) target(%dma_start3A_179 : memref<4096xf32, #tpu.memory_space<vmem_shared>>) target_semaphore(%run_scoped3A : memref<!tpu.dma_semaphore, #tpu.memory_space<semaphore_mem>>)
      %dma_wait3A = tpu.memref_slice %arg10[%add3A_114] : memref<1048576xf32, #tpu.memory_space<vmem_shared>> -> memref<4096xf32, #tpu.memory_space<vmem_shared>>
      %dma_wait3A_180 = tpu.memref_slice %arg10[%add3A_114] : memref<1048576xf32, #tpu.memory_space<vmem_shared>> -> memref<4096xf32, #tpu.memory_space<vmem_shared>>
      tpu.wait_dma2 semaphore(%run_scoped3A : memref<!tpu.dma_semaphore, #tpu.memory_space<semaphore_mem>>) src(%arg9 : memref<4096xf32, #tpu.memory_space<vmem>>) dst(%dma_wait3A_180 : memref<4096xf32, #tpu.memory_space<vmem_shared>>)
      tpu.yield
    }) : () -> ()
    %mul3A_115 = arith.constant 65536 : i32
    %mul3A_116 = arith.muli %arg1, %mul3A_115 : i32
    %add3A_117 = arith.constant 16384 : i32
    %add3A_118 = arith.addi %mul3A_116, %add3A_117 : i32
    "tpu.region"() ({
      %run_scoped3A = tpu.sem_alloc : memref<!tpu.dma_semaphore, #tpu.memory_space<semaphore_mem>>
      %dma_start3A = tpu.memref_slice %arg10[%add3A_118] : memref<1048576xf32, #tpu.memory_space<vmem_shared>> -> memref<4096xf32, #tpu.memory_space<vmem_shared>>
      %dma_start3A_179 = tpu.memref_slice %arg10[%add3A_118] : memref<1048576xf32, #tpu.memory_space<vmem_shared>> -> memref<4096xf32, #tpu.memory_space<vmem_shared>>
      tpu.enqueue_dma source(%arg9 : memref<4096xf32, #tpu.memory_space<vmem>>) target(%dma_start3A_179 : memref<4096xf32, #tpu.memory_space<vmem_shared>>) target_semaphore(%run_scoped3A : memref<!tpu.dma_semaphore, #tpu.memory_space<semaphore_mem>>)
      %dma_wait3A = tpu.memref_slice %arg10[%add3A_118] : memref<1048576xf32, #tpu.memory_space<vmem_shared>> -> memref<4096xf32, #tpu.memory_space<vmem_shared>>
      %dma_wait3A_180 = tpu.memref_slice %arg10[%add3A_118] : memref<1048576xf32, #tpu.memory_space<vmem_shared>> -> memref<4096xf32, #tpu.memory_space<vmem_shared>>
      tpu.wait_dma2 semaphore(%run_scoped3A : memref<!tpu.dma_semaphore, #tpu.memory_space<semaphore_mem>>) src(%arg9 : memref<4096xf32, #tpu.memory_space<vmem>>) dst(%dma_wait3A_180 : memref<4096xf32, #tpu.memory_space<vmem_shared>>)
      tpu.yield
    }) : () -> ()
    %mul3A_119 = arith.constant 65536 : i32
    %mul3A_120 = arith.muli %arg1, %mul3A_119 : i32
    %add3A_121 = arith.constant 20480 : i32
    %add3A_122 = arith.addi %mul3A_120, %add3A_121 : i32
    "tpu.region"() ({
      %run_scoped3A = tpu.sem_alloc : memref<!tpu.dma_semaphore, #tpu.memory_space<semaphore_mem>>
      %dma_start3A = tpu.memref_slice %arg10[%add3A_122] : memref<1048576xf32, #tpu.memory_space<vmem_shared>> -> memref<4096xf32, #tpu.memory_space<vmem_shared>>
      %dma_start3A_179 = tpu.memref_slice %arg10[%add3A_122] : memref<1048576xf32, #tpu.memory_space<vmem_shared>> -> memref<4096xf32, #tpu.memory_space<vmem_shared>>
      tpu.enqueue_dma source(%arg9 : memref<4096xf32, #tpu.memory_space<vmem>>) target(%dma_start3A_179 : memref<4096xf32, #tpu.memory_space<vmem_shared>>) target_semaphore(%run_scoped3A : memref<!tpu.dma_semaphore, #tpu.memory_space<semaphore_mem>>)
      %dma_wait3A = tpu.memref_slice %arg10[%add3A_122] : memref<1048576xf32, #tpu.memory_space<vmem_shared>> -> memref<4096xf32, #tpu.memory_space<vmem_shared>>
      %dma_wait3A_180 = tpu.memref_slice %arg10[%add3A_122] : memref<1048576xf32, #tpu.memory_space<vmem_shared>> -> memref<4096xf32, #tpu.memory_space<vmem_shared>>
      tpu.wait_dma2 semaphore(%run_scoped3A : memref<!tpu.dma_semaphore, #tpu.memory_space<semaphore_mem>>) src(%arg9 : memref<4096xf32, #tpu.memory_space<vmem>>) dst(%dma_wait3A_180 : memref<4096xf32, #tpu.memory_space<vmem_shared>>)
      tpu.yield
    }) : () -> ()
    %mul3A_123 = arith.constant 65536 : i32
    %mul3A_124 = arith.muli %arg1, %mul3A_123 : i32
    %add3A_125 = arith.constant 24576 : i32
    %add3A_126 = arith.addi %mul3A_124, %add3A_125 : i32
    "tpu.region"() ({
      %run_scoped3A = tpu.sem_alloc : memref<!tpu.dma_semaphore, #tpu.memory_space<semaphore_mem>>
      %dma_start3A = tpu.memref_slice %arg10[%add3A_126] : memref<1048576xf32, #tpu.memory_space<vmem_shared>> -> memref<4096xf32, #tpu.memory_space<vmem_shared>>
      %dma_start3A_179 = tpu.memref_slice %arg10[%add3A_126] : memref<1048576xf32, #tpu.memory_space<vmem_shared>> -> memref<4096xf32, #tpu.memory_space<vmem_shared>>
      tpu.enqueue_dma source(%arg9 : memref<4096xf32, #tpu.memory_space<vmem>>) target(%dma_start3A_179 : memref<4096xf32, #tpu.memory_space<vmem_shared>>) target_semaphore(%run_scoped3A : memref<!tpu.dma_semaphore, #tpu.memory_space<semaphore_mem>>)
      %dma_wait3A = tpu.memref_slice %arg10[%add3A_126] : memref<1048576xf32, #tpu.memory_space<vmem_shared>> -> memref<4096xf32, #tpu.memory_space<vmem_shared>>
      %dma_wait3A_180 = tpu.memref_slice %arg10[%add3A_126] : memref<1048576xf32, #tpu.memory_space<vmem_shared>> -> memref<4096xf32, #tpu.memory_space<vmem_shared>>
      tpu.wait_dma2 semaphore(%run_scoped3A : memref<!tpu.dma_semaphore, #tpu.memory_space<semaphore_mem>>) src(%arg9 : memref<4096xf32, #tpu.memory_space<vmem>>) dst(%dma_wait3A_180 : memref<4096xf32, #tpu.memory_space<vmem_shared>>)
      tpu.yield
    }) : () -> ()
    %mul3A_127 = arith.constant 65536 : i32
    %mul3A_128 = arith.muli %arg1, %mul3A_127 : i32
    %add3A_129 = arith.constant 28672 : i32
    %add3A_130 = arith.addi %mul3A_128, %add3A_129 : i32
    "tpu.region"() ({
      %run_scoped3A = tpu.sem_alloc : memref<!tpu.dma_semaphore, #tpu.memory_space<semaphore_mem>>
      %dma_start3A = tpu.memref_slice %arg10[%add3A_130] : memref<1048576xf32, #tpu.memory_space<vmem_shared>> -> memref<4096xf32, #tpu.memory_space<vmem_shared>>
      %dma_start3A_179 = tpu.memref_slice %arg10[%add3A_130] : memref<1048576xf32, #tpu.memory_space<vmem_shared>> -> memref<4096xf32, #tpu.memory_space<vmem_shared>>
      tpu.enqueue_dma source(%arg9 : memref<4096xf32, #tpu.memory_space<vmem>>) target(%dma_start3A_179 : memref<4096xf32, #tpu.memory_space<vmem_shared>>) target_semaphore(%run_scoped3A : memref<!tpu.dma_semaphore, #tpu.memory_space<semaphore_mem>>)
      %dma_wait3A = tpu.memref_slice %arg10[%add3A_130] : memref<1048576xf32, #tpu.memory_space<vmem_shared>> -> memref<4096xf32, #tpu.memory_space<vmem_shared>>
      %dma_wait3A_180 = tpu.memref_slice %arg10[%add3A_130] : memref<1048576xf32, #tpu.memory_space<vmem_shared>> -> memref<4096xf32, #tpu.memory_space<vmem_shared>>
      tpu.wait_dma2 semaphore(%run_scoped3A : memref<!tpu.dma_semaphore, #tpu.memory_space<semaphore_mem>>) src(%arg9 : memref<4096xf32, #tpu.memory_space<vmem>>) dst(%dma_wait3A_180 : memref<4096xf32, #tpu.memory_space<vmem_shared>>)
      tpu.yield
    }) : () -> ()
    %mul3A_131 = arith.constant 65536 : i32
    %mul3A_132 = arith.muli %arg1, %mul3A_131 : i32
    %add3A_133 = arith.constant 32768 : i32
    %add3A_134 = arith.addi %mul3A_132, %add3A_133 : i32
    "tpu.region"() ({
      %run_scoped3A = tpu.sem_alloc : memref<!tpu.dma_semaphore, #tpu.memory_space<semaphore_mem>>
      %dma_start3A = tpu.memref_slice %arg10[%add3A_134] : memref<1048576xf32, #tpu.memory_space<vmem_shared>> -> memref<4096xf32, #tpu.memory_space<vmem_shared>>
      %dma_start3A_179 = tpu.memref_slice %arg10[%add3A_134] : memref<1048576xf32, #tpu.memory_space<vmem_shared>> -> memref<4096xf32, #tpu.memory_space<vmem_shared>>
      tpu.enqueue_dma source(%arg9 : memref<4096xf32, #tpu.memory_space<vmem>>) target(%dma_start3A_179 : memref<4096xf32, #tpu.memory_space<vmem_shared>>) target_semaphore(%run_scoped3A : memref<!tpu.dma_semaphore, #tpu.memory_space<semaphore_mem>>)
      %dma_wait3A = tpu.memref_slice %arg10[%add3A_134] : memref<1048576xf32, #tpu.memory_space<vmem_shared>> -> memref<4096xf32, #tpu.memory_space<vmem_shared>>
      %dma_wait3A_180 = tpu.memref_slice %arg10[%add3A_134] : memref<1048576xf32, #tpu.memory_space<vmem_shared>> -> memref<4096xf32, #tpu.memory_space<vmem_shared>>
      tpu.wait_dma2 semaphore(%run_scoped3A : memref<!tpu.dma_semaphore, #tpu.memory_space<semaphore_mem>>) src(%arg9 : memref<4096xf32, #tpu.memory_space<vmem>>) dst(%dma_wait3A_180 : memref<4096xf32, #tpu.memory_space<vmem_shared>>)
      tpu.yield
    }) : () -> ()
    %mul3A_135 = arith.constant 65536 : i32
    %mul3A_136 = arith.muli %arg1, %mul3A_135 : i32
    %add3A_137 = arith.constant 36864 : i32
    %add3A_138 = arith.addi %mul3A_136, %add3A_137 : i32
    "tpu.region"() ({
      %run_scoped3A = tpu.sem_alloc : memref<!tpu.dma_semaphore, #tpu.memory_space<semaphore_mem>>
      %dma_start3A = tpu.memref_slice %arg10[%add3A_138] : memref<1048576xf32, #tpu.memory_space<vmem_shared>> -> memref<4096xf32, #tpu.memory_space<vmem_shared>>
      %dma_start3A_179 = tpu.memref_slice %arg10[%add3A_138] : memref<1048576xf32, #tpu.memory_space<vmem_shared>> -> memref<4096xf32, #tpu.memory_space<vmem_shared>>
      tpu.enqueue_dma source(%arg9 : memref<4096xf32, #tpu.memory_space<vmem>>) target(%dma_start3A_179 : memref<4096xf32, #tpu.memory_space<vmem_shared>>) target_semaphore(%run_scoped3A : memref<!tpu.dma_semaphore, #tpu.memory_space<semaphore_mem>>)
      %dma_wait3A = tpu.memref_slice %arg10[%add3A_138] : memref<1048576xf32, #tpu.memory_space<vmem_shared>> -> memref<4096xf32, #tpu.memory_space<vmem_shared>>
      %dma_wait3A_180 = tpu.memref_slice %arg10[%add3A_138] : memref<1048576xf32, #tpu.memory_space<vmem_shared>> -> memref<4096xf32, #tpu.memory_space<vmem_shared>>
      tpu.wait_dma2 semaphore(%run_scoped3A : memref<!tpu.dma_semaphore, #tpu.memory_space<semaphore_mem>>) src(%arg9 : memref<4096xf32, #tpu.memory_space<vmem>>) dst(%dma_wait3A_180 : memref<4096xf32, #tpu.memory_space<vmem_shared>>)
      tpu.yield
    }) : () -> ()
    %mul3A_139 = arith.constant 65536 : i32
    %mul3A_140 = arith.muli %arg1, %mul3A_139 : i32
    %add3A_141 = arith.constant 40960 : i32
    %add3A_142 = arith.addi %mul3A_140, %add3A_141 : i32
    "tpu.region"() ({
      %run_scoped3A = tpu.sem_alloc : memref<!tpu.dma_semaphore, #tpu.memory_space<semaphore_mem>>
      %dma_start3A = tpu.memref_slice %arg10[%add3A_142] : memref<1048576xf32, #tpu.memory_space<vmem_shared>> -> memref<4096xf32, #tpu.memory_space<vmem_shared>>
      %dma_start3A_179 = tpu.memref_slice %arg10[%add3A_142] : memref<1048576xf32, #tpu.memory_space<vmem_shared>> -> memref<4096xf32, #tpu.memory_space<vmem_shared>>
      tpu.enqueue_dma source(%arg9 : memref<4096xf32, #tpu.memory_space<vmem>>) target(%dma_start3A_179 : memref<4096xf32, #tpu.memory_space<vmem_shared>>) target_semaphore(%run_scoped3A : memref<!tpu.dma_semaphore, #tpu.memory_space<semaphore_mem>>)
      %dma_wait3A = tpu.memref_slice %arg10[%add3A_142] : memref<1048576xf32, #tpu.memory_space<vmem_shared>> -> memref<4096xf32, #tpu.memory_space<vmem_shared>>
      %dma_wait3A_180 = tpu.memref_slice %arg10[%add3A_142] : memref<1048576xf32, #tpu.memory_space<vmem_shared>> -> memref<4096xf32, #tpu.memory_space<vmem_shared>>
      tpu.wait_dma2 semaphore(%run_scoped3A : memref<!tpu.dma_semaphore, #tpu.memory_space<semaphore_mem>>) src(%arg9 : memref<4096xf32, #tpu.memory_space<vmem>>) dst(%dma_wait3A_180 : memref<4096xf32, #tpu.memory_space<vmem_shared>>)
      tpu.yield
    }) : () -> ()
    %mul3A_143 = arith.constant 65536 : i32
    %mul3A_144 = arith.muli %arg1, %mul3A_143 : i32
    %add3A_145 = arith.constant 45056 : i32
    %add3A_146 = arith.addi %mul3A_144, %add3A_145 : i32
    "tpu.region"() ({
      %run_scoped3A = tpu.sem_alloc : memref<!tpu.dma_semaphore, #tpu.memory_space<semaphore_mem>>
      %dma_start3A = tpu.memref_slice %arg10[%add3A_146] : memref<1048576xf32, #tpu.memory_space<vmem_shared>> -> memref<4096xf32, #tpu.memory_space<vmem_shared>>
      %dma_start3A_179 = tpu.memref_slice %arg10[%add3A_146] : memref<1048576xf32, #tpu.memory_space<vmem_shared>> -> memref<4096xf32, #tpu.memory_space<vmem_shared>>
      tpu.enqueue_dma source(%arg9 : memref<4096xf32, #tpu.memory_space<vmem>>) target(%dma_start3A_179 : memref<4096xf32, #tpu.memory_space<vmem_shared>>) target_semaphore(%run_scoped3A : memref<!tpu.dma_semaphore, #tpu.memory_space<semaphore_mem>>)
      %dma_wait3A = tpu.memref_slice %arg10[%add3A_146] : memref<1048576xf32, #tpu.memory_space<vmem_shared>> -> memref<4096xf32, #tpu.memory_space<vmem_shared>>
      %dma_wait3A_180 = tpu.memref_slice %arg10[%add3A_146] : memref<1048576xf32, #tpu.memory_space<vmem_shared>> -> memref<4096xf32, #tpu.memory_space<vmem_shared>>
      tpu.wait_dma2 semaphore(%run_scoped3A : memref<!tpu.dma_semaphore, #tpu.memory_space<semaphore_mem>>) src(%arg9 : memref<4096xf32, #tpu.memory_space<vmem>>) dst(%dma_wait3A_180 : memref<4096xf32, #tpu.memory_space<vmem_shared>>)
      tpu.yield
    }) : () -> ()
    %mul3A_147 = arith.constant 65536 : i32
    %mul3A_148 = arith.muli %arg1, %mul3A_147 : i32
    %add3A_149 = arith.constant 49152 : i32
    %add3A_150 = arith.addi %mul3A_148, %add3A_149 : i32
    "tpu.region"() ({
      %run_scoped3A = tpu.sem_alloc : memref<!tpu.dma_semaphore, #tpu.memory_space<semaphore_mem>>
      %dma_start3A = tpu.memref_slice %arg10[%add3A_150] : memref<1048576xf32, #tpu.memory_space<vmem_shared>> -> memref<4096xf32, #tpu.memory_space<vmem_shared>>
      %dma_start3A_179 = tpu.memref_slice %arg10[%add3A_150] : memref<1048576xf32, #tpu.memory_space<vmem_shared>> -> memref<4096xf32, #tpu.memory_space<vmem_shared>>
      tpu.enqueue_dma source(%arg9 : memref<4096xf32, #tpu.memory_space<vmem>>) target(%dma_start3A_179 : memref<4096xf32, #tpu.memory_space<vmem_shared>>) target_semaphore(%run_scoped3A : memref<!tpu.dma_semaphore, #tpu.memory_space<semaphore_mem>>)
      %dma_wait3A = tpu.memref_slice %arg10[%add3A_150] : memref<1048576xf32, #tpu.memory_space<vmem_shared>> -> memref<4096xf32, #tpu.memory_space<vmem_shared>>
      %dma_wait3A_180 = tpu.memref_slice %arg10[%add3A_150] : memref<1048576xf32, #tpu.memory_space<vmem_shared>> -> memref<4096xf32, #tpu.memory_space<vmem_shared>>
      tpu.wait_dma2 semaphore(%run_scoped3A : memref<!tpu.dma_semaphore, #tpu.memory_space<semaphore_mem>>) src(%arg9 : memref<4096xf32, #tpu.memory_space<vmem>>) dst(%dma_wait3A_180 : memref<4096xf32, #tpu.memory_space<vmem_shared>>)
      tpu.yield
    }) : () -> ()
    %mul3A_151 = arith.constant 65536 : i32
    %mul3A_152 = arith.muli %arg1, %mul3A_151 : i32
    %add3A_153 = arith.constant 53248 : i32
    %add3A_154 = arith.addi %mul3A_152, %add3A_153 : i32
    "tpu.region"() ({
      %run_scoped3A = tpu.sem_alloc : memref<!tpu.dma_semaphore, #tpu.memory_space<semaphore_mem>>
      %dma_start3A = tpu.memref_slice %arg10[%add3A_154] : memref<1048576xf32, #tpu.memory_space<vmem_shared>> -> memref<4096xf32, #tpu.memory_space<vmem_shared>>
      %dma_start3A_179 = tpu.memref_slice %arg10[%add3A_154] : memref<1048576xf32, #tpu.memory_space<vmem_shared>> -> memref<4096xf32, #tpu.memory_space<vmem_shared>>
      tpu.enqueue_dma source(%arg9 : memref<4096xf32, #tpu.memory_space<vmem>>) target(%dma_start3A_179 : memref<4096xf32, #tpu.memory_space<vmem_shared>>) target_semaphore(%run_scoped3A : memref<!tpu.dma_semaphore, #tpu.memory_space<semaphore_mem>>)
      %dma_wait3A = tpu.memref_slice %arg10[%add3A_154] : memref<1048576xf32, #tpu.memory_space<vmem_shared>> -> memref<4096xf32, #tpu.memory_space<vmem_shared>>
      %dma_wait3A_180 = tpu.memref_slice %arg10[%add3A_154] : memref<1048576xf32, #tpu.memory_space<vmem_shared>> -> memref<4096xf32, #tpu.memory_space<vmem_shared>>
      tpu.wait_dma2 semaphore(%run_scoped3A : memref<!tpu.dma_semaphore, #tpu.memory_space<semaphore_mem>>) src(%arg9 : memref<4096xf32, #tpu.memory_space<vmem>>) dst(%dma_wait3A_180 : memref<4096xf32, #tpu.memory_space<vmem_shared>>)
      tpu.yield
    }) : () -> ()
    %mul3A_155 = arith.constant 65536 : i32
    %mul3A_156 = arith.muli %arg1, %mul3A_155 : i32
    %add3A_157 = arith.constant 57344 : i32
    %add3A_158 = arith.addi %mul3A_156, %add3A_157 : i32
    "tpu.region"() ({
      %run_scoped3A = tpu.sem_alloc : memref<!tpu.dma_semaphore, #tpu.memory_space<semaphore_mem>>
      %dma_start3A = tpu.memref_slice %arg10[%add3A_158] : memref<1048576xf32, #tpu.memory_space<vmem_shared>> -> memref<4096xf32, #tpu.memory_space<vmem_shared>>
      %dma_start3A_179 = tpu.memref_slice %arg10[%add3A_158] : memref<1048576xf32, #tpu.memory_space<vmem_shared>> -> memref<4096xf32, #tpu.memory_space<vmem_shared>>
      tpu.enqueue_dma source(%arg9 : memref<4096xf32, #tpu.memory_space<vmem>>) target(%dma_start3A_179 : memref<4096xf32, #tpu.memory_space<vmem_shared>>) target_semaphore(%run_scoped3A : memref<!tpu.dma_semaphore, #tpu.memory_space<semaphore_mem>>)
      %dma_wait3A = tpu.memref_slice %arg10[%add3A_158] : memref<1048576xf32, #tpu.memory_space<vmem_shared>> -> memref<4096xf32, #tpu.memory_space<vmem_shared>>
      %dma_wait3A_180 = tpu.memref_slice %arg10[%add3A_158] : memref<1048576xf32, #tpu.memory_space<vmem_shared>> -> memref<4096xf32, #tpu.memory_space<vmem_shared>>
      tpu.wait_dma2 semaphore(%run_scoped3A : memref<!tpu.dma_semaphore, #tpu.memory_space<semaphore_mem>>) src(%arg9 : memref<4096xf32, #tpu.memory_space<vmem>>) dst(%dma_wait3A_180 : memref<4096xf32, #tpu.memory_space<vmem_shared>>)
      tpu.yield
    }) : () -> ()
    %mul3A_159 = arith.constant 65536 : i32
    %mul3A_160 = arith.muli %arg1, %mul3A_159 : i32
    %add3A_161 = arith.constant 61440 : i32
    %add3A_162 = arith.addi %mul3A_160, %add3A_161 : i32
    "tpu.region"() ({
      %run_scoped3A = tpu.sem_alloc : memref<!tpu.dma_semaphore, #tpu.memory_space<semaphore_mem>>
      %dma_start3A = tpu.memref_slice %arg10[%add3A_162] : memref<1048576xf32, #tpu.memory_space<vmem_shared>> -> memref<4096xf32, #tpu.memory_space<vmem_shared>>
      %dma_start3A_179 = tpu.memref_slice %arg10[%add3A_162] : memref<1048576xf32, #tpu.memory_space<vmem_shared>> -> memref<4096xf32, #tpu.memory_space<vmem_shared>>
      tpu.enqueue_dma source(%arg9 : memref<4096xf32, #tpu.memory_space<vmem>>) target(%dma_start3A_179 : memref<4096xf32, #tpu.memory_space<vmem_shared>>) target_semaphore(%run_scoped3A : memref<!tpu.dma_semaphore, #tpu.memory_space<semaphore_mem>>)
      %dma_wait3A = tpu.memref_slice %arg10[%add3A_162] : memref<1048576xf32, #tpu.memory_space<vmem_shared>> -> memref<4096xf32, #tpu.memory_space<vmem_shared>>
      %dma_wait3A_180 = tpu.memref_slice %arg10[%add3A_162] : memref<1048576xf32, #tpu.memory_space<vmem_shared>> -> memref<4096xf32, #tpu.memory_space<vmem_shared>>
      tpu.wait_dma2 semaphore(%run_scoped3A : memref<!tpu.dma_semaphore, #tpu.memory_space<semaphore_mem>>) src(%arg9 : memref<4096xf32, #tpu.memory_space<vmem>>) dst(%dma_wait3A_180 : memref<4096xf32, #tpu.memory_space<vmem_shared>>)
      tpu.yield
    }) : () -> ()
    %barrier3A_163 = arith.constant 0 : index
    tpu.barrier barrier_id(%barrier3A_163)
    %scan3A_164 = arith.constant 0 : i32
    %scan3A_165 = arith.constant 0 : i32
    %scan3A_166 = arith.constant 32 : i32
    %scan3A_167 = arith.addi %scan3A_165, %scan3A_166 : i32
    %scan3A_168 = arith.constant 1 : i32
    scf.for %scan3A_179 = %scan3A_165 to %scan3A_167 step %scan3A_168  : i32 {
      %mul3A_180 = arith.constant 128 : i32
      %mul3A_181 = arith.muli %scan3A_179, %mul3A_180 : i32
      %add3A_182 = arith.constant 0 : i32
      %add3A_183 = arith.addi %mul3A_181, %add3A_182 : i32
      %get3A = arith.index_cast %add3A_183 : i32 to index
      %get3A_184 = tpu.vector_load %arg5[%get3A] {strides = array<i32>} : memref<4096xi32, #tpu.memory_space<vmem>>, vector<16xi32>,
      %get3A_185 = vector.shape_cast %get3A_184 : vector<16xi32> to vector<16xi32>
      %get3A_186 = arith.index_cast %add3A_183 : i32 to index
      %get3A_187 = tpu.vector_load %arg6[%get3A_186] {strides = array<i32>} : memref<4096xi32, #tpu.memory_space<vmem>>, vector<16xi32>,
      %get3A_188 = vector.shape_cast %get3A_187 : vector<16xi32> to vector<16xi32>
      %sub3A = vector.broadcast %mul3A_98 : i32 to vector<16xi32>
      %sub3A_189 = arith.subi %get3A_185, %sub3A : vector<16xi32>
      %ge3A = arith.constant 0 : i32
      %ge3A_190 = vector.broadcast %ge3A : i32 to vector<16xi32>
      %ge3A_191 = arith.cmpi sge, %sub3A_189, %ge3A_190 : vector<16xi32>
      %lt3A = arith.constant 512 : i32
      %lt3A_192 = vector.broadcast %lt3A : i32 to vector<16xi32>
      %lt3A_193 = arith.cmpi slt, %sub3A_189, %lt3A_192 : vector<16xi32>
      %and3A = arith.andi %ge3A_191, %lt3A_193 : vector<16xi1>
      %shift_left3A = arith.constant 11 : i32
      %shift_left3A_194 = vector.broadcast %shift_left3A : i32 to vector<16xi32>
      %shift_left3A_195 = arith.shli %sub3A_189, %shift_left3A_194 : vector<16xi32>
      %add3A_196 = arith.addi %shift_left3A_195, %get3A_188 : vector<16xi32>
      %mul3A_197 = arith.constant 2048 : i32
      %mul3A_198 = vector.broadcast %mul3A_197 : i32 to vector<16xi32>
      %mul3A_199 = arith.muli %iota3A, %mul3A_198 : vector<16xi32>
      %mul3A_200 = arith.constant 16 : i32
      %mul3A_201 = arith.muli %arg1, %mul3A_200 : i32
      %add3A_202 = vector.broadcast %mul3A_201 : i32 to vector<16xi32>
      %add3A_203 = arith.addi %mul3A_199, %add3A_202 : vector<16xi32>
      %select_n3A = arith.select %and3A, %add3A_196, %add3A_203 : vector<16xi1>, vector<16xi32>
      %select_n3A_204 = arith.select %and3A, %broadcast_in_dim3A_2, %broadcast_in_dim3A_0 : vector<16xi1>, vector<16xf32>
      %swap3A = arith.constant 0 : index
      %swap3A_205 = tpu.vector_load %arg7[%swap3A] {strides = array<i32>} : memref<128xi32, #tpu.memory_space<vmem>>, vector<16xi32>,
      %swap3A_206 = vector.shape_cast %swap3A_205 : vector<16xi32> to vector<16xi32>
      %swap3A_207 = vector.shape_cast %select_n3A : vector<16xi32> to vector<16xi32>
      tpu.vector_store %arg7[%swap3A], %swap3A_207 {strides = array<i32>} : memref<128xi32, #tpu.memory_space<vmem>>, vector<16xi32>,
      %swap3A_208 = arith.constant 0 : index
      %swap3A_209 = tpu.vector_load %arg8[%swap3A_208] {strides = array<i32>} : memref<128xf32, #tpu.memory_space<vmem>>, vector<16xf32>,
      %swap3A_210 = vector.shape_cast %swap3A_209 : vector<16xf32> to vector<16xf32>
      %swap3A_211 = vector.shape_cast %select_n3A_204 : vector<16xf32> to vector<16xf32>
      tpu.vector_store %arg8[%swap3A_208], %swap3A_211 {strides = array<i32>} : memref<128xf32, #tpu.memory_space<vmem>>, vector<16xf32>,
      %mul3A_212 = arith.constant 128 : i32
      %mul3A_213 = arith.muli %scan3A_179, %mul3A_212 : i32
      %add3A_214 = arith.constant 16 : i32
      %add3A_215 = arith.addi %mul3A_213, %add3A_214 : i32
      %get3A_216 = arith.index_cast %add3A_215 : i32 to index
      %get3A_217 = tpu.vector_load %arg5[%get3A_216] {strides = array<i32>} : memref<4096xi32, #tpu.memory_space<vmem>>, vector<16xi32>,
      %get3A_218 = vector.shape_cast %get3A_217 : vector<16xi32> to vector<16xi32>
      %get3A_219 = arith.index_cast %add3A_215 : i32 to index
      %get3A_220 = tpu.vector_load %arg6[%get3A_219] {strides = array<i32>} : memref<4096xi32, #tpu.memory_space<vmem>>, vector<16xi32>,
      %get3A_221 = vector.shape_cast %get3A_220 : vector<16xi32> to vector<16xi32>
      %sub3A_222 = vector.broadcast %mul3A_98 : i32 to vector<16xi32>
      %sub3A_223 = arith.subi %get3A_218, %sub3A_222 : vector<16xi32>
      %ge3A_224 = arith.constant 0 : i32
      %ge3A_225 = vector.broadcast %ge3A_224 : i32 to vector<16xi32>
      %ge3A_226 = arith.cmpi sge, %sub3A_223, %ge3A_225 : vector<16xi32>
      %lt3A_227 = arith.constant 512 : i32
      %lt3A_228 = vector.broadcast %lt3A_227 : i32 to vector<16xi32>
      %lt3A_229 = arith.cmpi slt, %sub3A_223, %lt3A_228 : vector<16xi32>
      %and3A_230 = arith.andi %ge3A_226, %lt3A_229 : vector<16xi1>
      %shift_left3A_231 = arith.constant 11 : i32
      %shift_left3A_232 = vector.broadcast %shift_left3A_231 : i32 to vector<16xi32>
      %shift_left3A_233 = arith.shli %sub3A_223, %shift_left3A_232 : vector<16xi32>
      %add3A_234 = arith.addi %shift_left3A_233, %get3A_221 : vector<16xi32>
      %mul3A_235 = arith.constant 2048 : i32
      %mul3A_236 = vector.broadcast %mul3A_235 : i32 to vector<16xi32>
      %mul3A_237 = arith.muli %iota3A, %mul3A_236 : vector<16xi32>
      %mul3A_238 = arith.constant 16 : i32
      %mul3A_239 = arith.muli %arg1, %mul3A_238 : i32
      %add3A_240 = vector.broadcast %mul3A_239 : i32 to vector<16xi32>
      %add3A_241 = arith.addi %mul3A_237, %add3A_240 : vector<16xi32>
      %select_n3A_242 = arith.select %and3A_230, %add3A_234, %add3A_241 : vector<16xi1>, vector<16xi32>
      %select_n3A_243 = arith.select %and3A_230, %broadcast_in_dim3A_2, %broadcast_in_dim3A_0 : vector<16xi1>, vector<16xf32>
      %swap3A_244 = arith.constant 16 : index
      %swap3A_245 = tpu.vector_load %arg7[%swap3A_244] {strides = array<i32>} : memref<128xi32, #tpu.memory_space<vmem>>, vector<16xi32>,
      %swap3A_246 = vector.shape_cast %swap3A_245 : vector<16xi32> to vector<16xi32>
      %swap3A_247 = vector.shape_cast %select_n3A_242 : vector<16xi32> to vector<16xi32>
      tpu.vector_store %arg7[%swap3A_244], %swap3A_247 {strides = array<i32>} : memref<128xi32, #tpu.memory_space<vmem>>, vector<16xi32>,
      %swap3A_248 = arith.constant 16 : index
      %swap3A_249 = tpu.vector_load %arg8[%swap3A_248] {strides = array<i32>} : memref<128xf32, #tpu.memory_space<vmem>>, vector<16xf32>,
      %swap3A_250 = vector.shape_cast %swap3A_249 : vector<16xf32> to vector<16xf32>
      %swap3A_251 = vector.shape_cast %select_n3A_243 : vector<16xf32> to vector<16xf32>
      tpu.vector_store %arg8[%swap3A_248], %swap3A_251 {strides = array<i32>} : memref<128xf32, #tpu.memory_space<vmem>>, vector<16xf32>,
      %mul3A_252 = arith.constant 128 : i32
      %mul3A_253 = arith.muli %scan3A_179, %mul3A_252 : i32
      %add3A_254 = arith.constant 32 : i32
      %add3A_255 = arith.addi %mul3A_253, %add3A_254 : i32
      %get3A_256 = arith.index_cast %add3A_255 : i32 to index
      %get3A_257 = tpu.vector_load %arg5[%get3A_256] {strides = array<i32>} : memref<4096xi32, #tpu.memory_space<vmem>>, vector<16xi32>,
      %get3A_258 = vector.shape_cast %get3A_257 : vector<16xi32> to vector<16xi32>
      %get3A_259 = arith.index_cast %add3A_255 : i32 to index
      %get3A_260 = tpu.vector_load %arg6[%get3A_259] {strides = array<i32>} : memref<4096xi32, #tpu.memory_space<vmem>>, vector<16xi32>,
      %get3A_261 = vector.shape_cast %get3A_260 : vector<16xi32> to vector<16xi32>
      %sub3A_262 = vector.broadcast %mul3A_98 : i32 to vector<16xi32>
      %sub3A_263 = arith.subi %get3A_258, %sub3A_262 : vector<16xi32>
      %ge3A_264 = arith.constant 0 : i32
      %ge3A_265 = vector.broadcast %ge3A_264 : i32 to vector<16xi32>
      %ge3A_266 = arith.cmpi sge, %sub3A_263, %ge3A_265 : vector<16xi32>
      %lt3A_267 = arith.constant 512 : i32
      %lt3A_268 = vector.broadcast %lt3A_267 : i32 to vector<16xi32>
      %lt3A_269 = arith.cmpi slt, %sub3A_263, %lt3A_268 : vector<16xi32>
      %and3A_270 = arith.andi %ge3A_266, %lt3A_269 : vector<16xi1>
      %shift_left3A_271 = arith.constant 11 : i32
      %shift_left3A_272 = vector.broadcast %shift_left3A_271 : i32 to vector<16xi32>
      %shift_left3A_273 = arith.shli %sub3A_263, %shift_left3A_272 : vector<16xi32>
      %add3A_274 = arith.addi %shift_left3A_273, %get3A_261 : vector<16xi32>
      %mul3A_275 = arith.constant 2048 : i32
      %mul3A_276 = vector.broadcast %mul3A_275 : i32 to vector<16xi32>
      %mul3A_277 = arith.muli %iota3A, %mul3A_276 : vector<16xi32>
      %mul3A_278 = arith.constant 16 : i32
      %mul3A_279 = arith.muli %arg1, %mul3A_278 : i32
      %add3A_280 = vector.broadcast %mul3A_279 : i32 to vector<16xi32>
      %add3A_281 = arith.addi %mul3A_277, %add3A_280 : vector<16xi32>
      %select_n3A_282 = arith.select %and3A_270, %add3A_274, %add3A_281 : vector<16xi1>, vector<16xi32>
      %select_n3A_283 = arith.select %and3A_270, %broadcast_in_dim3A_2, %broadcast_in_dim3A_0 : vector<16xi1>, vector<16xf32>
      %swap3A_284 = arith.constant 32 : index
      %swap3A_285 = tpu.vector_load %arg7[%swap3A_284] {strides = array<i32>} : memref<128xi32, #tpu.memory_space<vmem>>, vector<16xi32>,
      %swap3A_286 = vector.shape_cast %swap3A_285 : vector<16xi32> to vector<16xi32>
      %swap3A_287 = vector.shape_cast %select_n3A_282 : vector<16xi32> to vector<16xi32>
      tpu.vector_store %arg7[%swap3A_284], %swap3A_287 {strides = array<i32>} : memref<128xi32, #tpu.memory_space<vmem>>, vector<16xi32>,
      %swap3A_288 = arith.constant 32 : index
      %swap3A_289 = tpu.vector_load %arg8[%swap3A_288] {strides = array<i32>} : memref<128xf32, #tpu.memory_space<vmem>>, vector<16xf32>,
      %swap3A_290 = vector.shape_cast %swap3A_289 : vector<16xf32> to vector<16xf32>
      %swap3A_291 = vector.shape_cast %select_n3A_283 : vector<16xf32> to vector<16xf32>
      tpu.vector_store %arg8[%swap3A_288], %swap3A_291 {strides = array<i32>} : memref<128xf32, #tpu.memory_space<vmem>>, vector<16xf32>,
      %mul3A_292 = arith.constant 128 : i32
      %mul3A_293 = arith.muli %scan3A_179, %mul3A_292 : i32
      %add3A_294 = arith.constant 48 : i32
      %add3A_295 = arith.addi %mul3A_293, %add3A_294 : i32
      %get3A_296 = arith.index_cast %add3A_295 : i32 to index
      %get3A_297 = tpu.vector_load %arg5[%get3A_296] {strides = array<i32>} : memref<4096xi32, #tpu.memory_space<vmem>>, vector<16xi32>,
      %get3A_298 = vector.shape_cast %get3A_297 : vector<16xi32> to vector<16xi32>
      %get3A_299 = arith.index_cast %add3A_295 : i32 to index
      %get3A_300 = tpu.vector_load %arg6[%get3A_299] {strides = array<i32>} : memref<4096xi32, #tpu.memory_space<vmem>>, vector<16xi32>,
      %get3A_301 = vector.shape_cast %get3A_300 : vector<16xi32> to vector<16xi32>
      %sub3A_302 = vector.broadcast %mul3A_98 : i32 to vector<16xi32>
      %sub3A_303 = arith.subi %get3A_298, %sub3A_302 : vector<16xi32>
      %ge3A_304 = arith.constant 0 : i32
      %ge3A_305 = vector.broadcast %ge3A_304 : i32 to vector<16xi32>
      %ge3A_306 = arith.cmpi sge, %sub3A_303, %ge3A_305 : vector<16xi32>
      %lt3A_307 = arith.constant 512 : i32
      %lt3A_308 = vector.broadcast %lt3A_307 : i32 to vector<16xi32>
      %lt3A_309 = arith.cmpi slt, %sub3A_303, %lt3A_308 : vector<16xi32>
      %and3A_310 = arith.andi %ge3A_306, %lt3A_309 : vector<16xi1>
      %shift_left3A_311 = arith.constant 11 : i32
      %shift_left3A_312 = vector.broadcast %shift_left3A_311 : i32 to vector<16xi32>
      %shift_left3A_313 = arith.shli %sub3A_303, %shift_left3A_312 : vector<16xi32>
      %add3A_314 = arith.addi %shift_left3A_313, %get3A_301 : vector<16xi32>
      %mul3A_315 = arith.constant 2048 : i32
      %mul3A_316 = vector.broadcast %mul3A_315 : i32 to vector<16xi32>
      %mul3A_317 = arith.muli %iota3A, %mul3A_316 : vector<16xi32>
      %mul3A_318 = arith.constant 16 : i32
      %mul3A_319 = arith.muli %arg1, %mul3A_318 : i32
      %add3A_320 = vector.broadcast %mul3A_319 : i32 to vector<16xi32>
      %add3A_321 = arith.addi %mul3A_317, %add3A_320 : vector<16xi32>
      %select_n3A_322 = arith.select %and3A_310, %add3A_314, %add3A_321 : vector<16xi1>, vector<16xi32>
      %select_n3A_323 = arith.select %and3A_310, %broadcast_in_dim3A_2, %broadcast_in_dim3A_0 : vector<16xi1>, vector<16xf32>
      %swap3A_324 = arith.constant 48 : index
      %swap3A_325 = tpu.vector_load %arg7[%swap3A_324] {strides = array<i32>} : memref<128xi32, #tpu.memory_space<vmem>>, vector<16xi32>,
      %swap3A_326 = vector.shape_cast %swap3A_325 : vector<16xi32> to vector<16xi32>
      %swap3A_327 = vector.shape_cast %select_n3A_322 : vector<16xi32> to vector<16xi32>
      tpu.vector_store %arg7[%swap3A_324], %swap3A_327 {strides = array<i32>} : memref<128xi32, #tpu.memory_space<vmem>>, vector<16xi32>,
      %swap3A_328 = arith.constant 48 : index
      %swap3A_329 = tpu.vector_load %arg8[%swap3A_328] {strides = array<i32>} : memref<128xf32, #tpu.memory_space<vmem>>, vector<16xf32>,
      %swap3A_330 = vector.shape_cast %swap3A_329 : vector<16xf32> to vector<16xf32>
      %swap3A_331 = vector.shape_cast %select_n3A_323 : vector<16xf32> to vector<16xf32>
      tpu.vector_store %arg8[%swap3A_328], %swap3A_331 {strides = array<i32>} : memref<128xf32, #tpu.memory_space<vmem>>, vector<16xf32>,
      %mul3A_332 = arith.constant 128 : i32
      %mul3A_333 = arith.muli %scan3A_179, %mul3A_332 : i32
      %add3A_334 = arith.constant 64 : i32
      %add3A_335 = arith.addi %mul3A_333, %add3A_334 : i32
      %get3A_336 = arith.index_cast %add3A_335 : i32 to index
      %get3A_337 = tpu.vector_load %arg5[%get3A_336] {strides = array<i32>} : memref<4096xi32, #tpu.memory_space<vmem>>, vector<16xi32>,
      %get3A_338 = vector.shape_cast %get3A_337 : vector<16xi32> to vector<16xi32>
      %get3A_339 = arith.index_cast %add3A_335 : i32 to index
      %get3A_340 = tpu.vector_load %arg6[%get3A_339] {strides = array<i32>} : memref<4096xi32, #tpu.memory_space<vmem>>, vector<16xi32>,
      %get3A_341 = vector.shape_cast %get3A_340 : vector<16xi32> to vector<16xi32>
      %sub3A_342 = vector.broadcast %mul3A_98 : i32 to vector<16xi32>
      %sub3A_343 = arith.subi %get3A_338, %sub3A_342 : vector<16xi32>
      %ge3A_344 = arith.constant 0 : i32
      %ge3A_345 = vector.broadcast %ge3A_344 : i32 to vector<16xi32>
      %ge3A_346 = arith.cmpi sge, %sub3A_343, %ge3A_345 : vector<16xi32>
      %lt3A_347 = arith.constant 512 : i32
      %lt3A_348 = vector.broadcast %lt3A_347 : i32 to vector<16xi32>
      %lt3A_349 = arith.cmpi slt, %sub3A_343, %lt3A_348 : vector<16xi32>
      %and3A_350 = arith.andi %ge3A_346, %lt3A_349 : vector<16xi1>
      %shift_left3A_351 = arith.constant 11 : i32
      %shift_left3A_352 = vector.broadcast %shift_left3A_351 : i32 to vector<16xi32>
      %shift_left3A_353 = arith.shli %sub3A_343, %shift_left3A_352 : vector<16xi32>
      %add3A_354 = arith.addi %shift_left3A_353, %get3A_341 : vector<16xi32>
      %mul3A_355 = arith.constant 2048 : i32
      %mul3A_356 = vector.broadcast %mul3A_355 : i32 to vector<16xi32>
      %mul3A_357 = arith.muli %iota3A, %mul3A_356 : vector<16xi32>
      %mul3A_358 = arith.constant 16 : i32
      %mul3A_359 = arith.muli %arg1, %mul3A_358 : i32
      %add3A_360 = vector.broadcast %mul3A_359 : i32 to vector<16xi32>
      %add3A_361 = arith.addi %mul3A_357, %add3A_360 : vector<16xi32>
      %select_n3A_362 = arith.select %and3A_350, %add3A_354, %add3A_361 : vector<16xi1>, vector<16xi32>
      %select_n3A_363 = arith.select %and3A_350, %broadcast_in_dim3A_2, %broadcast_in_dim3A_0 : vector<16xi1>, vector<16xf32>
      %swap3A_364 = arith.constant 64 : index
      %swap3A_365 = tpu.vector_load %arg7[%swap3A_364] {strides = array<i32>} : memref<128xi32, #tpu.memory_space<vmem>>, vector<16xi32>,
      %swap3A_366 = vector.shape_cast %swap3A_365 : vector<16xi32> to vector<16xi32>
      %swap3A_367 = vector.shape_cast %select_n3A_362 : vector<16xi32> to vector<16xi32>
      tpu.vector_store %arg7[%swap3A_364], %swap3A_367 {strides = array<i32>} : memref<128xi32, #tpu.memory_space<vmem>>, vector<16xi32>,
      %swap3A_368 = arith.constant 64 : index
      %swap3A_369 = tpu.vector_load %arg8[%swap3A_368] {strides = array<i32>} : memref<128xf32, #tpu.memory_space<vmem>>, vector<16xf32>,
      %swap3A_370 = vector.shape_cast %swap3A_369 : vector<16xf32> to vector<16xf32>
      %swap3A_371 = vector.shape_cast %select_n3A_363 : vector<16xf32> to vector<16xf32>
      tpu.vector_store %arg8[%swap3A_368], %swap3A_371 {strides = array<i32>} : memref<128xf32, #tpu.memory_space<vmem>>, vector<16xf32>,
      %mul3A_372 = arith.constant 128 : i32
      %mul3A_373 = arith.muli %scan3A_179, %mul3A_372 : i32
      %add3A_374 = arith.constant 80 : i32
      %add3A_375 = arith.addi %mul3A_373, %add3A_374 : i32
      %get3A_376 = arith.index_cast %add3A_375 : i32 to index
      %get3A_377 = tpu.vector_load %arg5[%get3A_376] {strides = array<i32>} : memref<4096xi32, #tpu.memory_space<vmem>>, vector<16xi32>,
      %get3A_378 = vector.shape_cast %get3A_377 : vector<16xi32> to vector<16xi32>
      %get3A_379 = arith.index_cast %add3A_375 : i32 to index
      %get3A_380 = tpu.vector_load %arg6[%get3A_379] {strides = array<i32>} : memref<4096xi32, #tpu.memory_space<vmem>>, vector<16xi32>,
      %get3A_381 = vector.shape_cast %get3A_380 : vector<16xi32> to vector<16xi32>
      %sub3A_382 = vector.broadcast %mul3A_98 : i32 to vector<16xi32>
      %sub3A_383 = arith.subi %get3A_378, %sub3A_382 : vector<16xi32>
      %ge3A_384 = arith.constant 0 : i32
      %ge3A_385 = vector.broadcast %ge3A_384 : i32 to vector<16xi32>
      %ge3A_386 = arith.cmpi sge, %sub3A_383, %ge3A_385 : vector<16xi32>
      %lt3A_387 = arith.constant 512 : i32
      %lt3A_388 = vector.broadcast %lt3A_387 : i32 to vector<16xi32>
      %lt3A_389 = arith.cmpi slt, %sub3A_383, %lt3A_388 : vector<16xi32>
      %and3A_390 = arith.andi %ge3A_386, %lt3A_389 : vector<16xi1>
      %shift_left3A_391 = arith.constant 11 : i32
      %shift_left3A_392 = vector.broadcast %shift_left3A_391 : i32 to vector<16xi32>
      %shift_left3A_393 = arith.shli %sub3A_383, %shift_left3A_392 : vector<16xi32>
      %add3A_394 = arith.addi %shift_left3A_393, %get3A_381 : vector<16xi32>
      %mul3A_395 = arith.constant 2048 : i32
      %mul3A_396 = vector.broadcast %mul3A_395 : i32 to vector<16xi32>
      %mul3A_397 = arith.muli %iota3A, %mul3A_396 : vector<16xi32>
      %mul3A_398 = arith.constant 16 : i32
      %mul3A_399 = arith.muli %arg1, %mul3A_398 : i32
      %add3A_400 = vector.broadcast %mul3A_399 : i32 to vector<16xi32>
      %add3A_401 = arith.addi %mul3A_397, %add3A_400 : vector<16xi32>
      %select_n3A_402 = arith.select %and3A_390, %add3A_394, %add3A_401 : vector<16xi1>, vector<16xi32>
      %select_n3A_403 = arith.select %and3A_390, %broadcast_in_dim3A_2, %broadcast_in_dim3A_0 : vector<16xi1>, vector<16xf32>
      %swap3A_404 = arith.constant 80 : index
      %swap3A_405 = tpu.vector_load %arg7[%swap3A_404] {strides = array<i32>} : memref<128xi32, #tpu.memory_space<vmem>>, vector<16xi32>,
      %swap3A_406 = vector.shape_cast %swap3A_405 : vector<16xi32> to vector<16xi32>
      %swap3A_407 = vector.shape_cast %select_n3A_402 : vector<16xi32> to vector<16xi32>
      tpu.vector_store %arg7[%swap3A_404], %swap3A_407 {strides = array<i32>} : memref<128xi32, #tpu.memory_space<vmem>>, vector<16xi32>,
      %swap3A_408 = arith.constant 80 : index
      %swap3A_409 = tpu.vector_load %arg8[%swap3A_408] {strides = array<i32>} : memref<128xf32, #tpu.memory_space<vmem>>, vector<16xf32>,
      %swap3A_410 = vector.shape_cast %swap3A_409 : vector<16xf32> to vector<16xf32>
      %swap3A_411 = vector.shape_cast %select_n3A_403 : vector<16xf32> to vector<16xf32>
      tpu.vector_store %arg8[%swap3A_408], %swap3A_411 {strides = array<i32>} : memref<128xf32, #tpu.memory_space<vmem>>, vector<16xf32>,
      %mul3A_412 = arith.constant 128 : i32
      %mul3A_413 = arith.muli %scan3A_179, %mul3A_412 : i32
      %add3A_414 = arith.constant 96 : i32
      %add3A_415 = arith.addi %mul3A_413, %add3A_414 : i32
      %get3A_416 = arith.index_cast %add3A_415 : i32 to index
      %get3A_417 = tpu.vector_load %arg5[%get3A_416] {strides = array<i32>} : memref<4096xi32, #tpu.memory_space<vmem>>, vector<16xi32>,
      %get3A_418 = vector.shape_cast %get3A_417 : vector<16xi32> to vector<16xi32>
      %get3A_419 = arith.index_cast %add3A_415 : i32 to index
      %get3A_420 = tpu.vector_load %arg6[%get3A_419] {strides = array<i32>} : memref<4096xi32, #tpu.memory_space<vmem>>, vector<16xi32>,
      %get3A_421 = vector.shape_cast %get3A_420 : vector<16xi32> to vector<16xi32>
      %sub3A_422 = vector.broadcast %mul3A_98 : i32 to vector<16xi32>
      %sub3A_423 = arith.subi %get3A_418, %sub3A_422 : vector<16xi32>
      %ge3A_424 = arith.constant 0 : i32
      %ge3A_425 = vector.broadcast %ge3A_424 : i32 to vector<16xi32>
      %ge3A_426 = arith.cmpi sge, %sub3A_423, %ge3A_425 : vector<16xi32>
      %lt3A_427 = arith.constant 512 : i32
      %lt3A_428 = vector.broadcast %lt3A_427 : i32 to vector<16xi32>
      %lt3A_429 = arith.cmpi slt, %sub3A_423, %lt3A_428 : vector<16xi32>
      %and3A_430 = arith.andi %ge3A_426, %lt3A_429 : vector<16xi1>
      %shift_left3A_431 = arith.constant 11 : i32
      %shift_left3A_432 = vector.broadcast %shift_left3A_431 : i32 to vector<16xi32>
      %shift_left3A_433 = arith.shli %sub3A_423, %shift_left3A_432 : vector<16xi32>
      %add3A_434 = arith.addi %shift_left3A_433, %get3A_421 : vector<16xi32>
      %mul3A_435 = arith.constant 2048 : i32
      %mul3A_436 = vector.broadcast %mul3A_435 : i32 to vector<16xi32>
      %mul3A_437 = arith.muli %iota3A, %mul3A_436 : vector<16xi32>
      %mul3A_438 = arith.constant 16 : i32
      %mul3A_439 = arith.muli %arg1, %mul3A_438 : i32
      %add3A_440 = vector.broadcast %mul3A_439 : i32 to vector<16xi32>
      %add3A_441 = arith.addi %mul3A_437, %add3A_440 : vector<16xi32>
      %select_n3A_442 = arith.select %and3A_430, %add3A_434, %add3A_441 : vector<16xi1>, vector<16xi32>
      %select_n3A_443 = arith.select %and3A_430, %broadcast_in_dim3A_2, %broadcast_in_dim3A_0 : vector<16xi1>, vector<16xf32>
      %swap3A_444 = arith.constant 96 : index
      %swap3A_445 = tpu.vector_load %arg7[%swap3A_444] {strides = array<i32>} : memref<128xi32, #tpu.memory_space<vmem>>, vector<16xi32>,
      %swap3A_446 = vector.shape_cast %swap3A_445 : vector<16xi32> to vector<16xi32>
      %swap3A_447 = vector.shape_cast %select_n3A_442 : vector<16xi32> to vector<16xi32>
      tpu.vector_store %arg7[%swap3A_444], %swap3A_447 {strides = array<i32>} : memref<128xi32, #tpu.memory_space<vmem>>, vector<16xi32>,
      %swap3A_448 = arith.constant 96 : index
      %swap3A_449 = tpu.vector_load %arg8[%swap3A_448] {strides = array<i32>} : memref<128xf32, #tpu.memory_space<vmem>>, vector<16xf32>,
      %swap3A_450 = vector.shape_cast %swap3A_449 : vector<16xf32> to vector<16xf32>
      %swap3A_451 = vector.shape_cast %select_n3A_443 : vector<16xf32> to vector<16xf32>
      tpu.vector_store %arg8[%swap3A_448], %swap3A_451 {strides = array<i32>} : memref<128xf32, #tpu.memory_space<vmem>>, vector<16xf32>,
      %mul3A_452 = arith.constant 128 : i32
      %mul3A_453 = arith.muli %scan3A_179, %mul3A_452 : i32
      %add3A_454 = arith.constant 112 : i32
      %add3A_455 = arith.addi %mul3A_453, %add3A_454 : i32
      %get3A_456 = arith.index_cast %add3A_455 : i32 to index
      %get3A_457 = tpu.vector_load %arg5[%get3A_456] {strides = array<i32>} : memref<4096xi32, #tpu.memory_space<vmem>>, vector<16xi32>,
      %get3A_458 = vector.shape_cast %get3A_457 : vector<16xi32> to vector<16xi32>
      %get3A_459 = arith.index_cast %add3A_455 : i32 to index
      %get3A_460 = tpu.vector_load %arg6[%get3A_459] {strides = array<i32>} : memref<4096xi32, #tpu.memory_space<vmem>>, vector<16xi32>,
      %get3A_461 = vector.shape_cast %get3A_460 : vector<16xi32> to vector<16xi32>
      %sub3A_462 = vector.broadcast %mul3A_98 : i32 to vector<16xi32>
      %sub3A_463 = arith.subi %get3A_458, %sub3A_462 : vector<16xi32>
      %ge3A_464 = arith.constant 0 : i32
      %ge3A_465 = vector.broadcast %ge3A_464 : i32 to vector<16xi32>
      %ge3A_466 = arith.cmpi sge, %sub3A_463, %ge3A_465 : vector<16xi32>
      %lt3A_467 = arith.constant 512 : i32
      %lt3A_468 = vector.broadcast %lt3A_467 : i32 to vector<16xi32>
      %lt3A_469 = arith.cmpi slt, %sub3A_463, %lt3A_468 : vector<16xi32>
      %and3A_470 = arith.andi %ge3A_466, %lt3A_469 : vector<16xi1>
      %shift_left3A_471 = arith.constant 11 : i32
      %shift_left3A_472 = vector.broadcast %shift_left3A_471 : i32 to vector<16xi32>
      %shift_left3A_473 = arith.shli %sub3A_463, %shift_left3A_472 : vector<16xi32>
      %add3A_474 = arith.addi %shift_left3A_473, %get3A_461 : vector<16xi32>
      %mul3A_475 = arith.constant 2048 : i32
      %mul3A_476 = vector.broadcast %mul3A_475 : i32 to vector<16xi32>
      %mul3A_477 = arith.muli %iota3A, %mul3A_476 : vector<16xi32>
      %mul3A_478 = arith.constant 16 : i32
      %mul3A_479 = arith.muli %arg1, %mul3A_478 : i32
      %add3A_480 = vector.broadcast %mul3A_479 : i32 to vector<16xi32>
      %add3A_481 = arith.addi %mul3A_477, %add3A_480 : vector<16xi32>
      %select_n3A_482 = arith.select %and3A_470, %add3A_474, %add3A_481 : vector<16xi1>, vector<16xi32>
      %select_n3A_483 = arith.select %and3A_470, %broadcast_in_dim3A_2, %broadcast_in_dim3A_0 : vector<16xi1>, vector<16xf32>
      %swap3A_484 = arith.constant 112 : index
      %swap3A_485 = tpu.vector_load %arg7[%swap3A_484] {strides = array<i32>} : memref<128xi32, #tpu.memory_space<vmem>>, vector<16xi32>,
      %swap3A_486 = vector.shape_cast %swap3A_485 : vector<16xi32> to vector<16xi32>
      %swap3A_487 = vector.shape_cast %select_n3A_482 : vector<16xi32> to vector<16xi32>
      tpu.vector_store %arg7[%swap3A_484], %swap3A_487 {strides = array<i32>} : memref<128xi32, #tpu.memory_space<vmem>>, vector<16xi32>,
      %swap3A_488 = arith.constant 112 : index
      %swap3A_489 = tpu.vector_load %arg8[%swap3A_488] {strides = array<i32>} : memref<128xf32, #tpu.memory_space<vmem>>, vector<16xf32>,
      %swap3A_490 = vector.shape_cast %swap3A_489 : vector<16xf32> to vector<16xf32>
      %swap3A_491 = vector.shape_cast %select_n3A_483 : vector<16xf32> to vector<16xf32>
      tpu.vector_store %arg8[%swap3A_488], %swap3A_491 {strides = array<i32>} : memref<128xf32, #tpu.memory_space<vmem>>, vector<16xf32>,
      "tpu.region"() ({
        %run_scoped3A = tpu.sem_alloc : memref<!tpu.dma_semaphore, #tpu.memory_space<semaphore_mem>>
        %dma_start3A = arith.constant 0 : i32
        %dma_start3A_492 = tpu.memref_slice %arg10[%dma_start3A] : memref<1048576xf32, #tpu.memory_space<vmem_shared>> -> memref<1048576xf32, #tpu.memory_space<vmem_shared>>
        tpu.enqueue_indirect_dma source(%arg8 : memref<128xf32, #tpu.memory_space<vmem>>) target(%dma_start3A_492 : memref<1048576xf32, #tpu.memory_space<vmem_shared>>) offsets(%arg7 : memref<128xi32, #tpu.memory_space<vmem>>) semaphore(%run_scoped3A : memref<!tpu.dma_semaphore, #tpu.memory_space<semaphore_mem>>) {add = true}
        %dma_wait3A = arith.constant 0 : i32
        %dma_wait3A_493 = tpu.memref_slice %arg10[%dma_wait3A] : memref<1048576xf32, #tpu.memory_space<vmem_shared>> -> memref<1048576xf32, #tpu.memory_space<vmem_shared>>
        tpu.wait_indirect_dma semaphore(%run_scoped3A : memref<!tpu.dma_semaphore, #tpu.memory_space<semaphore_mem>>) src(%arg8 : memref<128xf32, #tpu.memory_space<vmem>>) dst(%dma_wait3A_493 : memref<1048576xf32, #tpu.memory_space<vmem_shared>>)
        tpu.yield
      }) : () -> ()
    }
    %scan3A_169 = arith.constant 32 : i32
    %barrier3A_170 = arith.constant 0 : index
    tpu.barrier barrier_id(%barrier3A_170)
    %mul3A_171 = arith.constant 65536 : i32
    %mul3A_172 = arith.muli %arg1, %mul3A_171 : i32
    %mul3A_173 = arith.constant 2048 : i32
    %mul3A_174 = arith.muli %mul3A_98, %mul3A_173 : i32
    %mul3A_175 = arith.constant 65536 : i32
    %mul3A_176 = arith.muli %arg1, %mul3A_175 : i32
    %add3A_177 = arith.addi %mul3A_174, %mul3A_176 : i32
    "tpu.region"() ({
      %run_scoped3A = tpu.sem_alloc : memref<!tpu.dma_semaphore, #tpu.memory_space<semaphore_mem>>
      %dma_start3A = tpu.memref_slice %arg4[%add3A_177] : memref<4194304xf32, #tpu.memory_space<hbm>> -> memref<65536xf32, #tpu.memory_space<hbm>>
      %dma_start3A_179 = tpu.memref_slice %arg10[%mul3A_172] : memref<1048576xf32, #tpu.memory_space<vmem_shared>> -> memref<65536xf32, #tpu.memory_space<vmem_shared>>
      tpu.enqueue_dma source(%dma_start3A_179 : memref<65536xf32, #tpu.memory_space<vmem_shared>>) target(%dma_start3A : memref<65536xf32, #tpu.memory_space<hbm>>) target_semaphore(%run_scoped3A : memref<!tpu.dma_semaphore, #tpu.memory_space<semaphore_mem>>)
      %dma_wait3A = tpu.memref_slice %arg4[%add3A_177] : memref<4194304xf32, #tpu.memory_space<hbm>> -> memref<65536xf32, #tpu.memory_space<hbm>>
      %dma_wait3A_180 = tpu.memref_slice %arg10[%mul3A_172] : memref<1048576xf32, #tpu.memory_space<vmem_shared>> -> memref<65536xf32, #tpu.memory_space<vmem_shared>>
      tpu.wait_dma2 semaphore(%run_scoped3A : memref<!tpu.dma_semaphore, #tpu.memory_space<semaphore_mem>>) src(%dma_wait3A_180 : memref<65536xf32, #tpu.memory_space<vmem_shared>>) dst(%dma_wait3A : memref<65536xf32, #tpu.memory_space<hbm>>)
      tpu.yield
    }) : () -> ()
    %barrier3A_178 = arith.constant 0 : index
    tpu.barrier barrier_id(%barrier3A_178)
    return
  }
}

module attributes {stable_mosaic.version = 14 : i64} {
  func.func @_sn_body(%arg0: memref<3x32768xf32, #tpu.memory_space<vmem>>, %arg1: memref<1x32768xf32, #tpu.memory_space<vmem>>, %arg2: memref<48x2048xf32, #tpu.memory_space<vmem>>, %arg3: memref<1x2048xf32, #tpu.memory_space<vmem>>, %arg4: memref<1x1xf32, #tpu.memory_space<vmem>>, %arg5: memref<1x1xf32, #tpu.memory_space<vmem>>) attributes {dimension_semantics = [], scalar_prefetch = 0 : i64, scratch_operands = 0 : i64, tpu.core_type = #tpu.core_type<tc>} {
    %get3A = arith.constant 0 : index
    %get3A_0 = arith.constant 0 : index
    %get3A_1 = vector.load %arg0[%get3A, %get3A_0] : memref<3x32768xf32, #tpu.memory_space<vmem>>, vector<3x32768xf32>
    %get3A_2 = arith.constant 0 : index
    %get3A_3 = arith.constant 0 : index
    %get3A_4 = vector.load %arg1[%get3A_2, %get3A_3] : memref<1x32768xf32, #tpu.memory_space<vmem>>, vector<1x32768xf32>
    %mul3A = vector.broadcast %get3A_4 : vector<1x32768xf32> to vector<3x32768xf32>
    %mul3A_5 = arith.mulf %get3A_1, %mul3A : vector<3x32768xf32>
    %reduce_sum3A = arith.constant dense<0.000000e+00> : vector<3xf32>
    %reduce_sum3A_6 = vector.multi_reduction <add>, %mul3A_5, %reduce_sum3A [1] : vector<3x32768xf32> to vector<3xf32>
    %broadcast_in_dim3A = vector.shape_cast %reduce_sum3A_6 : vector<3xf32> to vector<3x1xf32>
    %mul3A_7 = arith.mulf %broadcast_in_dim3A, %broadcast_in_dim3A : vector<3x1xf32>
    %reduce_sum3A_8 = vector.shape_cast %mul3A_7 : vector<3x1xf32> to vector<1x3x1xf32>
    %reduce_sum3A_9 = arith.constant dense<0.000000e+00> : vector<1xf32>
    %reduce_sum3A_10 = vector.multi_reduction <add>, %reduce_sum3A_8, %reduce_sum3A_9 [1, 2] : vector<1x3x1xf32> to vector<1xf32>
    %reduce_sum3A_11 = vector.shape_cast %reduce_sum3A_10 : vector<1xf32> to vector<1x1x1xf32>
    %reduce_sum3A_12 = vector.extract %reduce_sum3A_11[0, 0, 0] : f32 from vector<1x1x1xf32>
    %sqrt3A = math.sqrt %reduce_sum3A_12 : f32
    %add3A = arith.constant 9.99999996E-13 : f32
    %add3A_13 = arith.addf %sqrt3A, %add3A : f32
    %div3A = vector.broadcast %add3A_13 : f32 to vector<3x1xf32>
    %div3A_14 = arith.divf %broadcast_in_dim3A, %div3A : vector<3x1xf32>
    %mul3A_15 = vector.broadcast %div3A_14 : vector<3x1xf32> to vector<3x32768xf32>
    %mul3A_16 = arith.mulf %get3A_1, %mul3A_15 : vector<3x32768xf32>
    %reduce_sum3A_17 = arith.constant dense<0.000000e+00> : vector<32768xf32>
    %reduce_sum3A_18 = vector.multi_reduction <add>, %mul3A_16, %reduce_sum3A_17 [0] : vector<3x32768xf32> to vector<32768xf32>
    %broadcast_in_dim3A_19 = vector.shape_cast %reduce_sum3A_18 : vector<32768xf32> to vector<1x32768xf32>
    %mul3A_20 = arith.mulf %broadcast_in_dim3A_19, %broadcast_in_dim3A_19 : vector<1x32768xf32>
    %reduce_sum3A_21 = vector.shape_cast %mul3A_20 : vector<1x32768xf32> to vector<1x1x32768xf32>
    %reduce_sum3A_22 = arith.constant dense<0.000000e+00> : vector<1xf32>
    %reduce_sum3A_23 = vector.multi_reduction <add>, %reduce_sum3A_21, %reduce_sum3A_22 [1, 2] : vector<1x1x32768xf32> to vector<1xf32>
    %reduce_sum3A_24 = vector.shape_cast %reduce_sum3A_23 : vector<1xf32> to vector<1x1x1xf32>
    %reduce_sum3A_25 = vector.extract %reduce_sum3A_24[0, 0, 0] : f32 from vector<1x1x1xf32>
    %sqrt3A_26 = math.sqrt %reduce_sum3A_25 : f32
    %mul3A_27 = arith.mulf %sqrt3A_26, %sqrt3A_26 : f32
    %add3A_28 = arith.constant 9.99999996E-13 : f32
    %add3A_29 = arith.addf %sqrt3A_26, %add3A_28 : f32
    %div3A_30 = arith.divf %mul3A_27, %add3A_29 : f32
    %reshape3A = vector.broadcast %div3A_30 : f32 to vector<1x1xf32>
    %swap3A = arith.constant 0 : index
    %swap3A_31 = arith.constant 0 : index
    %swap3A_32 = vector.load %arg4[%swap3A, %swap3A_31] : memref<1x1xf32, #tpu.memory_space<vmem>>, vector<1x1xf32>
    tpu.vector_store %arg4[%swap3A, %swap3A_31], %reshape3A {strides = array<i32>} : memref<1x1xf32, #tpu.memory_space<vmem>>, vector<1x1xf32>,
    %get3A_33 = arith.constant 0 : index
    %get3A_34 = arith.constant 0 : index
    %get3A_35 = vector.load %arg2[%get3A_33, %get3A_34] : memref<48x2048xf32, #tpu.memory_space<vmem>>, vector<48x2048xf32>
    %get3A_36 = arith.constant 0 : index
    %get3A_37 = arith.constant 0 : index
    %get3A_38 = vector.load %arg3[%get3A_36, %get3A_37] : memref<1x2048xf32, #tpu.memory_space<vmem>>, vector<1x2048xf32>
    %mul3A_39 = vector.broadcast %get3A_38 : vector<1x2048xf32> to vector<48x2048xf32>
    %mul3A_40 = arith.mulf %get3A_35, %mul3A_39 : vector<48x2048xf32>
    %reduce_sum3A_41 = arith.constant dense<0.000000e+00> : vector<48xf32>
    %reduce_sum3A_42 = vector.multi_reduction <add>, %mul3A_40, %reduce_sum3A_41 [1] : vector<48x2048xf32> to vector<48xf32>
    %broadcast_in_dim3A_43 = vector.shape_cast %reduce_sum3A_42 : vector<48xf32> to vector<48x1xf32>
    %mul3A_44 = arith.mulf %broadcast_in_dim3A_43, %broadcast_in_dim3A_43 : vector<48x1xf32>
    %reduce_sum3A_45 = vector.shape_cast %mul3A_44 : vector<48x1xf32> to vector<1x48x1xf32>
    %reduce_sum3A_46 = arith.constant dense<0.000000e+00> : vector<1xf32>
    %reduce_sum3A_47 = vector.multi_reduction <add>, %reduce_sum3A_45, %reduce_sum3A_46 [1, 2] : vector<1x48x1xf32> to vector<1xf32>
    %reduce_sum3A_48 = vector.shape_cast %reduce_sum3A_47 : vector<1xf32> to vector<1x1x1xf32>
    %reduce_sum3A_49 = vector.extract %reduce_sum3A_48[0, 0, 0] : f32 from vector<1x1x1xf32>
    %sqrt3A_50 = math.sqrt %reduce_sum3A_49 : f32
    %add3A_51 = arith.constant 9.99999996E-13 : f32
    %add3A_52 = arith.addf %sqrt3A_50, %add3A_51 : f32
    %div3A_53 = vector.broadcast %add3A_52 : f32 to vector<48x1xf32>
    %div3A_54 = arith.divf %broadcast_in_dim3A_43, %div3A_53 : vector<48x1xf32>
    %mul3A_55 = vector.broadcast %div3A_54 : vector<48x1xf32> to vector<48x2048xf32>
    %mul3A_56 = arith.mulf %get3A_35, %mul3A_55 : vector<48x2048xf32>
    %reduce_sum3A_57 = arith.constant dense<0.000000e+00> : vector<2048xf32>
    %reduce_sum3A_58 = vector.multi_reduction <add>, %mul3A_56, %reduce_sum3A_57 [0] : vector<48x2048xf32> to vector<2048xf32>
    %broadcast_in_dim3A_59 = vector.shape_cast %reduce_sum3A_58 : vector<2048xf32> to vector<1x2048xf32>
    %mul3A_60 = arith.mulf %broadcast_in_dim3A_59, %broadcast_in_dim3A_59 : vector<1x2048xf32>
    %reduce_sum3A_61 = vector.shape_cast %mul3A_60 : vector<1x2048xf32> to vector<1x1x2048xf32>
    %reduce_sum3A_62 = arith.constant dense<0.000000e+00> : vector<1xf32>
    %reduce_sum3A_63 = vector.multi_reduction <add>, %reduce_sum3A_61, %reduce_sum3A_62 [1, 2] : vector<1x1x2048xf32> to vector<1xf32>
    %reduce_sum3A_64 = vector.shape_cast %reduce_sum3A_63 : vector<1xf32> to vector<1x1x1xf32>
    %reduce_sum3A_65 = vector.extract %reduce_sum3A_64[0, 0, 0] : f32 from vector<1x1x1xf32>
    %sqrt3A_66 = math.sqrt %reduce_sum3A_65 : f32
    %mul3A_67 = arith.mulf %sqrt3A_66, %sqrt3A_66 : f32
    %add3A_68 = arith.constant 9.99999996E-13 : f32
    %add3A_69 = arith.addf %sqrt3A_66, %add3A_68 : f32
    %div3A_70 = arith.divf %mul3A_67, %add3A_69 : f32
    %reshape3A_71 = vector.broadcast %div3A_70 : f32 to vector<1x1xf32>
    %swap3A_72 = arith.constant 0 : index
    %swap3A_73 = arith.constant 0 : index
    %swap3A_74 = vector.load %arg5[%swap3A_72, %swap3A_73] : memref<1x1xf32, #tpu.memory_space<vmem>>, vector<1x1xf32>
    tpu.vector_store %arg5[%swap3A_72, %swap3A_73], %reshape3A_71 {strides = array<i32>} : memref<1x1xf32, #tpu.memory_space<vmem>>, vector<1x1xf32>,
    return
  }
}

module attributes {stable_mosaic.version = 14 : i64} {
  func.func @_conv_body(%arg0: i32, %arg1: i32, %arg2: memref<1x240x512xf32, #tpu.memory_space<vmem>>, %arg3: memref<48x512xf32, #tpu.memory_space<vmem>>, %arg4: memref<16x512xf32, #tpu.memory_space<vmem>>, %arg5: memref<48x512xf32, #tpu.memory_space<vmem>>, %arg6: memref<1x512xf32, #tpu.memory_space<vmem>>, %arg7: memref<236x256xf32, #tpu.memory_space<vmem>>, %arg8: memref<240x256xf32, #tpu.memory_space<vmem>>, %arg9: memref<1x256xf32, #tpu.memory_space<vmem>>, %arg10: memref<1x1xf32, #tpu.memory_space<vmem>>, %arg11: memref<1x1xf32, #tpu.memory_space<vmem>>, %arg12: memref<1x512x256xf32, #tpu.memory_space<vmem>>, %arg13: memref<1x512x256xf32, #tpu.memory_space<vmem>>) attributes {dimension_semantics = [#tpu.dimension_semantics<arbitrary>, #tpu.dimension_semantics<arbitrary>], iteration_bounds = array<i64: 4, 4>, scalar_prefetch = 0 : i64, scratch_operands = 0 : i64, tpu.core_type = #tpu.core_type<tc>, window_params = [{transform_indices = @transform_0, window_bounds = array<i64: 1, 240, 512>}, {transform_indices = @transform_1, window_bounds = array<i64: 48, 512>}, {transform_indices = @transform_2, window_bounds = array<i64: 16, 512>}, {transform_indices = @transform_3, window_bounds = array<i64: 48, 512>}, {transform_indices = @transform_4, window_bounds = array<i64: 1, 512>}, {pipeline_mode = #tpu.pipeline_mode<synchronous>, transform_indices = @transform_5, window_bounds = array<i64: 236, 256>}, {pipeline_mode = #tpu.pipeline_mode<synchronous>, transform_indices = @transform_6, window_bounds = array<i64: 240, 256>}, {pipeline_mode = #tpu.pipeline_mode<synchronous>, transform_indices = @transform_7, window_bounds = array<i64: 1, 256>}, {pipeline_mode = #tpu.pipeline_mode<synchronous>, transform_indices = @transform_8, window_bounds = array<i64: 1, 1>}, {pipeline_mode = #tpu.pipeline_mode<synchronous>, transform_indices = @transform_9, window_bounds = array<i64: 1, 1>}, {transform_indices = @transform_10, window_bounds = array<i64: 1, 512, 256>}, {transform_indices = @transform_11, window_bounds = array<i64: 1, 512, 256>}]} {
    %get3A = arith.constant 0 : index
    %get3A_0 = arith.constant 0 : index
    %get3A_1 = arith.constant 0 : index
    %get3A_2 = vector.load %arg2[%get3A, %get3A_0, %get3A_1] : memref<1x240x512xf32, #tpu.memory_space<vmem>>, vector<1x240x512xf32>
    %get3A_3 = vector.shape_cast %get3A_2 : vector<1x240x512xf32> to vector<240x512xf32>
    %get3A_4 = arith.constant 0 : index
    %get3A_5 = arith.constant 0 : index
    %get3A_6 = vector.load %arg3[%get3A_4, %get3A_5] : memref<48x512xf32, #tpu.memory_space<vmem>>, vector<48x512xf32>
    %get3A_7 = arith.constant 0 : index
    %get3A_8 = arith.constant 0 : index
    %get3A_9 = vector.load %arg10[%get3A_7, %get3A_8] : memref<1x1xf32, #tpu.memory_space<vmem>>, vector<1x1xf32>
    %get3A_10 = vector.extract %get3A_9[0, 0] : f32 from vector<1x1xf32>
    %div3A = arith.constant 1.000000e+00 : f32
    %div3A_11 = arith.divf %div3A, %get3A_10 : f32
    %mul3A = vector.broadcast %div3A_11 : f32 to vector<48x512xf32>
    %mul3A_12 = arith.mulf %get3A_6, %mul3A : vector<48x512xf32>
    %get3A_13 = arith.constant 0 : index
    %get3A_14 = arith.constant 0 : index
    %get3A_15 = vector.load %arg5[%get3A_13, %get3A_14] : memref<48x512xf32, #tpu.memory_space<vmem>>, vector<48x512xf32>
    %get3A_16 = arith.constant 0 : index
    %get3A_17 = arith.constant 0 : index
    %get3A_18 = vector.load %arg11[%get3A_16, %get3A_17] : memref<1x1xf32, #tpu.memory_space<vmem>>, vector<1x1xf32>
    %get3A_19 = vector.extract %get3A_18[0, 0] : f32 from vector<1x1xf32>
    %div3A_20 = arith.constant 1.000000e+00 : f32
    %div3A_21 = arith.divf %div3A_20, %get3A_19 : f32
    %mul3A_22 = vector.broadcast %div3A_21 : f32 to vector<48x512xf32>
    %mul3A_23 = arith.mulf %get3A_15, %mul3A_22 : vector<48x512xf32>
    %get3A_24 = arith.constant 0 : index
    %get3A_25 = arith.constant 0 : index
    %get3A_26 = vector.load %arg4[%get3A_24, %get3A_25] : memref<16x512xf32, #tpu.memory_space<vmem>>, vector<16x512xf32>
    %get3A_27 = arith.constant 0 : index
    %get3A_28 = arith.constant 0 : index
    %get3A_29 = vector.load %arg6[%get3A_27, %get3A_28] : memref<1x512xf32, #tpu.memory_space<vmem>>, vector<1x512xf32>
    %broadcast_in_dim3A = arith.constant 0.000000e+00 : f32
    %broadcast_in_dim3A_30 = vector.broadcast %broadcast_in_dim3A : f32 to vector<236x512xf32>
    %add3A = vector.broadcast %get3A_29 : vector<1x512xf32> to vector<236x512xf32>
    %add3A_31 = arith.addf %add3A, %broadcast_in_dim3A_30 : vector<236x512xf32>
    %slice3A = vector.extract_strided_slice %get3A_3 {offsets = [0, 0], sizes = [238, 512], strides = [1, 1]} : vector<240x512xf32> to vector<238x512xf32>
    %slice3A_32 = vector.extract_strided_slice %get3A_3 {offsets = [1, 0], sizes = [238, 512], strides = [1, 1]} : vector<240x512xf32> to vector<238x512xf32>
    %slice3A_33 = vector.extract_strided_slice %get3A_3 {offsets = [2, 0], sizes = [238, 512], strides = [1, 1]} : vector<240x512xf32> to vector<238x512xf32>
    %slice3A_34 = vector.extract_strided_slice %mul3A_12 {offsets = [0, 0], sizes = [1, 512], strides = [1, 1]} : vector<48x512xf32> to vector<1x512xf32>
    %mul3A_35 = vector.broadcast %slice3A_34 : vector<1x512xf32> to vector<238x512xf32>
    %mul3A_36 = arith.mulf %slice3A, %mul3A_35 : vector<238x512xf32>
    %slice3A_37 = vector.extract_strided_slice %mul3A_12 {offsets = [1, 0], sizes = [1, 512], strides = [1, 1]} : vector<48x512xf32> to vector<1x512xf32>
    %mul3A_38 = vector.broadcast %slice3A_37 : vector<1x512xf32> to vector<238x512xf32>
    %mul3A_39 = arith.mulf %slice3A_32, %mul3A_38 : vector<238x512xf32>
    %add3A_40 = arith.addf %mul3A_36, %mul3A_39 : vector<238x512xf32>
    %slice3A_41 = vector.extract_strided_slice %mul3A_12 {offsets = [2, 0], sizes = [1, 512], strides = [1, 1]} : vector<48x512xf32> to vector<1x512xf32>
    %mul3A_42 = vector.broadcast %slice3A_41 : vector<1x512xf32> to vector<238x512xf32>
    %mul3A_43 = arith.mulf %slice3A_33, %mul3A_42 : vector<238x512xf32>
    %add3A_44 = arith.addf %add3A_40, %mul3A_43 : vector<238x512xf32>
    %slice3A_45 = vector.extract_strided_slice %get3A_26 {offsets = [0, 0], sizes = [1, 512], strides = [1, 1]} : vector<16x512xf32> to vector<1x512xf32>
    %add3A_46 = vector.broadcast %slice3A_45 : vector<1x512xf32> to vector<238x512xf32>
    %add3A_47 = arith.addf %add3A_44, %add3A_46 : vector<238x512xf32>
    %mul3A_48 = arith.constant 0.00999999977 : f32
    %mul3A_49 = vector.broadcast %mul3A_48 : f32 to vector<238x512xf32>
    %mul3A_50 = arith.mulf %mul3A_49, %add3A_47 : vector<238x512xf32>
    %max3A = arith.maximumf %add3A_47, %mul3A_50 : vector<238x512xf32>
    %slice3A_51 = vector.extract_strided_slice %max3A {offsets = [0, 0], sizes = [236, 512], strides = [1, 1]} : vector<238x512xf32> to vector<236x512xf32>
    %slice3A_52 = vector.extract_strided_slice %mul3A_23 {offsets = [0, 0], sizes = [1, 512], strides = [1, 1]} : vector<48x512xf32> to vector<1x512xf32>
    %mul3A_53 = vector.broadcast %slice3A_52 : vector<1x512xf32> to vector<236x512xf32>
    %mul3A_54 = arith.mulf %slice3A_51, %mul3A_53 : vector<236x512xf32>
    %add3A_55 = arith.addf %add3A_31, %mul3A_54 : vector<236x512xf32>
    %slice3A_56 = vector.extract_strided_slice %max3A {offsets = [1, 0], sizes = [236, 512], strides = [1, 1]} : vector<238x512xf32> to vector<236x512xf32>
    %slice3A_57 = vector.extract_strided_slice %mul3A_23 {offsets = [1, 0], sizes = [1, 512], strides = [1, 1]} : vector<48x512xf32> to vector<1x512xf32>
    %mul3A_58 = vector.broadcast %slice3A_57 : vector<1x512xf32> to vector<236x512xf32>
    %mul3A_59 = arith.mulf %slice3A_56, %mul3A_58 : vector<236x512xf32>
    %add3A_60 = arith.addf %add3A_55, %mul3A_59 : vector<236x512xf32>
    %slice3A_61 = vector.extract_strided_slice %max3A {offsets = [2, 0], sizes = [236, 512], strides = [1, 1]} : vector<238x512xf32> to vector<236x512xf32>
    %slice3A_62 = vector.extract_strided_slice %mul3A_23 {offsets = [2, 0], sizes = [1, 512], strides = [1, 1]} : vector<48x512xf32> to vector<1x512xf32>
    %mul3A_63 = vector.broadcast %slice3A_62 : vector<1x512xf32> to vector<236x512xf32>
    %mul3A_64 = arith.mulf %slice3A_61, %mul3A_63 : vector<236x512xf32>
    %add3A_65 = arith.addf %add3A_60, %mul3A_64 : vector<236x512xf32>
    %slice3A_66 = vector.extract_strided_slice %mul3A_12 {offsets = [3, 0], sizes = [1, 512], strides = [1, 1]} : vector<48x512xf32> to vector<1x512xf32>
    %mul3A_67 = vector.broadcast %slice3A_66 : vector<1x512xf32> to vector<238x512xf32>
    %mul3A_68 = arith.mulf %slice3A, %mul3A_67 : vector<238x512xf32>
    %slice3A_69 = vector.extract_strided_slice %mul3A_12 {offsets = [4, 0], sizes = [1, 512], strides = [1, 1]} : vector<48x512xf32> to vector<1x512xf32>
    %mul3A_70 = vector.broadcast %slice3A_69 : vector<1x512xf32> to vector<238x512xf32>
    %mul3A_71 = arith.mulf %slice3A_32, %mul3A_70 : vector<238x512xf32>
    %add3A_72 = arith.addf %mul3A_68, %mul3A_71 : vector<238x512xf32>
    %slice3A_73 = vector.extract_strided_slice %mul3A_12 {offsets = [5, 0], sizes = [1, 512], strides = [1, 1]} : vector<48x512xf32> to vector<1x512xf32>
    %mul3A_74 = vector.broadcast %slice3A_73 : vector<1x512xf32> to vector<238x512xf32>
    %mul3A_75 = arith.mulf %slice3A_33, %mul3A_74 : vector<238x512xf32>
    %add3A_76 = arith.addf %add3A_72, %mul3A_75 : vector<238x512xf32>
    %slice3A_77 = vector.extract_strided_slice %get3A_26 {offsets = [1, 0], sizes = [1, 512], strides = [1, 1]} : vector<16x512xf32> to vector<1x512xf32>
    %add3A_78 = vector.broadcast %slice3A_77 : vector<1x512xf32> to vector<238x512xf32>
    %add3A_79 = arith.addf %add3A_76, %add3A_78 : vector<238x512xf32>
    %mul3A_80 = arith.constant 0.00999999977 : f32
    %mul3A_81 = vector.broadcast %mul3A_80 : f32 to vector<238x512xf32>
    %mul3A_82 = arith.mulf %mul3A_81, %add3A_79 : vector<238x512xf32>
    %max3A_83 = arith.maximumf %add3A_79, %mul3A_82 : vector<238x512xf32>
    %slice3A_84 = vector.extract_strided_slice %max3A_83 {offsets = [0, 0], sizes = [236, 512], strides = [1, 1]} : vector<238x512xf32> to vector<236x512xf32>
    %slice3A_85 = vector.extract_strided_slice %mul3A_23 {offsets = [3, 0], sizes = [1, 512], strides = [1, 1]} : vector<48x512xf32> to vector<1x512xf32>
    %mul3A_86 = vector.broadcast %slice3A_85 : vector<1x512xf32> to vector<236x512xf32>
    %mul3A_87 = arith.mulf %slice3A_84, %mul3A_86 : vector<236x512xf32>
    %add3A_88 = arith.addf %add3A_65, %mul3A_87 : vector<236x512xf32>
    %slice3A_89 = vector.extract_strided_slice %max3A_83 {offsets = [1, 0], sizes = [236, 512], strides = [1, 1]} : vector<238x512xf32> to vector<236x512xf32>
    %slice3A_90 = vector.extract_strided_slice %mul3A_23 {offsets = [4, 0], sizes = [1, 512], strides = [1, 1]} : vector<48x512xf32> to vector<1x512xf32>
    %mul3A_91 = vector.broadcast %slice3A_90 : vector<1x512xf32> to vector<236x512xf32>
    %mul3A_92 = arith.mulf %slice3A_89, %mul3A_91 : vector<236x512xf32>
    %add3A_93 = arith.addf %add3A_88, %mul3A_92 : vector<236x512xf32>
    %slice3A_94 = vector.extract_strided_slice %max3A_83 {offsets = [2, 0], sizes = [236, 512], strides = [1, 1]} : vector<238x512xf32> to vector<236x512xf32>
    %slice3A_95 = vector.extract_strided_slice %mul3A_23 {offsets = [5, 0], sizes = [1, 512], strides = [1, 1]} : vector<48x512xf32> to vector<1x512xf32>
    %mul3A_96 = vector.broadcast %slice3A_95 : vector<1x512xf32> to vector<236x512xf32>
    %mul3A_97 = arith.mulf %slice3A_94, %mul3A_96 : vector<236x512xf32>
    %add3A_98 = arith.addf %add3A_93, %mul3A_97 : vector<236x512xf32>
    %slice3A_99 = vector.extract_strided_slice %mul3A_12 {offsets = [6, 0], sizes = [1, 512], strides = [1, 1]} : vector<48x512xf32> to vector<1x512xf32>
    %mul3A_100 = vector.broadcast %slice3A_99 : vector<1x512xf32> to vector<238x512xf32>
    %mul3A_101 = arith.mulf %slice3A, %mul3A_100 : vector<238x512xf32>
    %slice3A_102 = vector.extract_strided_slice %mul3A_12 {offsets = [7, 0], sizes = [1, 512], strides = [1, 1]} : vector<48x512xf32> to vector<1x512xf32>
    %mul3A_103 = vector.broadcast %slice3A_102 : vector<1x512xf32> to vector<238x512xf32>
    %mul3A_104 = arith.mulf %slice3A_32, %mul3A_103 : vector<238x512xf32>
    %add3A_105 = arith.addf %mul3A_101, %mul3A_104 : vector<238x512xf32>
    %slice3A_106 = vector.extract_strided_slice %mul3A_12 {offsets = [8, 0], sizes = [1, 512], strides = [1, 1]} : vector<48x512xf32> to vector<1x512xf32>
    %mul3A_107 = vector.broadcast %slice3A_106 : vector<1x512xf32> to vector<238x512xf32>
    %mul3A_108 = arith.mulf %slice3A_33, %mul3A_107 : vector<238x512xf32>
    %add3A_109 = arith.addf %add3A_105, %mul3A_108 : vector<238x512xf32>
    %slice3A_110 = vector.extract_strided_slice %get3A_26 {offsets = [2, 0], sizes = [1, 512], strides = [1, 1]} : vector<16x512xf32> to vector<1x512xf32>
    %add3A_111 = vector.broadcast %slice3A_110 : vector<1x512xf32> to vector<238x512xf32>
    %add3A_112 = arith.addf %add3A_109, %add3A_111 : vector<238x512xf32>
    %mul3A_113 = arith.constant 0.00999999977 : f32
    %mul3A_114 = vector.broadcast %mul3A_113 : f32 to vector<238x512xf32>
    %mul3A_115 = arith.mulf %mul3A_114, %add3A_112 : vector<238x512xf32>
    %max3A_116 = arith.maximumf %add3A_112, %mul3A_115 : vector<238x512xf32>
    %slice3A_117 = vector.extract_strided_slice %max3A_116 {offsets = [0, 0], sizes = [236, 512], strides = [1, 1]} : vector<238x512xf32> to vector<236x512xf32>
    %slice3A_118 = vector.extract_strided_slice %mul3A_23 {offsets = [6, 0], sizes = [1, 512], strides = [1, 1]} : vector<48x512xf32> to vector<1x512xf32>
    %mul3A_119 = vector.broadcast %slice3A_118 : vector<1x512xf32> to vector<236x512xf32>
    %mul3A_120 = arith.mulf %slice3A_117, %mul3A_119 : vector<236x512xf32>
    %add3A_121 = arith.addf %add3A_98, %mul3A_120 : vector<236x512xf32>
    %slice3A_122 = vector.extract_strided_slice %max3A_116 {offsets = [1, 0], sizes = [236, 512], strides = [1, 1]} : vector<238x512xf32> to vector<236x512xf32>
    %slice3A_123 = vector.extract_strided_slice %mul3A_23 {offsets = [7, 0], sizes = [1, 512], strides = [1, 1]} : vector<48x512xf32> to vector<1x512xf32>
    %mul3A_124 = vector.broadcast %slice3A_123 : vector<1x512xf32> to vector<236x512xf32>
    %mul3A_125 = arith.mulf %slice3A_122, %mul3A_124 : vector<236x512xf32>
    %add3A_126 = arith.addf %add3A_121, %mul3A_125 : vector<236x512xf32>
    %slice3A_127 = vector.extract_strided_slice %max3A_116 {offsets = [2, 0], sizes = [236, 512], strides = [1, 1]} : vector<238x512xf32> to vector<236x512xf32>
    %slice3A_128 = vector.extract_strided_slice %mul3A_23 {offsets = [8, 0], sizes = [1, 512], strides = [1, 1]} : vector<48x512xf32> to vector<1x512xf32>
    %mul3A_129 = vector.broadcast %slice3A_128 : vector<1x512xf32> to vector<236x512xf32>
    %mul3A_130 = arith.mulf %slice3A_127, %mul3A_129 : vector<236x512xf32>
    %add3A_131 = arith.addf %add3A_126, %mul3A_130 : vector<236x512xf32>
    %slice3A_132 = vector.extract_strided_slice %mul3A_12 {offsets = [9, 0], sizes = [1, 512], strides = [1, 1]} : vector<48x512xf32> to vector<1x512xf32>
    %mul3A_133 = vector.broadcast %slice3A_132 : vector<1x512xf32> to vector<238x512xf32>
    %mul3A_134 = arith.mulf %slice3A, %mul3A_133 : vector<238x512xf32>
    %slice3A_135 = vector.extract_strided_slice %mul3A_12 {offsets = [10, 0], sizes = [1, 512], strides = [1, 1]} : vector<48x512xf32> to vector<1x512xf32>
    %mul3A_136 = vector.broadcast %slice3A_135 : vector<1x512xf32> to vector<238x512xf32>
    %mul3A_137 = arith.mulf %slice3A_32, %mul3A_136 : vector<238x512xf32>
    %add3A_138 = arith.addf %mul3A_134, %mul3A_137 : vector<238x512xf32>
    %slice3A_139 = vector.extract_strided_slice %mul3A_12 {offsets = [11, 0], sizes = [1, 512], strides = [1, 1]} : vector<48x512xf32> to vector<1x512xf32>
    %mul3A_140 = vector.broadcast %slice3A_139 : vector<1x512xf32> to vector<238x512xf32>
    %mul3A_141 = arith.mulf %slice3A_33, %mul3A_140 : vector<238x512xf32>
    %add3A_142 = arith.addf %add3A_138, %mul3A_141 : vector<238x512xf32>
    %slice3A_143 = vector.extract_strided_slice %get3A_26 {offsets = [3, 0], sizes = [1, 512], strides = [1, 1]} : vector<16x512xf32> to vector<1x512xf32>
    %add3A_144 = vector.broadcast %slice3A_143 : vector<1x512xf32> to vector<238x512xf32>
    %add3A_145 = arith.addf %add3A_142, %add3A_144 : vector<238x512xf32>
    %mul3A_146 = arith.constant 0.00999999977 : f32
    %mul3A_147 = vector.broadcast %mul3A_146 : f32 to vector<238x512xf32>
    %mul3A_148 = arith.mulf %mul3A_147, %add3A_145 : vector<238x512xf32>
    %max3A_149 = arith.maximumf %add3A_145, %mul3A_148 : vector<238x512xf32>
    %slice3A_150 = vector.extract_strided_slice %max3A_149 {offsets = [0, 0], sizes = [236, 512], strides = [1, 1]} : vector<238x512xf32> to vector<236x512xf32>
    %slice3A_151 = vector.extract_strided_slice %mul3A_23 {offsets = [9, 0], sizes = [1, 512], strides = [1, 1]} : vector<48x512xf32> to vector<1x512xf32>
    %mul3A_152 = vector.broadcast %slice3A_151 : vector<1x512xf32> to vector<236x512xf32>
    %mul3A_153 = arith.mulf %slice3A_150, %mul3A_152 : vector<236x512xf32>
    %add3A_154 = arith.addf %add3A_131, %mul3A_153 : vector<236x512xf32>
    %slice3A_155 = vector.extract_strided_slice %max3A_149 {offsets = [1, 0], sizes = [236, 512], strides = [1, 1]} : vector<238x512xf32> to vector<236x512xf32>
    %slice3A_156 = vector.extract_strided_slice %mul3A_23 {offsets = [10, 0], sizes = [1, 512], strides = [1, 1]} : vector<48x512xf32> to vector<1x512xf32>
    %mul3A_157 = vector.broadcast %slice3A_156 : vector<1x512xf32> to vector<236x512xf32>
    %mul3A_158 = arith.mulf %slice3A_155, %mul3A_157 : vector<236x512xf32>
    %add3A_159 = arith.addf %add3A_154, %mul3A_158 : vector<236x512xf32>
    %slice3A_160 = vector.extract_strided_slice %max3A_149 {offsets = [2, 0], sizes = [236, 512], strides = [1, 1]} : vector<238x512xf32> to vector<236x512xf32>
    %slice3A_161 = vector.extract_strided_slice %mul3A_23 {offsets = [11, 0], sizes = [1, 512], strides = [1, 1]} : vector<48x512xf32> to vector<1x512xf32>
    %mul3A_162 = vector.broadcast %slice3A_161 : vector<1x512xf32> to vector<236x512xf32>
    %mul3A_163 = arith.mulf %slice3A_160, %mul3A_162 : vector<236x512xf32>
    %add3A_164 = arith.addf %add3A_159, %mul3A_163 : vector<236x512xf32>
    %slice3A_165 = vector.extract_strided_slice %mul3A_12 {offsets = [12, 0], sizes = [1, 512], strides = [1, 1]} : vector<48x512xf32> to vector<1x512xf32>
    %mul3A_166 = vector.broadcast %slice3A_165 : vector<1x512xf32> to vector<238x512xf32>
    %mul3A_167 = arith.mulf %slice3A, %mul3A_166 : vector<238x512xf32>
    %slice3A_168 = vector.extract_strided_slice %mul3A_12 {offsets = [13, 0], sizes = [1, 512], strides = [1, 1]} : vector<48x512xf32> to vector<1x512xf32>
    %mul3A_169 = vector.broadcast %slice3A_168 : vector<1x512xf32> to vector<238x512xf32>
    %mul3A_170 = arith.mulf %slice3A_32, %mul3A_169 : vector<238x512xf32>
    %add3A_171 = arith.addf %mul3A_167, %mul3A_170 : vector<238x512xf32>
    %slice3A_172 = vector.extract_strided_slice %mul3A_12 {offsets = [14, 0], sizes = [1, 512], strides = [1, 1]} : vector<48x512xf32> to vector<1x512xf32>
    %mul3A_173 = vector.broadcast %slice3A_172 : vector<1x512xf32> to vector<238x512xf32>
    %mul3A_174 = arith.mulf %slice3A_33, %mul3A_173 : vector<238x512xf32>
    %add3A_175 = arith.addf %add3A_171, %mul3A_174 : vector<238x512xf32>
    %slice3A_176 = vector.extract_strided_slice %get3A_26 {offsets = [4, 0], sizes = [1, 512], strides = [1, 1]} : vector<16x512xf32> to vector<1x512xf32>
    %add3A_177 = vector.broadcast %slice3A_176 : vector<1x512xf32> to vector<238x512xf32>
    %add3A_178 = arith.addf %add3A_175, %add3A_177 : vector<238x512xf32>
    %mul3A_179 = arith.constant 0.00999999977 : f32
    %mul3A_180 = vector.broadcast %mul3A_179 : f32 to vector<238x512xf32>
    %mul3A_181 = arith.mulf %mul3A_180, %add3A_178 : vector<238x512xf32>
    %max3A_182 = arith.maximumf %add3A_178, %mul3A_181 : vector<238x512xf32>
    %slice3A_183 = vector.extract_strided_slice %max3A_182 {offsets = [0, 0], sizes = [236, 512], strides = [1, 1]} : vector<238x512xf32> to vector<236x512xf32>
    %slice3A_184 = vector.extract_strided_slice %mul3A_23 {offsets = [12, 0], sizes = [1, 512], strides = [1, 1]} : vector<48x512xf32> to vector<1x512xf32>
    %mul3A_185 = vector.broadcast %slice3A_184 : vector<1x512xf32> to vector<236x512xf32>
    %mul3A_186 = arith.mulf %slice3A_183, %mul3A_185 : vector<236x512xf32>
    %add3A_187 = arith.addf %add3A_164, %mul3A_186 : vector<236x512xf32>
    %slice3A_188 = vector.extract_strided_slice %max3A_182 {offsets = [1, 0], sizes = [236, 512], strides = [1, 1]} : vector<238x512xf32> to vector<236x512xf32>
    %slice3A_189 = vector.extract_strided_slice %mul3A_23 {offsets = [13, 0], sizes = [1, 512], strides = [1, 1]} : vector<48x512xf32> to vector<1x512xf32>
    %mul3A_190 = vector.broadcast %slice3A_189 : vector<1x512xf32> to vector<236x512xf32>
    %mul3A_191 = arith.mulf %slice3A_188, %mul3A_190 : vector<236x512xf32>
    %add3A_192 = arith.addf %add3A_187, %mul3A_191 : vector<236x512xf32>
    %slice3A_193 = vector.extract_strided_slice %max3A_182 {offsets = [2, 0], sizes = [236, 512], strides = [1, 1]} : vector<238x512xf32> to vector<236x512xf32>
    %slice3A_194 = vector.extract_strided_slice %mul3A_23 {offsets = [14, 0], sizes = [1, 512], strides = [1, 1]} : vector<48x512xf32> to vector<1x512xf32>
    %mul3A_195 = vector.broadcast %slice3A_194 : vector<1x512xf32> to vector<236x512xf32>
    %mul3A_196 = arith.mulf %slice3A_193, %mul3A_195 : vector<236x512xf32>
    %add3A_197 = arith.addf %add3A_192, %mul3A_196 : vector<236x512xf32>
    %slice3A_198 = vector.extract_strided_slice %mul3A_12 {offsets = [15, 0], sizes = [1, 512], strides = [1, 1]} : vector<48x512xf32> to vector<1x512xf32>
    %mul3A_199 = vector.broadcast %slice3A_198 : vector<1x512xf32> to vector<238x512xf32>
    %mul3A_200 = arith.mulf %slice3A, %mul3A_199 : vector<238x512xf32>
    %slice3A_201 = vector.extract_strided_slice %mul3A_12 {offsets = [16, 0], sizes = [1, 512], strides = [1, 1]} : vector<48x512xf32> to vector<1x512xf32>
    %mul3A_202 = vector.broadcast %slice3A_201 : vector<1x512xf32> to vector<238x512xf32>
    %mul3A_203 = arith.mulf %slice3A_32, %mul3A_202 : vector<238x512xf32>
    %add3A_204 = arith.addf %mul3A_200, %mul3A_203 : vector<238x512xf32>
    %slice3A_205 = vector.extract_strided_slice %mul3A_12 {offsets = [17, 0], sizes = [1, 512], strides = [1, 1]} : vector<48x512xf32> to vector<1x512xf32>
    %mul3A_206 = vector.broadcast %slice3A_205 : vector<1x512xf32> to vector<238x512xf32>
    %mul3A_207 = arith.mulf %slice3A_33, %mul3A_206 : vector<238x512xf32>
    %add3A_208 = arith.addf %add3A_204, %mul3A_207 : vector<238x512xf32>
    %slice3A_209 = vector.extract_strided_slice %get3A_26 {offsets = [5, 0], sizes = [1, 512], strides = [1, 1]} : vector<16x512xf32> to vector<1x512xf32>
    %add3A_210 = vector.broadcast %slice3A_209 : vector<1x512xf32> to vector<238x512xf32>
    %add3A_211 = arith.addf %add3A_208, %add3A_210 : vector<238x512xf32>
    %mul3A_212 = arith.constant 0.00999999977 : f32
    %mul3A_213 = vector.broadcast %mul3A_212 : f32 to vector<238x512xf32>
    %mul3A_214 = arith.mulf %mul3A_213, %add3A_211 : vector<238x512xf32>
    %max3A_215 = arith.maximumf %add3A_211, %mul3A_214 : vector<238x512xf32>
    %slice3A_216 = vector.extract_strided_slice %max3A_215 {offsets = [0, 0], sizes = [236, 512], strides = [1, 1]} : vector<238x512xf32> to vector<236x512xf32>
    %slice3A_217 = vector.extract_strided_slice %mul3A_23 {offsets = [15, 0], sizes = [1, 512], strides = [1, 1]} : vector<48x512xf32> to vector<1x512xf32>
    %mul3A_218 = vector.broadcast %slice3A_217 : vector<1x512xf32> to vector<236x512xf32>
    %mul3A_219 = arith.mulf %slice3A_216, %mul3A_218 : vector<236x512xf32>
    %add3A_220 = arith.addf %add3A_197, %mul3A_219 : vector<236x512xf32>
    %slice3A_221 = vector.extract_strided_slice %max3A_215 {offsets = [1, 0], sizes = [236, 512], strides = [1, 1]} : vector<238x512xf32> to vector<236x512xf32>
    %slice3A_222 = vector.extract_strided_slice %mul3A_23 {offsets = [16, 0], sizes = [1, 512], strides = [1, 1]} : vector<48x512xf32> to vector<1x512xf32>
    %mul3A_223 = vector.broadcast %slice3A_222 : vector<1x512xf32> to vector<236x512xf32>
    %mul3A_224 = arith.mulf %slice3A_221, %mul3A_223 : vector<236x512xf32>
    %add3A_225 = arith.addf %add3A_220, %mul3A_224 : vector<236x512xf32>
    %slice3A_226 = vector.extract_strided_slice %max3A_215 {offsets = [2, 0], sizes = [236, 512], strides = [1, 1]} : vector<238x512xf32> to vector<236x512xf32>
    %slice3A_227 = vector.extract_strided_slice %mul3A_23 {offsets = [17, 0], sizes = [1, 512], strides = [1, 1]} : vector<48x512xf32> to vector<1x512xf32>
    %mul3A_228 = vector.broadcast %slice3A_227 : vector<1x512xf32> to vector<236x512xf32>
    %mul3A_229 = arith.mulf %slice3A_226, %mul3A_228 : vector<236x512xf32>
    %add3A_230 = arith.addf %add3A_225, %mul3A_229 : vector<236x512xf32>
    %slice3A_231 = vector.extract_strided_slice %mul3A_12 {offsets = [18, 0], sizes = [1, 512], strides = [1, 1]} : vector<48x512xf32> to vector<1x512xf32>
    %mul3A_232 = vector.broadcast %slice3A_231 : vector<1x512xf32> to vector<238x512xf32>
    %mul3A_233 = arith.mulf %slice3A, %mul3A_232 : vector<238x512xf32>
    %slice3A_234 = vector.extract_strided_slice %mul3A_12 {offsets = [19, 0], sizes = [1, 512], strides = [1, 1]} : vector<48x512xf32> to vector<1x512xf32>
    %mul3A_235 = vector.broadcast %slice3A_234 : vector<1x512xf32> to vector<238x512xf32>
    %mul3A_236 = arith.mulf %slice3A_32, %mul3A_235 : vector<238x512xf32>
    %add3A_237 = arith.addf %mul3A_233, %mul3A_236 : vector<238x512xf32>
    %slice3A_238 = vector.extract_strided_slice %mul3A_12 {offsets = [20, 0], sizes = [1, 512], strides = [1, 1]} : vector<48x512xf32> to vector<1x512xf32>
    %mul3A_239 = vector.broadcast %slice3A_238 : vector<1x512xf32> to vector<238x512xf32>
    %mul3A_240 = arith.mulf %slice3A_33, %mul3A_239 : vector<238x512xf32>
    %add3A_241 = arith.addf %add3A_237, %mul3A_240 : vector<238x512xf32>
    %slice3A_242 = vector.extract_strided_slice %get3A_26 {offsets = [6, 0], sizes = [1, 512], strides = [1, 1]} : vector<16x512xf32> to vector<1x512xf32>
    %add3A_243 = vector.broadcast %slice3A_242 : vector<1x512xf32> to vector<238x512xf32>
    %add3A_244 = arith.addf %add3A_241, %add3A_243 : vector<238x512xf32>
    %mul3A_245 = arith.constant 0.00999999977 : f32
    %mul3A_246 = vector.broadcast %mul3A_245 : f32 to vector<238x512xf32>
    %mul3A_247 = arith.mulf %mul3A_246, %add3A_244 : vector<238x512xf32>
    %max3A_248 = arith.maximumf %add3A_244, %mul3A_247 : vector<238x512xf32>
    %slice3A_249 = vector.extract_strided_slice %max3A_248 {offsets = [0, 0], sizes = [236, 512], strides = [1, 1]} : vector<238x512xf32> to vector<236x512xf32>
    %slice3A_250 = vector.extract_strided_slice %mul3A_23 {offsets = [18, 0], sizes = [1, 512], strides = [1, 1]} : vector<48x512xf32> to vector<1x512xf32>
    %mul3A_251 = vector.broadcast %slice3A_250 : vector<1x512xf32> to vector<236x512xf32>
    %mul3A_252 = arith.mulf %slice3A_249, %mul3A_251 : vector<236x512xf32>
    %add3A_253 = arith.addf %add3A_230, %mul3A_252 : vector<236x512xf32>
    %slice3A_254 = vector.extract_strided_slice %max3A_248 {offsets = [1, 0], sizes = [236, 512], strides = [1, 1]} : vector<238x512xf32> to vector<236x512xf32>
    %slice3A_255 = vector.extract_strided_slice %mul3A_23 {offsets = [19, 0], sizes = [1, 512], strides = [1, 1]} : vector<48x512xf32> to vector<1x512xf32>
    %mul3A_256 = vector.broadcast %slice3A_255 : vector<1x512xf32> to vector<236x512xf32>
    %mul3A_257 = arith.mulf %slice3A_254, %mul3A_256 : vector<236x512xf32>
    %add3A_258 = arith.addf %add3A_253, %mul3A_257 : vector<236x512xf32>
    %slice3A_259 = vector.extract_strided_slice %max3A_248 {offsets = [2, 0], sizes = [236, 512], strides = [1, 1]} : vector<238x512xf32> to vector<236x512xf32>
    %slice3A_260 = vector.extract_strided_slice %mul3A_23 {offsets = [20, 0], sizes = [1, 512], strides = [1, 1]} : vector<48x512xf32> to vector<1x512xf32>
    %mul3A_261 = vector.broadcast %slice3A_260 : vector<1x512xf32> to vector<236x512xf32>
    %mul3A_262 = arith.mulf %slice3A_259, %mul3A_261 : vector<236x512xf32>
    %add3A_263 = arith.addf %add3A_258, %mul3A_262 : vector<236x512xf32>
    %slice3A_264 = vector.extract_strided_slice %mul3A_12 {offsets = [21, 0], sizes = [1, 512], strides = [1, 1]} : vector<48x512xf32> to vector<1x512xf32>
    %mul3A_265 = vector.broadcast %slice3A_264 : vector<1x512xf32> to vector<238x512xf32>
    %mul3A_266 = arith.mulf %slice3A, %mul3A_265 : vector<238x512xf32>
    %slice3A_267 = vector.extract_strided_slice %mul3A_12 {offsets = [22, 0], sizes = [1, 512], strides = [1, 1]} : vector<48x512xf32> to vector<1x512xf32>
    %mul3A_268 = vector.broadcast %slice3A_267 : vector<1x512xf32> to vector<238x512xf32>
    %mul3A_269 = arith.mulf %slice3A_32, %mul3A_268 : vector<238x512xf32>
    %add3A_270 = arith.addf %mul3A_266, %mul3A_269 : vector<238x512xf32>
    %slice3A_271 = vector.extract_strided_slice %mul3A_12 {offsets = [23, 0], sizes = [1, 512], strides = [1, 1]} : vector<48x512xf32> to vector<1x512xf32>
    %mul3A_272 = vector.broadcast %slice3A_271 : vector<1x512xf32> to vector<238x512xf32>
    %mul3A_273 = arith.mulf %slice3A_33, %mul3A_272 : vector<238x512xf32>
    %add3A_274 = arith.addf %add3A_270, %mul3A_273 : vector<238x512xf32>
    %slice3A_275 = vector.extract_strided_slice %get3A_26 {offsets = [7, 0], sizes = [1, 512], strides = [1, 1]} : vector<16x512xf32> to vector<1x512xf32>
    %add3A_276 = vector.broadcast %slice3A_275 : vector<1x512xf32> to vector<238x512xf32>
    %add3A_277 = arith.addf %add3A_274, %add3A_276 : vector<238x512xf32>
    %mul3A_278 = arith.constant 0.00999999977 : f32
    %mul3A_279 = vector.broadcast %mul3A_278 : f32 to vector<238x512xf32>
    %mul3A_280 = arith.mulf %mul3A_279, %add3A_277 : vector<238x512xf32>
    %max3A_281 = arith.maximumf %add3A_277, %mul3A_280 : vector<238x512xf32>
    %slice3A_282 = vector.extract_strided_slice %max3A_281 {offsets = [0, 0], sizes = [236, 512], strides = [1, 1]} : vector<238x512xf32> to vector<236x512xf32>
    %slice3A_283 = vector.extract_strided_slice %mul3A_23 {offsets = [21, 0], sizes = [1, 512], strides = [1, 1]} : vector<48x512xf32> to vector<1x512xf32>
    %mul3A_284 = vector.broadcast %slice3A_283 : vector<1x512xf32> to vector<236x512xf32>
    %mul3A_285 = arith.mulf %slice3A_282, %mul3A_284 : vector<236x512xf32>
    %add3A_286 = arith.addf %add3A_263, %mul3A_285 : vector<236x512xf32>
    %slice3A_287 = vector.extract_strided_slice %max3A_281 {offsets = [1, 0], sizes = [236, 512], strides = [1, 1]} : vector<238x512xf32> to vector<236x512xf32>
    %slice3A_288 = vector.extract_strided_slice %mul3A_23 {offsets = [22, 0], sizes = [1, 512], strides = [1, 1]} : vector<48x512xf32> to vector<1x512xf32>
    %mul3A_289 = vector.broadcast %slice3A_288 : vector<1x512xf32> to vector<236x512xf32>
    %mul3A_290 = arith.mulf %slice3A_287, %mul3A_289 : vector<236x512xf32>
    %add3A_291 = arith.addf %add3A_286, %mul3A_290 : vector<236x512xf32>
    %slice3A_292 = vector.extract_strided_slice %max3A_281 {offsets = [2, 0], sizes = [236, 512], strides = [1, 1]} : vector<238x512xf32> to vector<236x512xf32>
    %slice3A_293 = vector.extract_strided_slice %mul3A_23 {offsets = [23, 0], sizes = [1, 512], strides = [1, 1]} : vector<48x512xf32> to vector<1x512xf32>
    %mul3A_294 = vector.broadcast %slice3A_293 : vector<1x512xf32> to vector<236x512xf32>
    %mul3A_295 = arith.mulf %slice3A_292, %mul3A_294 : vector<236x512xf32>
    %add3A_296 = arith.addf %add3A_291, %mul3A_295 : vector<236x512xf32>
    %slice3A_297 = vector.extract_strided_slice %mul3A_12 {offsets = [24, 0], sizes = [1, 512], strides = [1, 1]} : vector<48x512xf32> to vector<1x512xf32>
    %mul3A_298 = vector.broadcast %slice3A_297 : vector<1x512xf32> to vector<238x512xf32>
    %mul3A_299 = arith.mulf %slice3A, %mul3A_298 : vector<238x512xf32>
    %slice3A_300 = vector.extract_strided_slice %mul3A_12 {offsets = [25, 0], sizes = [1, 512], strides = [1, 1]} : vector<48x512xf32> to vector<1x512xf32>
    %mul3A_301 = vector.broadcast %slice3A_300 : vector<1x512xf32> to vector<238x512xf32>
    %mul3A_302 = arith.mulf %slice3A_32, %mul3A_301 : vector<238x512xf32>
    %add3A_303 = arith.addf %mul3A_299, %mul3A_302 : vector<238x512xf32>
    %slice3A_304 = vector.extract_strided_slice %mul3A_12 {offsets = [26, 0], sizes = [1, 512], strides = [1, 1]} : vector<48x512xf32> to vector<1x512xf32>
    %mul3A_305 = vector.broadcast %slice3A_304 : vector<1x512xf32> to vector<238x512xf32>
    %mul3A_306 = arith.mulf %slice3A_33, %mul3A_305 : vector<238x512xf32>
    %add3A_307 = arith.addf %add3A_303, %mul3A_306 : vector<238x512xf32>
    %slice3A_308 = vector.extract_strided_slice %get3A_26 {offsets = [8, 0], sizes = [1, 512], strides = [1, 1]} : vector<16x512xf32> to vector<1x512xf32>
    %add3A_309 = vector.broadcast %slice3A_308 : vector<1x512xf32> to vector<238x512xf32>
    %add3A_310 = arith.addf %add3A_307, %add3A_309 : vector<238x512xf32>
    %mul3A_311 = arith.constant 0.00999999977 : f32
    %mul3A_312 = vector.broadcast %mul3A_311 : f32 to vector<238x512xf32>
    %mul3A_313 = arith.mulf %mul3A_312, %add3A_310 : vector<238x512xf32>
    %max3A_314 = arith.maximumf %add3A_310, %mul3A_313 : vector<238x512xf32>
    %slice3A_315 = vector.extract_strided_slice %max3A_314 {offsets = [0, 0], sizes = [236, 512], strides = [1, 1]} : vector<238x512xf32> to vector<236x512xf32>
    %slice3A_316 = vector.extract_strided_slice %mul3A_23 {offsets = [24, 0], sizes = [1, 512], strides = [1, 1]} : vector<48x512xf32> to vector<1x512xf32>
    %mul3A_317 = vector.broadcast %slice3A_316 : vector<1x512xf32> to vector<236x512xf32>
    %mul3A_318 = arith.mulf %slice3A_315, %mul3A_317 : vector<236x512xf32>
    %add3A_319 = arith.addf %add3A_296, %mul3A_318 : vector<236x512xf32>
    %slice3A_320 = vector.extract_strided_slice %max3A_314 {offsets = [1, 0], sizes = [236, 512], strides = [1, 1]} : vector<238x512xf32> to vector<236x512xf32>
    %slice3A_321 = vector.extract_strided_slice %mul3A_23 {offsets = [25, 0], sizes = [1, 512], strides = [1, 1]} : vector<48x512xf32> to vector<1x512xf32>
    %mul3A_322 = vector.broadcast %slice3A_321 : vector<1x512xf32> to vector<236x512xf32>
    %mul3A_323 = arith.mulf %slice3A_320, %mul3A_322 : vector<236x512xf32>
    %add3A_324 = arith.addf %add3A_319, %mul3A_323 : vector<236x512xf32>
    %slice3A_325 = vector.extract_strided_slice %max3A_314 {offsets = [2, 0], sizes = [236, 512], strides = [1, 1]} : vector<238x512xf32> to vector<236x512xf32>
    %slice3A_326 = vector.extract_strided_slice %mul3A_23 {offsets = [26, 0], sizes = [1, 512], strides = [1, 1]} : vector<48x512xf32> to vector<1x512xf32>
    %mul3A_327 = vector.broadcast %slice3A_326 : vector<1x512xf32> to vector<236x512xf32>
    %mul3A_328 = arith.mulf %slice3A_325, %mul3A_327 : vector<236x512xf32>
    %add3A_329 = arith.addf %add3A_324, %mul3A_328 : vector<236x512xf32>
    %slice3A_330 = vector.extract_strided_slice %mul3A_12 {offsets = [27, 0], sizes = [1, 512], strides = [1, 1]} : vector<48x512xf32> to vector<1x512xf32>
    %mul3A_331 = vector.broadcast %slice3A_330 : vector<1x512xf32> to vector<238x512xf32>
    %mul3A_332 = arith.mulf %slice3A, %mul3A_331 : vector<238x512xf32>
    %slice3A_333 = vector.extract_strided_slice %mul3A_12 {offsets = [28, 0], sizes = [1, 512], strides = [1, 1]} : vector<48x512xf32> to vector<1x512xf32>
    %mul3A_334 = vector.broadcast %slice3A_333 : vector<1x512xf32> to vector<238x512xf32>
    %mul3A_335 = arith.mulf %slice3A_32, %mul3A_334 : vector<238x512xf32>
    %add3A_336 = arith.addf %mul3A_332, %mul3A_335 : vector<238x512xf32>
    %slice3A_337 = vector.extract_strided_slice %mul3A_12 {offsets = [29, 0], sizes = [1, 512], strides = [1, 1]} : vector<48x512xf32> to vector<1x512xf32>
    %mul3A_338 = vector.broadcast %slice3A_337 : vector<1x512xf32> to vector<238x512xf32>
    %mul3A_339 = arith.mulf %slice3A_33, %mul3A_338 : vector<238x512xf32>
    %add3A_340 = arith.addf %add3A_336, %mul3A_339 : vector<238x512xf32>
    %slice3A_341 = vector.extract_strided_slice %get3A_26 {offsets = [9, 0], sizes = [1, 512], strides = [1, 1]} : vector<16x512xf32> to vector<1x512xf32>
    %add3A_342 = vector.broadcast %slice3A_341 : vector<1x512xf32> to vector<238x512xf32>
    %add3A_343 = arith.addf %add3A_340, %add3A_342 : vector<238x512xf32>
    %mul3A_344 = arith.constant 0.00999999977 : f32
    %mul3A_345 = vector.broadcast %mul3A_344 : f32 to vector<238x512xf32>
    %mul3A_346 = arith.mulf %mul3A_345, %add3A_343 : vector<238x512xf32>
    %max3A_347 = arith.maximumf %add3A_343, %mul3A_346 : vector<238x512xf32>
    %slice3A_348 = vector.extract_strided_slice %max3A_347 {offsets = [0, 0], sizes = [236, 512], strides = [1, 1]} : vector<238x512xf32> to vector<236x512xf32>
    %slice3A_349 = vector.extract_strided_slice %mul3A_23 {offsets = [27, 0], sizes = [1, 512], strides = [1, 1]} : vector<48x512xf32> to vector<1x512xf32>
    %mul3A_350 = vector.broadcast %slice3A_349 : vector<1x512xf32> to vector<236x512xf32>
    %mul3A_351 = arith.mulf %slice3A_348, %mul3A_350 : vector<236x512xf32>
    %add3A_352 = arith.addf %add3A_329, %mul3A_351 : vector<236x512xf32>
    %slice3A_353 = vector.extract_strided_slice %max3A_347 {offsets = [1, 0], sizes = [236, 512], strides = [1, 1]} : vector<238x512xf32> to vector<236x512xf32>
    %slice3A_354 = vector.extract_strided_slice %mul3A_23 {offsets = [28, 0], sizes = [1, 512], strides = [1, 1]} : vector<48x512xf32> to vector<1x512xf32>
    %mul3A_355 = vector.broadcast %slice3A_354 : vector<1x512xf32> to vector<236x512xf32>
    %mul3A_356 = arith.mulf %slice3A_353, %mul3A_355 : vector<236x512xf32>
    %add3A_357 = arith.addf %add3A_352, %mul3A_356 : vector<236x512xf32>
    %slice3A_358 = vector.extract_strided_slice %max3A_347 {offsets = [2, 0], sizes = [236, 512], strides = [1, 1]} : vector<238x512xf32> to vector<236x512xf32>
    %slice3A_359 = vector.extract_strided_slice %mul3A_23 {offsets = [29, 0], sizes = [1, 512], strides = [1, 1]} : vector<48x512xf32> to vector<1x512xf32>
    %mul3A_360 = vector.broadcast %slice3A_359 : vector<1x512xf32> to vector<236x512xf32>
    %mul3A_361 = arith.mulf %slice3A_358, %mul3A_360 : vector<236x512xf32>
    %add3A_362 = arith.addf %add3A_357, %mul3A_361 : vector<236x512xf32>
    %slice3A_363 = vector.extract_strided_slice %mul3A_12 {offsets = [30, 0], sizes = [1, 512], strides = [1, 1]} : vector<48x512xf32> to vector<1x512xf32>
    %mul3A_364 = vector.broadcast %slice3A_363 : vector<1x512xf32> to vector<238x512xf32>
    %mul3A_365 = arith.mulf %slice3A, %mul3A_364 : vector<238x512xf32>
    %slice3A_366 = vector.extract_strided_slice %mul3A_12 {offsets = [31, 0], sizes = [1, 512], strides = [1, 1]} : vector<48x512xf32> to vector<1x512xf32>
    %mul3A_367 = vector.broadcast %slice3A_366 : vector<1x512xf32> to vector<238x512xf32>
    %mul3A_368 = arith.mulf %slice3A_32, %mul3A_367 : vector<238x512xf32>
    %add3A_369 = arith.addf %mul3A_365, %mul3A_368 : vector<238x512xf32>
    %slice3A_370 = vector.extract_strided_slice %mul3A_12 {offsets = [32, 0], sizes = [1, 512], strides = [1, 1]} : vector<48x512xf32> to vector<1x512xf32>
    %mul3A_371 = vector.broadcast %slice3A_370 : vector<1x512xf32> to vector<238x512xf32>
    %mul3A_372 = arith.mulf %slice3A_33, %mul3A_371 : vector<238x512xf32>
    %add3A_373 = arith.addf %add3A_369, %mul3A_372 : vector<238x512xf32>
    %slice3A_374 = vector.extract_strided_slice %get3A_26 {offsets = [10, 0], sizes = [1, 512], strides = [1, 1]} : vector<16x512xf32> to vector<1x512xf32>
    %add3A_375 = vector.broadcast %slice3A_374 : vector<1x512xf32> to vector<238x512xf32>
    %add3A_376 = arith.addf %add3A_373, %add3A_375 : vector<238x512xf32>
    %mul3A_377 = arith.constant 0.00999999977 : f32
    %mul3A_378 = vector.broadcast %mul3A_377 : f32 to vector<238x512xf32>
    %mul3A_379 = arith.mulf %mul3A_378, %add3A_376 : vector<238x512xf32>
    %max3A_380 = arith.maximumf %add3A_376, %mul3A_379 : vector<238x512xf32>
    %slice3A_381 = vector.extract_strided_slice %max3A_380 {offsets = [0, 0], sizes = [236, 512], strides = [1, 1]} : vector<238x512xf32> to vector<236x512xf32>
    %slice3A_382 = vector.extract_strided_slice %mul3A_23 {offsets = [30, 0], sizes = [1, 512], strides = [1, 1]} : vector<48x512xf32> to vector<1x512xf32>
    %mul3A_383 = vector.broadcast %slice3A_382 : vector<1x512xf32> to vector<236x512xf32>
    %mul3A_384 = arith.mulf %slice3A_381, %mul3A_383 : vector<236x512xf32>
    %add3A_385 = arith.addf %add3A_362, %mul3A_384 : vector<236x512xf32>
    %slice3A_386 = vector.extract_strided_slice %max3A_380 {offsets = [1, 0], sizes = [236, 512], strides = [1, 1]} : vector<238x512xf32> to vector<236x512xf32>
    %slice3A_387 = vector.extract_strided_slice %mul3A_23 {offsets = [31, 0], sizes = [1, 512], strides = [1, 1]} : vector<48x512xf32> to vector<1x512xf32>
    %mul3A_388 = vector.broadcast %slice3A_387 : vector<1x512xf32> to vector<236x512xf32>
    %mul3A_389 = arith.mulf %slice3A_386, %mul3A_388 : vector<236x512xf32>
    %add3A_390 = arith.addf %add3A_385, %mul3A_389 : vector<236x512xf32>
    %slice3A_391 = vector.extract_strided_slice %max3A_380 {offsets = [2, 0], sizes = [236, 512], strides = [1, 1]} : vector<238x512xf32> to vector<236x512xf32>
    %slice3A_392 = vector.extract_strided_slice %mul3A_23 {offsets = [32, 0], sizes = [1, 512], strides = [1, 1]} : vector<48x512xf32> to vector<1x512xf32>
    %mul3A_393 = vector.broadcast %slice3A_392 : vector<1x512xf32> to vector<236x512xf32>
    %mul3A_394 = arith.mulf %slice3A_391, %mul3A_393 : vector<236x512xf32>
    %add3A_395 = arith.addf %add3A_390, %mul3A_394 : vector<236x512xf32>
    %slice3A_396 = vector.extract_strided_slice %mul3A_12 {offsets = [33, 0], sizes = [1, 512], strides = [1, 1]} : vector<48x512xf32> to vector<1x512xf32>
    %mul3A_397 = vector.broadcast %slice3A_396 : vector<1x512xf32> to vector<238x512xf32>
    %mul3A_398 = arith.mulf %slice3A, %mul3A_397 : vector<238x512xf32>
    %slice3A_399 = vector.extract_strided_slice %mul3A_12 {offsets = [34, 0], sizes = [1, 512], strides = [1, 1]} : vector<48x512xf32> to vector<1x512xf32>
    %mul3A_400 = vector.broadcast %slice3A_399 : vector<1x512xf32> to vector<238x512xf32>
    %mul3A_401 = arith.mulf %slice3A_32, %mul3A_400 : vector<238x512xf32>
    %add3A_402 = arith.addf %mul3A_398, %mul3A_401 : vector<238x512xf32>
    %slice3A_403 = vector.extract_strided_slice %mul3A_12 {offsets = [35, 0], sizes = [1, 512], strides = [1, 1]} : vector<48x512xf32> to vector<1x512xf32>
    %mul3A_404 = vector.broadcast %slice3A_403 : vector<1x512xf32> to vector<238x512xf32>
    %mul3A_405 = arith.mulf %slice3A_33, %mul3A_404 : vector<238x512xf32>
    %add3A_406 = arith.addf %add3A_402, %mul3A_405 : vector<238x512xf32>
    %slice3A_407 = vector.extract_strided_slice %get3A_26 {offsets = [11, 0], sizes = [1, 512], strides = [1, 1]} : vector<16x512xf32> to vector<1x512xf32>
    %add3A_408 = vector.broadcast %slice3A_407 : vector<1x512xf32> to vector<238x512xf32>
    %add3A_409 = arith.addf %add3A_406, %add3A_408 : vector<238x512xf32>
    %mul3A_410 = arith.constant 0.00999999977 : f32
    %mul3A_411 = vector.broadcast %mul3A_410 : f32 to vector<238x512xf32>
    %mul3A_412 = arith.mulf %mul3A_411, %add3A_409 : vector<238x512xf32>
    %max3A_413 = arith.maximumf %add3A_409, %mul3A_412 : vector<238x512xf32>
    %slice3A_414 = vector.extract_strided_slice %max3A_413 {offsets = [0, 0], sizes = [236, 512], strides = [1, 1]} : vector<238x512xf32> to vector<236x512xf32>
    %slice3A_415 = vector.extract_strided_slice %mul3A_23 {offsets = [33, 0], sizes = [1, 512], strides = [1, 1]} : vector<48x512xf32> to vector<1x512xf32>
    %mul3A_416 = vector.broadcast %slice3A_415 : vector<1x512xf32> to vector<236x512xf32>
    %mul3A_417 = arith.mulf %slice3A_414, %mul3A_416 : vector<236x512xf32>
    %add3A_418 = arith.addf %add3A_395, %mul3A_417 : vector<236x512xf32>
    %slice3A_419 = vector.extract_strided_slice %max3A_413 {offsets = [1, 0], sizes = [236, 512], strides = [1, 1]} : vector<238x512xf32> to vector<236x512xf32>
    %slice3A_420 = vector.extract_strided_slice %mul3A_23 {offsets = [34, 0], sizes = [1, 512], strides = [1, 1]} : vector<48x512xf32> to vector<1x512xf32>
    %mul3A_421 = vector.broadcast %slice3A_420 : vector<1x512xf32> to vector<236x512xf32>
    %mul3A_422 = arith.mulf %slice3A_419, %mul3A_421 : vector<236x512xf32>
    %add3A_423 = arith.addf %add3A_418, %mul3A_422 : vector<236x512xf32>
    %slice3A_424 = vector.extract_strided_slice %max3A_413 {offsets = [2, 0], sizes = [236, 512], strides = [1, 1]} : vector<238x512xf32> to vector<236x512xf32>
    %slice3A_425 = vector.extract_strided_slice %mul3A_23 {offsets = [35, 0], sizes = [1, 512], strides = [1, 1]} : vector<48x512xf32> to vector<1x512xf32>
    %mul3A_426 = vector.broadcast %slice3A_425 : vector<1x512xf32> to vector<236x512xf32>
    %mul3A_427 = arith.mulf %slice3A_424, %mul3A_426 : vector<236x512xf32>
    %add3A_428 = arith.addf %add3A_423, %mul3A_427 : vector<236x512xf32>
    %slice3A_429 = vector.extract_strided_slice %mul3A_12 {offsets = [36, 0], sizes = [1, 512], strides = [1, 1]} : vector<48x512xf32> to vector<1x512xf32>
    %mul3A_430 = vector.broadcast %slice3A_429 : vector<1x512xf32> to vector<238x512xf32>
    %mul3A_431 = arith.mulf %slice3A, %mul3A_430 : vector<238x512xf32>
    %slice3A_432 = vector.extract_strided_slice %mul3A_12 {offsets = [37, 0], sizes = [1, 512], strides = [1, 1]} : vector<48x512xf32> to vector<1x512xf32>
    %mul3A_433 = vector.broadcast %slice3A_432 : vector<1x512xf32> to vector<238x512xf32>
    %mul3A_434 = arith.mulf %slice3A_32, %mul3A_433 : vector<238x512xf32>
    %add3A_435 = arith.addf %mul3A_431, %mul3A_434 : vector<238x512xf32>
    %slice3A_436 = vector.extract_strided_slice %mul3A_12 {offsets = [38, 0], sizes = [1, 512], strides = [1, 1]} : vector<48x512xf32> to vector<1x512xf32>
    %mul3A_437 = vector.broadcast %slice3A_436 : vector<1x512xf32> to vector<238x512xf32>
    %mul3A_438 = arith.mulf %slice3A_33, %mul3A_437 : vector<238x512xf32>
    %add3A_439 = arith.addf %add3A_435, %mul3A_438 : vector<238x512xf32>
    %slice3A_440 = vector.extract_strided_slice %get3A_26 {offsets = [12, 0], sizes = [1, 512], strides = [1, 1]} : vector<16x512xf32> to vector<1x512xf32>
    %add3A_441 = vector.broadcast %slice3A_440 : vector<1x512xf32> to vector<238x512xf32>
    %add3A_442 = arith.addf %add3A_439, %add3A_441 : vector<238x512xf32>
    %mul3A_443 = arith.constant 0.00999999977 : f32
    %mul3A_444 = vector.broadcast %mul3A_443 : f32 to vector<238x512xf32>
    %mul3A_445 = arith.mulf %mul3A_444, %add3A_442 : vector<238x512xf32>
    %max3A_446 = arith.maximumf %add3A_442, %mul3A_445 : vector<238x512xf32>
    %slice3A_447 = vector.extract_strided_slice %max3A_446 {offsets = [0, 0], sizes = [236, 512], strides = [1, 1]} : vector<238x512xf32> to vector<236x512xf32>
    %slice3A_448 = vector.extract_strided_slice %mul3A_23 {offsets = [36, 0], sizes = [1, 512], strides = [1, 1]} : vector<48x512xf32> to vector<1x512xf32>
    %mul3A_449 = vector.broadcast %slice3A_448 : vector<1x512xf32> to vector<236x512xf32>
    %mul3A_450 = arith.mulf %slice3A_447, %mul3A_449 : vector<236x512xf32>
    %add3A_451 = arith.addf %add3A_428, %mul3A_450 : vector<236x512xf32>
    %slice3A_452 = vector.extract_strided_slice %max3A_446 {offsets = [1, 0], sizes = [236, 512], strides = [1, 1]} : vector<238x512xf32> to vector<236x512xf32>
    %slice3A_453 = vector.extract_strided_slice %mul3A_23 {offsets = [37, 0], sizes = [1, 512], strides = [1, 1]} : vector<48x512xf32> to vector<1x512xf32>
    %mul3A_454 = vector.broadcast %slice3A_453 : vector<1x512xf32> to vector<236x512xf32>
    %mul3A_455 = arith.mulf %slice3A_452, %mul3A_454 : vector<236x512xf32>
    %add3A_456 = arith.addf %add3A_451, %mul3A_455 : vector<236x512xf32>
    %slice3A_457 = vector.extract_strided_slice %max3A_446 {offsets = [2, 0], sizes = [236, 512], strides = [1, 1]} : vector<238x512xf32> to vector<236x512xf32>
    %slice3A_458 = vector.extract_strided_slice %mul3A_23 {offsets = [38, 0], sizes = [1, 512], strides = [1, 1]} : vector<48x512xf32> to vector<1x512xf32>
    %mul3A_459 = vector.broadcast %slice3A_458 : vector<1x512xf32> to vector<236x512xf32>
    %mul3A_460 = arith.mulf %slice3A_457, %mul3A_459 : vector<236x512xf32>
    %add3A_461 = arith.addf %add3A_456, %mul3A_460 : vector<236x512xf32>
    %slice3A_462 = vector.extract_strided_slice %mul3A_12 {offsets = [39, 0], sizes = [1, 512], strides = [1, 1]} : vector<48x512xf32> to vector<1x512xf32>
    %mul3A_463 = vector.broadcast %slice3A_462 : vector<1x512xf32> to vector<238x512xf32>
    %mul3A_464 = arith.mulf %slice3A, %mul3A_463 : vector<238x512xf32>
    %slice3A_465 = vector.extract_strided_slice %mul3A_12 {offsets = [40, 0], sizes = [1, 512], strides = [1, 1]} : vector<48x512xf32> to vector<1x512xf32>
    %mul3A_466 = vector.broadcast %slice3A_465 : vector<1x512xf32> to vector<238x512xf32>
    %mul3A_467 = arith.mulf %slice3A_32, %mul3A_466 : vector<238x512xf32>
    %add3A_468 = arith.addf %mul3A_464, %mul3A_467 : vector<238x512xf32>
    %slice3A_469 = vector.extract_strided_slice %mul3A_12 {offsets = [41, 0], sizes = [1, 512], strides = [1, 1]} : vector<48x512xf32> to vector<1x512xf32>
    %mul3A_470 = vector.broadcast %slice3A_469 : vector<1x512xf32> to vector<238x512xf32>
    %mul3A_471 = arith.mulf %slice3A_33, %mul3A_470 : vector<238x512xf32>
    %add3A_472 = arith.addf %add3A_468, %mul3A_471 : vector<238x512xf32>
    %slice3A_473 = vector.extract_strided_slice %get3A_26 {offsets = [13, 0], sizes = [1, 512], strides = [1, 1]} : vector<16x512xf32> to vector<1x512xf32>
    %add3A_474 = vector.broadcast %slice3A_473 : vector<1x512xf32> to vector<238x512xf32>
    %add3A_475 = arith.addf %add3A_472, %add3A_474 : vector<238x512xf32>
    %mul3A_476 = arith.constant 0.00999999977 : f32
    %mul3A_477 = vector.broadcast %mul3A_476 : f32 to vector<238x512xf32>
    %mul3A_478 = arith.mulf %mul3A_477, %add3A_475 : vector<238x512xf32>
    %max3A_479 = arith.maximumf %add3A_475, %mul3A_478 : vector<238x512xf32>
    %slice3A_480 = vector.extract_strided_slice %max3A_479 {offsets = [0, 0], sizes = [236, 512], strides = [1, 1]} : vector<238x512xf32> to vector<236x512xf32>
    %slice3A_481 = vector.extract_strided_slice %mul3A_23 {offsets = [39, 0], sizes = [1, 512], strides = [1, 1]} : vector<48x512xf32> to vector<1x512xf32>
    %mul3A_482 = vector.broadcast %slice3A_481 : vector<1x512xf32> to vector<236x512xf32>
    %mul3A_483 = arith.mulf %slice3A_480, %mul3A_482 : vector<236x512xf32>
    %add3A_484 = arith.addf %add3A_461, %mul3A_483 : vector<236x512xf32>
    %slice3A_485 = vector.extract_strided_slice %max3A_479 {offsets = [1, 0], sizes = [236, 512], strides = [1, 1]} : vector<238x512xf32> to vector<236x512xf32>
    %slice3A_486 = vector.extract_strided_slice %mul3A_23 {offsets = [40, 0], sizes = [1, 512], strides = [1, 1]} : vector<48x512xf32> to vector<1x512xf32>
    %mul3A_487 = vector.broadcast %slice3A_486 : vector<1x512xf32> to vector<236x512xf32>
    %mul3A_488 = arith.mulf %slice3A_485, %mul3A_487 : vector<236x512xf32>
    %add3A_489 = arith.addf %add3A_484, %mul3A_488 : vector<236x512xf32>
    %slice3A_490 = vector.extract_strided_slice %max3A_479 {offsets = [2, 0], sizes = [236, 512], strides = [1, 1]} : vector<238x512xf32> to vector<236x512xf32>
    %slice3A_491 = vector.extract_strided_slice %mul3A_23 {offsets = [41, 0], sizes = [1, 512], strides = [1, 1]} : vector<48x512xf32> to vector<1x512xf32>
    %mul3A_492 = vector.broadcast %slice3A_491 : vector<1x512xf32> to vector<236x512xf32>
    %mul3A_493 = arith.mulf %slice3A_490, %mul3A_492 : vector<236x512xf32>
    %add3A_494 = arith.addf %add3A_489, %mul3A_493 : vector<236x512xf32>
    %slice3A_495 = vector.extract_strided_slice %mul3A_12 {offsets = [42, 0], sizes = [1, 512], strides = [1, 1]} : vector<48x512xf32> to vector<1x512xf32>
    %mul3A_496 = vector.broadcast %slice3A_495 : vector<1x512xf32> to vector<238x512xf32>
    %mul3A_497 = arith.mulf %slice3A, %mul3A_496 : vector<238x512xf32>
    %slice3A_498 = vector.extract_strided_slice %mul3A_12 {offsets = [43, 0], sizes = [1, 512], strides = [1, 1]} : vector<48x512xf32> to vector<1x512xf32>
    %mul3A_499 = vector.broadcast %slice3A_498 : vector<1x512xf32> to vector<238x512xf32>
    %mul3A_500 = arith.mulf %slice3A_32, %mul3A_499 : vector<238x512xf32>
    %add3A_501 = arith.addf %mul3A_497, %mul3A_500 : vector<238x512xf32>
    %slice3A_502 = vector.extract_strided_slice %mul3A_12 {offsets = [44, 0], sizes = [1, 512], strides = [1, 1]} : vector<48x512xf32> to vector<1x512xf32>
    %mul3A_503 = vector.broadcast %slice3A_502 : vector<1x512xf32> to vector<238x512xf32>
    %mul3A_504 = arith.mulf %slice3A_33, %mul3A_503 : vector<238x512xf32>
    %add3A_505 = arith.addf %add3A_501, %mul3A_504 : vector<238x512xf32>
    %slice3A_506 = vector.extract_strided_slice %get3A_26 {offsets = [14, 0], sizes = [1, 512], strides = [1, 1]} : vector<16x512xf32> to vector<1x512xf32>
    %add3A_507 = vector.broadcast %slice3A_506 : vector<1x512xf32> to vector<238x512xf32>
    %add3A_508 = arith.addf %add3A_505, %add3A_507 : vector<238x512xf32>
    %mul3A_509 = arith.constant 0.00999999977 : f32
    %mul3A_510 = vector.broadcast %mul3A_509 : f32 to vector<238x512xf32>
    %mul3A_511 = arith.mulf %mul3A_510, %add3A_508 : vector<238x512xf32>
    %max3A_512 = arith.maximumf %add3A_508, %mul3A_511 : vector<238x512xf32>
    %slice3A_513 = vector.extract_strided_slice %max3A_512 {offsets = [0, 0], sizes = [236, 512], strides = [1, 1]} : vector<238x512xf32> to vector<236x512xf32>
    %slice3A_514 = vector.extract_strided_slice %mul3A_23 {offsets = [42, 0], sizes = [1, 512], strides = [1, 1]} : vector<48x512xf32> to vector<1x512xf32>
    %mul3A_515 = vector.broadcast %slice3A_514 : vector<1x512xf32> to vector<236x512xf32>
    %mul3A_516 = arith.mulf %slice3A_513, %mul3A_515 : vector<236x512xf32>
    %add3A_517 = arith.addf %add3A_494, %mul3A_516 : vector<236x512xf32>
    %slice3A_518 = vector.extract_strided_slice %max3A_512 {offsets = [1, 0], sizes = [236, 512], strides = [1, 1]} : vector<238x512xf32> to vector<236x512xf32>
    %slice3A_519 = vector.extract_strided_slice %mul3A_23 {offsets = [43, 0], sizes = [1, 512], strides = [1, 1]} : vector<48x512xf32> to vector<1x512xf32>
    %mul3A_520 = vector.broadcast %slice3A_519 : vector<1x512xf32> to vector<236x512xf32>
    %mul3A_521 = arith.mulf %slice3A_518, %mul3A_520 : vector<236x512xf32>
    %add3A_522 = arith.addf %add3A_517, %mul3A_521 : vector<236x512xf32>
    %slice3A_523 = vector.extract_strided_slice %max3A_512 {offsets = [2, 0], sizes = [236, 512], strides = [1, 1]} : vector<238x512xf32> to vector<236x512xf32>
    %slice3A_524 = vector.extract_strided_slice %mul3A_23 {offsets = [44, 0], sizes = [1, 512], strides = [1, 1]} : vector<48x512xf32> to vector<1x512xf32>
    %mul3A_525 = vector.broadcast %slice3A_524 : vector<1x512xf32> to vector<236x512xf32>
    %mul3A_526 = arith.mulf %slice3A_523, %mul3A_525 : vector<236x512xf32>
    %add3A_527 = arith.addf %add3A_522, %mul3A_526 : vector<236x512xf32>
    %slice3A_528 = vector.extract_strided_slice %mul3A_12 {offsets = [45, 0], sizes = [1, 512], strides = [1, 1]} : vector<48x512xf32> to vector<1x512xf32>
    %mul3A_529 = vector.broadcast %slice3A_528 : vector<1x512xf32> to vector<238x512xf32>
    %mul3A_530 = arith.mulf %slice3A, %mul3A_529 : vector<238x512xf32>
    %slice3A_531 = vector.extract_strided_slice %mul3A_12 {offsets = [46, 0], sizes = [1, 512], strides = [1, 1]} : vector<48x512xf32> to vector<1x512xf32>
    %mul3A_532 = vector.broadcast %slice3A_531 : vector<1x512xf32> to vector<238x512xf32>
    %mul3A_533 = arith.mulf %slice3A_32, %mul3A_532 : vector<238x512xf32>
    %add3A_534 = arith.addf %mul3A_530, %mul3A_533 : vector<238x512xf32>
    %slice3A_535 = vector.extract_strided_slice %mul3A_12 {offsets = [47, 0], sizes = [1, 512], strides = [1, 1]} : vector<48x512xf32> to vector<1x512xf32>
    %mul3A_536 = vector.broadcast %slice3A_535 : vector<1x512xf32> to vector<238x512xf32>
    %mul3A_537 = arith.mulf %slice3A_33, %mul3A_536 : vector<238x512xf32>
    %add3A_538 = arith.addf %add3A_534, %mul3A_537 : vector<238x512xf32>
    %slice3A_539 = vector.extract_strided_slice %get3A_26 {offsets = [15, 0], sizes = [1, 512], strides = [1, 1]} : vector<16x512xf32> to vector<1x512xf32>
    %add3A_540 = vector.broadcast %slice3A_539 : vector<1x512xf32> to vector<238x512xf32>
    %add3A_541 = arith.addf %add3A_538, %add3A_540 : vector<238x512xf32>
    %mul3A_542 = arith.constant 0.00999999977 : f32
    %mul3A_543 = vector.broadcast %mul3A_542 : f32 to vector<238x512xf32>
    %mul3A_544 = arith.mulf %mul3A_543, %add3A_541 : vector<238x512xf32>
    %max3A_545 = arith.maximumf %add3A_541, %mul3A_544 : vector<238x512xf32>
    %slice3A_546 = vector.extract_strided_slice %max3A_545 {offsets = [0, 0], sizes = [236, 512], strides = [1, 1]} : vector<238x512xf32> to vector<236x512xf32>
    %slice3A_547 = vector.extract_strided_slice %mul3A_23 {offsets = [45, 0], sizes = [1, 512], strides = [1, 1]} : vector<48x512xf32> to vector<1x512xf32>
    %mul3A_548 = vector.broadcast %slice3A_547 : vector<1x512xf32> to vector<236x512xf32>
    %mul3A_549 = arith.mulf %slice3A_546, %mul3A_548 : vector<236x512xf32>
    %add3A_550 = arith.addf %add3A_527, %mul3A_549 : vector<236x512xf32>
    %slice3A_551 = vector.extract_strided_slice %max3A_545 {offsets = [1, 0], sizes = [236, 512], strides = [1, 1]} : vector<238x512xf32> to vector<236x512xf32>
    %slice3A_552 = vector.extract_strided_slice %mul3A_23 {offsets = [46, 0], sizes = [1, 512], strides = [1, 1]} : vector<48x512xf32> to vector<1x512xf32>
    %mul3A_553 = vector.broadcast %slice3A_552 : vector<1x512xf32> to vector<236x512xf32>
    %mul3A_554 = arith.mulf %slice3A_551, %mul3A_553 : vector<236x512xf32>
    %add3A_555 = arith.addf %add3A_550, %mul3A_554 : vector<236x512xf32>
    %slice3A_556 = vector.extract_strided_slice %max3A_545 {offsets = [2, 0], sizes = [236, 512], strides = [1, 1]} : vector<238x512xf32> to vector<236x512xf32>
    %slice3A_557 = vector.extract_strided_slice %mul3A_23 {offsets = [47, 0], sizes = [1, 512], strides = [1, 1]} : vector<48x512xf32> to vector<1x512xf32>
    %mul3A_558 = vector.broadcast %slice3A_557 : vector<1x512xf32> to vector<236x512xf32>
    %mul3A_559 = arith.mulf %slice3A_556, %mul3A_558 : vector<236x512xf32>
    %add3A_560 = arith.addf %add3A_555, %mul3A_559 : vector<236x512xf32>
    %mul3A_561 = arith.constant 0.00999999977 : f32
    %mul3A_562 = vector.broadcast %mul3A_561 : f32 to vector<236x512xf32>
    %mul3A_563 = arith.mulf %mul3A_562, %add3A_560 : vector<236x512xf32>
    %max3A_564 = arith.maximumf %add3A_560, %mul3A_563 : vector<236x512xf32>
    %get3A_565 = arith.constant 0 : index
    %get3A_566 = arith.constant 0 : index
    %get3A_567 = vector.load %arg7[%get3A_565, %get3A_566] : memref<236x256xf32, #tpu.memory_space<vmem>>, vector<236x256xf32>
    %dot_general3A = arith.constant dense<0.000000e+00> : vector<512x256xf32>
    %dot_general3A_568 = tpu.matmul %max3A_564, %get3A_567, %dot_general3A {dimension_numbers = #tpu.dot_dimension_numbers<[0], [0], [1], [1], [0, 1, 1, 1], [], []>, transpose_lhs_hint = false} : vector<236x512xf32>, vector<236x256xf32>, vector<512x256xf32> -> vector<512x256xf32>
    %swap3A = arith.constant 0 : index
    %swap3A_569 = arith.constant 0 : index
    %swap3A_570 = arith.constant 0 : index
    %swap3A_571 = vector.load %arg12[%swap3A, %swap3A_569, %swap3A_570] : memref<1x512x256xf32, #tpu.memory_space<vmem>>, vector<1x512x256xf32>
    %swap3A_572 = vector.shape_cast %swap3A_571 : vector<1x512x256xf32> to vector<512x256xf32>
    %swap3A_573 = vector.shape_cast %dot_general3A_568 : vector<512x256xf32> to vector<1x512x256xf32>
    tpu.vector_store %arg12[%swap3A, %swap3A_569, %swap3A_570], %swap3A_573 {strides = array<i32>} : memref<1x512x256xf32, #tpu.memory_space<vmem>>, vector<1x512x256xf32>,
    %get3A_574 = arith.constant 0 : index
    %get3A_575 = arith.constant 0 : index
    %get3A_576 = vector.load %arg8[%get3A_574, %get3A_575] : memref<240x256xf32, #tpu.memory_space<vmem>>, vector<240x256xf32>
    %dot_general3A_577 = arith.constant dense<0.000000e+00> : vector<512x256xf32>
    %dot_general3A_578 = tpu.matmul %get3A_3, %get3A_576, %dot_general3A_577 {dimension_numbers = #tpu.dot_dimension_numbers<[0], [0], [1], [1], [0, 1, 1, 1], [], []>, transpose_lhs_hint = false} : vector<240x512xf32>, vector<240x256xf32>, vector<512x256xf32> -> vector<512x256xf32>
    %get3A_579 = arith.constant 0 : index
    %get3A_580 = arith.constant 0 : index
    %get3A_581 = vector.load %arg9[%get3A_579, %get3A_580] : memref<1x256xf32, #tpu.memory_space<vmem>>, vector<1x256xf32>
    %add3A_582 = vector.broadcast %get3A_581 : vector<1x256xf32> to vector<512x256xf32>
    %add3A_583 = arith.addf %dot_general3A_578, %add3A_582 : vector<512x256xf32>
    %swap3A_584 = arith.constant 0 : index
    %swap3A_585 = arith.constant 0 : index
    %swap3A_586 = arith.constant 0 : index
    %swap3A_587 = vector.load %arg13[%swap3A_584, %swap3A_585, %swap3A_586] : memref<1x512x256xf32, #tpu.memory_space<vmem>>, vector<1x512x256xf32>
    %swap3A_588 = vector.shape_cast %swap3A_587 : vector<1x512x256xf32> to vector<512x256xf32>
    %swap3A_589 = vector.shape_cast %add3A_583 : vector<512x256xf32> to vector<1x512x256xf32>
    tpu.vector_store %arg13[%swap3A_584, %swap3A_585, %swap3A_586], %swap3A_589 {strides = array<i32>} : memref<1x512x256xf32, #tpu.memory_space<vmem>>, vector<1x512x256xf32>,
    return
  }
  func.func @transform_0(%arg0: i32, %arg1: i32) -> (i32, i32, i32) {
    %c0_i32 = arith.constant 0 : i32
    %c0_i32_0 = arith.constant 0 : i32
    return %arg0, %c0_i32, %arg1 : i32, i32, i32
  }
  func.func @transform_1(%arg0: i32, %arg1: i32) -> (i32, i32) {
    %c0_i32 = arith.constant 0 : i32
    %c0_i32_0 = arith.constant 0 : i32
    return %c0_i32, %arg1 : i32, i32
  }
  func.func @transform_2(%arg0: i32, %arg1: i32) -> (i32, i32) {
    %c0_i32 = arith.constant 0 : i32
    %c0_i32_0 = arith.constant 0 : i32
    return %c0_i32, %arg1 : i32, i32
  }
  func.func @transform_3(%arg0: i32, %arg1: i32) -> (i32, i32) {
    %c0_i32 = arith.constant 0 : i32
    %c0_i32_0 = arith.constant 0 : i32
    return %c0_i32, %arg1 : i32, i32
  }
  func.func @transform_4(%arg0: i32, %arg1: i32) -> (i32, i32) {
    %c0_i32 = arith.constant 0 : i32
    %c0_i32_0 = arith.constant 0 : i32
    return %c0_i32, %arg1 : i32, i32
  }
  func.func @transform_5(%arg0: i32, %arg1: i32) -> (i32, i32) {
    %c0_i32 = arith.constant 0 : i32
    %c0_i32_0 = arith.constant 0 : i32
    %c0_i32_1 = arith.constant 0 : i32
    return %c0_i32, %c0_i32_0 : i32, i32
  }
  func.func @transform_6(%arg0: i32, %arg1: i32) -> (i32, i32) {
    %c0_i32 = arith.constant 0 : i32
    %c0_i32_0 = arith.constant 0 : i32
    %c0_i32_1 = arith.constant 0 : i32
    return %c0_i32, %c0_i32_0 : i32, i32
  }
  func.func @transform_7(%arg0: i32, %arg1: i32) -> (i32, i32) {
    %c0_i32 = arith.constant 0 : i32
    %c0_i32_0 = arith.constant 0 : i32
    %c0_i32_1 = arith.constant 0 : i32
    return %c0_i32, %c0_i32_0 : i32, i32
  }
  func.func @transform_8(%arg0: i32, %arg1: i32) -> (i32, i32) {
    %c0_i32 = arith.constant 0 : i32
    %c0_i32_0 = arith.constant 0 : i32
    %c0_i32_1 = arith.constant 0 : i32
    return %c0_i32, %c0_i32_0 : i32, i32
  }
  func.func @transform_9(%arg0: i32, %arg1: i32) -> (i32, i32) {
    %c0_i32 = arith.constant 0 : i32
    %c0_i32_0 = arith.constant 0 : i32
    %c0_i32_1 = arith.constant 0 : i32
    return %c0_i32, %c0_i32_0 : i32, i32
  }
  func.func @transform_10(%arg0: i32, %arg1: i32) -> (i32, i32, i32) {
    %c0_i32 = arith.constant 0 : i32
    %c0_i32_0 = arith.constant 0 : i32
    return %arg0, %arg1, %c0_i32 : i32, i32, i32
  }
  func.func @transform_11(%arg0: i32, %arg1: i32) -> (i32, i32, i32) {
    %c0_i32 = arith.constant 0 : i32
    %c0_i32_0 = arith.constant 0 : i32
    return %arg0, %arg1, %c0_i32 : i32, i32, i32
  }
}

module attributes {stable_mosaic.version = 14 : i64} {
  func.func @_deg_body(%arg0: i32, %arg1: memref<256x2048xf32, #tpu.memory_space<vmem>>, %arg2: memref<256x1xf32, #tpu.memory_space<vmem>>) attributes {dimension_semantics = [#tpu.dimension_semantics<arbitrary>], iteration_bounds = array<i64: 8>, scalar_prefetch = 0 : i64, scratch_operands = 0 : i64, tpu.core_type = #tpu.core_type<tc>, window_params = [{transform_indices = @transform_0, window_bounds = array<i64: 256, 2048>}, {transform_indices = @transform_1, window_bounds = array<i64: 256, 1>}]} {
    %get3A = arith.constant 0 : index
    %get3A_0 = arith.constant 0 : index
    %get3A_1 = vector.load %arg1[%get3A, %get3A_0] : memref<256x2048xf32, #tpu.memory_space<vmem>>, vector<256x2048xf32>
    %reduce_sum3A = arith.constant dense<0.000000e+00> : vector<256xf32>
    %reduce_sum3A_2 = vector.multi_reduction <add>, %get3A_1, %reduce_sum3A [1] : vector<256x2048xf32> to vector<256xf32>
    %broadcast_in_dim3A = vector.shape_cast %reduce_sum3A_2 : vector<256xf32> to vector<256x1xf32>
    %add3A = arith.constant 1.000000e+00 : f32
    %add3A_3 = vector.broadcast %add3A : f32 to vector<256x1xf32>
    %add3A_4 = arith.addf %broadcast_in_dim3A, %add3A_3 : vector<256x1xf32>
    %rsqrt3A = math.rsqrt %add3A_4 : vector<256x1xf32>
    %swap3A = arith.constant 0 : index
    %swap3A_5 = arith.constant 0 : index
    %swap3A_6 = vector.load %arg2[%swap3A, %swap3A_5] : memref<256x1xf32, #tpu.memory_space<vmem>>, vector<256x1xf32>
    tpu.vector_store %arg2[%swap3A, %swap3A_5], %rsqrt3A {strides = array<i32>} : memref<256x1xf32, #tpu.memory_space<vmem>>, vector<256x1xf32>,
    return
  }
  func.func @transform_0(%arg0: i32) -> (i32, i32) {
    %c0_i32 = arith.constant 0 : i32
    %c0_i32_0 = arith.constant 0 : i32
    return %arg0, %c0_i32 : i32, i32
  }
  func.func @transform_1(%arg0: i32) -> (i32, i32) {
    %c0_i32 = arith.constant 0 : i32
    %c0_i32_0 = arith.constant 0 : i32
    return %arg0, %c0_i32 : i32, i32
  }
}

module attributes {stable_mosaic.version = 14 : i64} {
  func.func @_gcn_body(%arg0: i32, %arg1: memref<256x2048xf32, #tpu.memory_space<vmem>>, %arg2: memref<4x2048x256xf32, #tpu.memory_space<vmem>>, %arg3: memref<4x256x256xf32, #tpu.memory_space<vmem>>, %arg4: memref<4x256x256xf32, #tpu.memory_space<vmem>>, %arg5: memref<256x1xf32, #tpu.memory_space<vmem>>, %arg6: memref<1x2048xf32, #tpu.memory_space<vmem>>, %arg7: memref<1x256xf32, #tpu.memory_space<vmem>>, %arg8: memref<1x256xf32, #tpu.memory_space<vmem>>, %arg9: memref<1x256xf32, #tpu.memory_space<vmem>>, %arg10: memref<1x256xf32, #tpu.memory_space<vmem>>, %arg11: memref<256x16xf32, #tpu.memory_space<vmem>>, %arg12: memref<1x16xf32, #tpu.memory_space<vmem>>, %arg13: memref<4x256xf32, #tpu.memory_space<vmem>>, %arg14: memref<4x16xf32, #tpu.memory_space<vmem>>) attributes {dimension_semantics = [#tpu.dimension_semantics<arbitrary>], iteration_bounds = array<i64: 8>, scalar_prefetch = 0 : i64, scratch_operands = 0 : i64, tpu.core_type = #tpu.core_type<tc>, window_params = [{transform_indices = @transform_0, window_bounds = array<i64: 256, 2048>}, {pipeline_mode = #tpu.pipeline_mode<synchronous>, transform_indices = @transform_1, window_bounds = array<i64: 4, 2048, 256>}, {transform_indices = @transform_2, window_bounds = array<i64: 4, 256, 256>}, {transform_indices = @transform_3, window_bounds = array<i64: 4, 256, 256>}, {transform_indices = @transform_4, window_bounds = array<i64: 256, 1>}, {pipeline_mode = #tpu.pipeline_mode<synchronous>, transform_indices = @transform_5, window_bounds = array<i64: 1, 2048>}, {pipeline_mode = #tpu.pipeline_mode<synchronous>, transform_indices = @transform_6, window_bounds = array<i64: 1, 256>}, {pipeline_mode = #tpu.pipeline_mode<synchronous>, transform_indices = @transform_7, window_bounds = array<i64: 1, 256>}, {pipeline_mode = #tpu.pipeline_mode<synchronous>, transform_indices = @transform_8, window_bounds = array<i64: 1, 256>}, {pipeline_mode = #tpu.pipeline_mode<synchronous>, transform_indices = @transform_9, window_bounds = array<i64: 1, 256>}, {pipeline_mode = #tpu.pipeline_mode<synchronous>, transform_indices = @transform_10, window_bounds = array<i64: 256, 16>}, {pipeline_mode = #tpu.pipeline_mode<synchronous>, transform_indices = @transform_11, window_bounds = array<i64: 1, 16>}, {pipeline_mode = #tpu.pipeline_mode<synchronous>, transform_indices = @transform_12, window_bounds = array<i64: 4, 256>}, {pipeline_mode = #tpu.pipeline_mode<synchronous>, transform_indices = @transform_13, window_bounds = array<i64: 4, 16>}]} {
    %get3A = arith.constant 0 : index
    %get3A_0 = arith.constant 0 : index
    %get3A_1 = vector.load %arg1[%get3A, %get3A_0] : memref<256x2048xf32, #tpu.memory_space<vmem>>, vector<256x2048xf32>
    %get3A_2 = arith.constant 0 : index
    %get3A_3 = arith.constant 0 : index
    %get3A_4 = vector.load %arg6[%get3A_2, %get3A_3] : memref<1x2048xf32, #tpu.memory_space<vmem>>, vector<1x2048xf32>
    %mul3A = vector.broadcast %get3A_4 : vector<1x2048xf32> to vector<256x2048xf32>
    %mul3A_5 = arith.mulf %get3A_1, %mul3A : vector<256x2048xf32>
    %get3A_6 = arith.constant 0 : index
    %get3A_7 = arith.constant 0 : index
    %get3A_8 = vector.load %arg5[%get3A_6, %get3A_7] : memref<256x1xf32, #tpu.memory_space<vmem>>, vector<256x1xf32>
    %get3A_9 = arith.constant 0 : index
    %get3A_10 = arith.constant 0 : index
    %get3A_11 = vector.load %arg7[%get3A_9, %get3A_10] : memref<1x256xf32, #tpu.memory_space<vmem>>, vector<1x256xf32>
    %get3A_12 = arith.constant 0 : index
    %get3A_13 = arith.constant 0 : index
    %get3A_14 = arith.constant 0 : index
    %get3A_15 = vector.load %arg2[%get3A_12, %get3A_13, %get3A_14] : memref<4x2048x256xf32, #tpu.memory_space<vmem>>, vector<1x2048x256xf32>
    %get3A_16 = vector.shape_cast %get3A_15 : vector<1x2048x256xf32> to vector<2048x256xf32>
    %dot_general3A = arith.constant dense<0.000000e+00> : vector<256x256xf32>
    %dot_general3A_17 = tpu.matmul %mul3A_5, %get3A_16, %dot_general3A {dimension_numbers = #tpu.dot_dimension_numbers<[1], [0], [0], [1], [0, 0, 1, 1], [], []>, transpose_lhs_hint = false} : vector<256x2048xf32>, vector<2048x256xf32>, vector<256x256xf32> -> vector<256x256xf32>
    %mul3A_18 = vector.broadcast %get3A_8 : vector<256x1xf32> to vector<256x256xf32>
    %mul3A_19 = arith.mulf %mul3A_18, %dot_general3A_17 : vector<256x256xf32>
    %mul3A_20 = arith.mulf %get3A_8, %get3A_8 : vector<256x1xf32>
    %get3A_21 = arith.constant 0 : index
    %get3A_22 = arith.constant 0 : index
    %get3A_23 = arith.constant 0 : index
    %get3A_24 = vector.load %arg3[%get3A_21, %get3A_22, %get3A_23] : memref<4x256x256xf32, #tpu.memory_space<vmem>>, vector<1x256x256xf32>
    %get3A_25 = vector.shape_cast %get3A_24 : vector<1x256x256xf32> to vector<256x256xf32>
    %mul3A_26 = vector.broadcast %mul3A_20 : vector<256x1xf32> to vector<256x256xf32>
    %mul3A_27 = arith.mulf %mul3A_26, %get3A_25 : vector<256x256xf32>
    %add3A = arith.addf %mul3A_19, %mul3A_27 : vector<256x256xf32>
    %add3A_28 = vector.broadcast %get3A_11 : vector<1x256xf32> to vector<256x256xf32>
    %add3A_29 = arith.addf %add3A, %add3A_28 : vector<256x256xf32>
    %get3A_30 = arith.constant 1 : index
    %get3A_31 = arith.constant 0 : index
    %get3A_32 = arith.constant 0 : index
    %get3A_33 = vector.load %arg2[%get3A_30, %get3A_31, %get3A_32] : memref<4x2048x256xf32, #tpu.memory_space<vmem>>, vector<1x2048x256xf32>
    %get3A_34 = vector.shape_cast %get3A_33 : vector<1x2048x256xf32> to vector<2048x256xf32>
    %dot_general3A_35 = arith.constant dense<0.000000e+00> : vector<256x256xf32>
    %dot_general3A_36 = tpu.matmul %mul3A_5, %get3A_34, %dot_general3A_35 {dimension_numbers = #tpu.dot_dimension_numbers<[1], [0], [0], [1], [0, 0, 1, 1], [], []>, transpose_lhs_hint = false} : vector<256x2048xf32>, vector<2048x256xf32>, vector<256x256xf32> -> vector<256x256xf32>
    %mul3A_37 = vector.broadcast %get3A_8 : vector<256x1xf32> to vector<256x256xf32>
    %mul3A_38 = arith.mulf %mul3A_37, %dot_general3A_36 : vector<256x256xf32>
    %mul3A_39 = arith.mulf %get3A_8, %get3A_8 : vector<256x1xf32>
    %get3A_40 = arith.constant 1 : index
    %get3A_41 = arith.constant 0 : index
    %get3A_42 = arith.constant 0 : index
    %get3A_43 = vector.load %arg3[%get3A_40, %get3A_41, %get3A_42] : memref<4x256x256xf32, #tpu.memory_space<vmem>>, vector<1x256x256xf32>
    %get3A_44 = vector.shape_cast %get3A_43 : vector<1x256x256xf32> to vector<256x256xf32>
    %mul3A_45 = vector.broadcast %mul3A_39 : vector<256x1xf32> to vector<256x256xf32>
    %mul3A_46 = arith.mulf %mul3A_45, %get3A_44 : vector<256x256xf32>
    %add3A_47 = arith.addf %mul3A_38, %mul3A_46 : vector<256x256xf32>
    %add3A_48 = vector.broadcast %get3A_11 : vector<1x256xf32> to vector<256x256xf32>
    %add3A_49 = arith.addf %add3A_47, %add3A_48 : vector<256x256xf32>
    %get3A_50 = arith.constant 2 : index
    %get3A_51 = arith.constant 0 : index
    %get3A_52 = arith.constant 0 : index
    %get3A_53 = vector.load %arg2[%get3A_50, %get3A_51, %get3A_52] : memref<4x2048x256xf32, #tpu.memory_space<vmem>>, vector<1x2048x256xf32>
    %get3A_54 = vector.shape_cast %get3A_53 : vector<1x2048x256xf32> to vector<2048x256xf32>
    %dot_general3A_55 = arith.constant dense<0.000000e+00> : vector<256x256xf32>
    %dot_general3A_56 = tpu.matmul %mul3A_5, %get3A_54, %dot_general3A_55 {dimension_numbers = #tpu.dot_dimension_numbers<[1], [0], [0], [1], [0, 0, 1, 1], [], []>, transpose_lhs_hint = false} : vector<256x2048xf32>, vector<2048x256xf32>, vector<256x256xf32> -> vector<256x256xf32>
    %mul3A_57 = vector.broadcast %get3A_8 : vector<256x1xf32> to vector<256x256xf32>
    %mul3A_58 = arith.mulf %mul3A_57, %dot_general3A_56 : vector<256x256xf32>
    %mul3A_59 = arith.mulf %get3A_8, %get3A_8 : vector<256x1xf32>
    %get3A_60 = arith.constant 2 : index
    %get3A_61 = arith.constant 0 : index
    %get3A_62 = arith.constant 0 : index
    %get3A_63 = vector.load %arg3[%get3A_60, %get3A_61, %get3A_62] : memref<4x256x256xf32, #tpu.memory_space<vmem>>, vector<1x256x256xf32>
    %get3A_64 = vector.shape_cast %get3A_63 : vector<1x256x256xf32> to vector<256x256xf32>
    %mul3A_65 = vector.broadcast %mul3A_59 : vector<256x1xf32> to vector<256x256xf32>
    %mul3A_66 = arith.mulf %mul3A_65, %get3A_64 : vector<256x256xf32>
    %add3A_67 = arith.addf %mul3A_58, %mul3A_66 : vector<256x256xf32>
    %add3A_68 = vector.broadcast %get3A_11 : vector<1x256xf32> to vector<256x256xf32>
    %add3A_69 = arith.addf %add3A_67, %add3A_68 : vector<256x256xf32>
    %get3A_70 = arith.constant 3 : index
    %get3A_71 = arith.constant 0 : index
    %get3A_72 = arith.constant 0 : index
    %get3A_73 = vector.load %arg2[%get3A_70, %get3A_71, %get3A_72] : memref<4x2048x256xf32, #tpu.memory_space<vmem>>, vector<1x2048x256xf32>
    %get3A_74 = vector.shape_cast %get3A_73 : vector<1x2048x256xf32> to vector<2048x256xf32>
    %dot_general3A_75 = arith.constant dense<0.000000e+00> : vector<256x256xf32>
    %dot_general3A_76 = tpu.matmul %mul3A_5, %get3A_74, %dot_general3A_75 {dimension_numbers = #tpu.dot_dimension_numbers<[1], [0], [0], [1], [0, 0, 1, 1], [], []>, transpose_lhs_hint = false} : vector<256x2048xf32>, vector<2048x256xf32>, vector<256x256xf32> -> vector<256x256xf32>
    %mul3A_77 = vector.broadcast %get3A_8 : vector<256x1xf32> to vector<256x256xf32>
    %mul3A_78 = arith.mulf %mul3A_77, %dot_general3A_76 : vector<256x256xf32>
    %mul3A_79 = arith.mulf %get3A_8, %get3A_8 : vector<256x1xf32>
    %get3A_80 = arith.constant 3 : index
    %get3A_81 = arith.constant 0 : index
    %get3A_82 = arith.constant 0 : index
    %get3A_83 = vector.load %arg3[%get3A_80, %get3A_81, %get3A_82] : memref<4x256x256xf32, #tpu.memory_space<vmem>>, vector<1x256x256xf32>
    %get3A_84 = vector.shape_cast %get3A_83 : vector<1x256x256xf32> to vector<256x256xf32>
    %mul3A_85 = vector.broadcast %mul3A_79 : vector<256x1xf32> to vector<256x256xf32>
    %mul3A_86 = arith.mulf %mul3A_85, %get3A_84 : vector<256x256xf32>
    %add3A_87 = arith.addf %mul3A_78, %mul3A_86 : vector<256x256xf32>
    %add3A_88 = vector.broadcast %get3A_11 : vector<1x256xf32> to vector<256x256xf32>
    %add3A_89 = arith.addf %add3A_87, %add3A_88 : vector<256x256xf32>
    %add3A_90 = arith.addf %add3A_29, %add3A_49 : vector<256x256xf32>
    %add3A_91 = arith.addf %add3A_90, %add3A_69 : vector<256x256xf32>
    %add3A_92 = arith.addf %add3A_91, %add3A_89 : vector<256x256xf32>
    %mul3A_93 = arith.constant 2.500000e-01 : f32
    %mul3A_94 = vector.broadcast %mul3A_93 : f32 to vector<256x256xf32>
    %mul3A_95 = arith.mulf %add3A_92, %mul3A_94 : vector<256x256xf32>
    %get3A_96 = arith.constant 0 : index
    %get3A_97 = arith.constant 0 : index
    %get3A_98 = vector.load %arg10[%get3A_96, %get3A_97] : memref<1x256xf32, #tpu.memory_space<vmem>>, vector<1x256xf32>
    %mul3A_99 = vector.broadcast %get3A_98 : vector<1x256xf32> to vector<256x256xf32>
    %mul3A_100 = arith.mulf %mul3A_95, %mul3A_99 : vector<256x256xf32>
    %sub3A = arith.subf %add3A_29, %mul3A_100 : vector<256x256xf32>
    %mul3A_101 = vector.broadcast %get3A_98 : vector<1x256xf32> to vector<256x256xf32>
    %mul3A_102 = arith.mulf %mul3A_95, %mul3A_101 : vector<256x256xf32>
    %sub3A_103 = arith.subf %add3A_49, %mul3A_102 : vector<256x256xf32>
    %mul3A_104 = vector.broadcast %get3A_98 : vector<1x256xf32> to vector<256x256xf32>
    %mul3A_105 = arith.mulf %mul3A_95, %mul3A_104 : vector<256x256xf32>
    %sub3A_106 = arith.subf %add3A_69, %mul3A_105 : vector<256x256xf32>
    %mul3A_107 = vector.broadcast %get3A_98 : vector<1x256xf32> to vector<256x256xf32>
    %mul3A_108 = arith.mulf %mul3A_95, %mul3A_107 : vector<256x256xf32>
    %sub3A_109 = arith.subf %add3A_89, %mul3A_108 : vector<256x256xf32>
    %mul3A_110 = arith.mulf %sub3A, %sub3A : vector<256x256xf32>
    %mul3A_111 = arith.mulf %sub3A_103, %sub3A_103 : vector<256x256xf32>
    %add3A_112 = arith.addf %mul3A_110, %mul3A_111 : vector<256x256xf32>
    %mul3A_113 = arith.mulf %sub3A_106, %sub3A_106 : vector<256x256xf32>
    %add3A_114 = arith.addf %add3A_112, %mul3A_113 : vector<256x256xf32>
    %mul3A_115 = arith.mulf %sub3A_109, %sub3A_109 : vector<256x256xf32>
    %add3A_116 = arith.addf %add3A_114, %mul3A_115 : vector<256x256xf32>
    %mul3A_117 = arith.constant 2.500000e-01 : f32
    %mul3A_118 = vector.broadcast %mul3A_117 : f32 to vector<256x256xf32>
    %mul3A_119 = arith.mulf %add3A_116, %mul3A_118 : vector<256x256xf32>
    %add3A_120 = arith.constant 9.99999974E-6 : f32
    %add3A_121 = vector.broadcast %add3A_120 : f32 to vector<256x256xf32>
    %add3A_122 = arith.addf %mul3A_119, %add3A_121 : vector<256x256xf32>
    %rsqrt3A = math.rsqrt %add3A_122 : vector<256x256xf32>
    %get3A_123 = arith.constant 0 : index
    %get3A_124 = arith.constant 0 : index
    %get3A_125 = vector.load %arg8[%get3A_123, %get3A_124] : memref<1x256xf32, #tpu.memory_space<vmem>>, vector<1x256xf32>
    %get3A_126 = arith.constant 0 : index
    %get3A_127 = arith.constant 0 : index
    %get3A_128 = vector.load %arg9[%get3A_126, %get3A_127] : memref<1x256xf32, #tpu.memory_space<vmem>>, vector<1x256xf32>
    %mul3A_129 = vector.broadcast %get3A_125 : vector<1x256xf32> to vector<256x256xf32>
    %mul3A_130 = arith.mulf %mul3A_129, %sub3A : vector<256x256xf32>
    %mul3A_131 = arith.mulf %mul3A_130, %rsqrt3A : vector<256x256xf32>
    %add3A_132 = vector.broadcast %get3A_128 : vector<1x256xf32> to vector<256x256xf32>
    %add3A_133 = arith.addf %mul3A_131, %add3A_132 : vector<256x256xf32>
    %get3A_134 = arith.constant 0 : index
    %get3A_135 = arith.constant 0 : index
    %get3A_136 = arith.constant 0 : index
    %get3A_137 = vector.load %arg4[%get3A_134, %get3A_135, %get3A_136] : memref<4x256x256xf32, #tpu.memory_space<vmem>>, vector<1x256x256xf32>
    %get3A_138 = vector.shape_cast %get3A_137 : vector<1x256x256xf32> to vector<256x256xf32>
    %add3A_139 = arith.addf %add3A_133, %get3A_138 : vector<256x256xf32>
    %gt3A = arith.constant 0.000000e+00 : f32
    %gt3A_140 = vector.broadcast %gt3A : f32 to vector<256x256xf32>
    %gt3A_141 = arith.cmpf ogt, %add3A_139, %gt3A_140 : vector<256x256xf32>
    %exp3A = math.exp %add3A_139 : vector<256x256xf32>
    %sub3A_142 = arith.constant 1.000000e+00 : f32
    %sub3A_143 = vector.broadcast %sub3A_142 : f32 to vector<256x256xf32>
    %sub3A_144 = arith.subf %exp3A, %sub3A_143 : vector<256x256xf32>
    %select_n3A = arith.select %gt3A_141, %add3A_139, %sub3A_144 : vector<256x256xi1>, vector<256x256xf32>
    %reduce_sum3A = arith.constant dense<0.000000e+00> : vector<256xf32>
    %reduce_sum3A_145 = vector.multi_reduction <add>, %select_n3A, %reduce_sum3A [0] : vector<256x256xf32> to vector<256xf32>
    %broadcast_in_dim3A = vector.shape_cast %reduce_sum3A_145 : vector<256xf32> to vector<1x256xf32>
    %mul3A_146 = vector.broadcast %get3A_125 : vector<1x256xf32> to vector<256x256xf32>
    %mul3A_147 = arith.mulf %mul3A_146, %sub3A_103 : vector<256x256xf32>
    %mul3A_148 = arith.mulf %mul3A_147, %rsqrt3A : vector<256x256xf32>
    %add3A_149 = vector.broadcast %get3A_128 : vector<1x256xf32> to vector<256x256xf32>
    %add3A_150 = arith.addf %mul3A_148, %add3A_149 : vector<256x256xf32>
    %get3A_151 = arith.constant 1 : index
    %get3A_152 = arith.constant 0 : index
    %get3A_153 = arith.constant 0 : index
    %get3A_154 = vector.load %arg4[%get3A_151, %get3A_152, %get3A_153] : memref<4x256x256xf32, #tpu.memory_space<vmem>>, vector<1x256x256xf32>
    %get3A_155 = vector.shape_cast %get3A_154 : vector<1x256x256xf32> to vector<256x256xf32>
    %add3A_156 = arith.addf %add3A_150, %get3A_155 : vector<256x256xf32>
    %gt3A_157 = arith.constant 0.000000e+00 : f32
    %gt3A_158 = vector.broadcast %gt3A_157 : f32 to vector<256x256xf32>
    %gt3A_159 = arith.cmpf ogt, %add3A_156, %gt3A_158 : vector<256x256xf32>
    %exp3A_160 = math.exp %add3A_156 : vector<256x256xf32>
    %sub3A_161 = arith.constant 1.000000e+00 : f32
    %sub3A_162 = vector.broadcast %sub3A_161 : f32 to vector<256x256xf32>
    %sub3A_163 = arith.subf %exp3A_160, %sub3A_162 : vector<256x256xf32>
    %select_n3A_164 = arith.select %gt3A_159, %add3A_156, %sub3A_163 : vector<256x256xi1>, vector<256x256xf32>
    %reduce_sum3A_165 = arith.constant dense<0.000000e+00> : vector<256xf32>
    %reduce_sum3A_166 = vector.multi_reduction <add>, %select_n3A_164, %reduce_sum3A_165 [0] : vector<256x256xf32> to vector<256xf32>
    %broadcast_in_dim3A_167 = vector.shape_cast %reduce_sum3A_166 : vector<256xf32> to vector<1x256xf32>
    %mul3A_168 = vector.broadcast %get3A_125 : vector<1x256xf32> to vector<256x256xf32>
    %mul3A_169 = arith.mulf %mul3A_168, %sub3A_106 : vector<256x256xf32>
    %mul3A_170 = arith.mulf %mul3A_169, %rsqrt3A : vector<256x256xf32>
    %add3A_171 = vector.broadcast %get3A_128 : vector<1x256xf32> to vector<256x256xf32>
    %add3A_172 = arith.addf %mul3A_170, %add3A_171 : vector<256x256xf32>
    %get3A_173 = arith.constant 2 : index
    %get3A_174 = arith.constant 0 : index
    %get3A_175 = arith.constant 0 : index
    %get3A_176 = vector.load %arg4[%get3A_173, %get3A_174, %get3A_175] : memref<4x256x256xf32, #tpu.memory_space<vmem>>, vector<1x256x256xf32>
    %get3A_177 = vector.shape_cast %get3A_176 : vector<1x256x256xf32> to vector<256x256xf32>
    %add3A_178 = arith.addf %add3A_172, %get3A_177 : vector<256x256xf32>
    %gt3A_179 = arith.constant 0.000000e+00 : f32
    %gt3A_180 = vector.broadcast %gt3A_179 : f32 to vector<256x256xf32>
    %gt3A_181 = arith.cmpf ogt, %add3A_178, %gt3A_180 : vector<256x256xf32>
    %exp3A_182 = math.exp %add3A_178 : vector<256x256xf32>
    %sub3A_183 = arith.constant 1.000000e+00 : f32
    %sub3A_184 = vector.broadcast %sub3A_183 : f32 to vector<256x256xf32>
    %sub3A_185 = arith.subf %exp3A_182, %sub3A_184 : vector<256x256xf32>
    %select_n3A_186 = arith.select %gt3A_181, %add3A_178, %sub3A_185 : vector<256x256xi1>, vector<256x256xf32>
    %reduce_sum3A_187 = arith.constant dense<0.000000e+00> : vector<256xf32>
    %reduce_sum3A_188 = vector.multi_reduction <add>, %select_n3A_186, %reduce_sum3A_187 [0] : vector<256x256xf32> to vector<256xf32>
    %broadcast_in_dim3A_189 = vector.shape_cast %reduce_sum3A_188 : vector<256xf32> to vector<1x256xf32>
    %mul3A_190 = vector.broadcast %get3A_125 : vector<1x256xf32> to vector<256x256xf32>
    %mul3A_191 = arith.mulf %mul3A_190, %sub3A_109 : vector<256x256xf32>
    %mul3A_192 = arith.mulf %mul3A_191, %rsqrt3A : vector<256x256xf32>
    %add3A_193 = vector.broadcast %get3A_128 : vector<1x256xf32> to vector<256x256xf32>
    %add3A_194 = arith.addf %mul3A_192, %add3A_193 : vector<256x256xf32>
    %get3A_195 = arith.constant 3 : index
    %get3A_196 = arith.constant 0 : index
    %get3A_197 = arith.constant 0 : index
    %get3A_198 = vector.load %arg4[%get3A_195, %get3A_196, %get3A_197] : memref<4x256x256xf32, #tpu.memory_space<vmem>>, vector<1x256x256xf32>
    %get3A_199 = vector.shape_cast %get3A_198 : vector<1x256x256xf32> to vector<256x256xf32>
    %add3A_200 = arith.addf %add3A_194, %get3A_199 : vector<256x256xf32>
    %gt3A_201 = arith.constant 0.000000e+00 : f32
    %gt3A_202 = vector.broadcast %gt3A_201 : f32 to vector<256x256xf32>
    %gt3A_203 = arith.cmpf ogt, %add3A_200, %gt3A_202 : vector<256x256xf32>
    %exp3A_204 = math.exp %add3A_200 : vector<256x256xf32>
    %sub3A_205 = arith.constant 1.000000e+00 : f32
    %sub3A_206 = vector.broadcast %sub3A_205 : f32 to vector<256x256xf32>
    %sub3A_207 = arith.subf %exp3A_204, %sub3A_206 : vector<256x256xf32>
    %select_n3A_208 = arith.select %gt3A_203, %add3A_200, %sub3A_207 : vector<256x256xi1>, vector<256x256xf32>
    %reduce_sum3A_209 = arith.constant dense<0.000000e+00> : vector<256xf32>
    %reduce_sum3A_210 = vector.multi_reduction <add>, %select_n3A_208, %reduce_sum3A_209 [0] : vector<256x256xf32> to vector<256xf32>
    %broadcast_in_dim3A_211 = vector.shape_cast %reduce_sum3A_210 : vector<256xf32> to vector<1x256xf32>
    %concatenate3A = tpu.concatenate %broadcast_in_dim3A, %broadcast_in_dim3A_167, %broadcast_in_dim3A_189, %broadcast_in_dim3A_211 in 0 : vector<1x256xf32>, vector<1x256xf32>, vector<1x256xf32>, vector<1x256xf32> -> vector<4x256xf32>
    %eq3A = arith.constant 0 : i32
    %eq3A_212 = arith.cmpi eq, %arg0, %eq3A : i32
    %convert_element_type3A = arith.extui %eq3A_212 : i1 to i32
    %cond3A = arith.constant 0 : i32
    %cond3A_213 = arith.cmpi ne, %convert_element_type3A, %cond3A : i32
    scf.if %cond3A_213 {
      %broadcast_in_dim3A_225 = arith.constant 0.000000e+00 : f32
      %broadcast_in_dim3A_226 = vector.broadcast %broadcast_in_dim3A_225 : f32 to vector<4x256xf32>
      %swap3A_227 = arith.constant 0 : index
      %swap3A_228 = arith.constant 0 : index
      %swap3A_229 = vector.load %arg13[%swap3A_227, %swap3A_228] : memref<4x256xf32, #tpu.memory_space<vmem>>, vector<4x256xf32>
      tpu.vector_store %arg13[%swap3A_227, %swap3A_228], %broadcast_in_dim3A_226 {strides = array<i32>} : memref<4x256xf32, #tpu.memory_space<vmem>>, vector<4x256xf32>,
    } else {
    }
    %get3A_214 = arith.constant 0 : index
    %get3A_215 = arith.constant 0 : index
    %get3A_216 = vector.load %arg13[%get3A_214, %get3A_215] : memref<4x256xf32, #tpu.memory_space<vmem>>, vector<4x256xf32>
    %add3A_217 = arith.addf %get3A_216, %concatenate3A : vector<4x256xf32>
    %swap3A = arith.constant 0 : index
    %swap3A_218 = arith.constant 0 : index
    %swap3A_219 = vector.load %arg13[%swap3A, %swap3A_218] : memref<4x256xf32, #tpu.memory_space<vmem>>, vector<4x256xf32>
    tpu.vector_store %arg13[%swap3A, %swap3A_218], %add3A_217 {strides = array<i32>} : memref<4x256xf32, #tpu.memory_space<vmem>>, vector<4x256xf32>,
    %eq3A_220 = arith.constant 7 : i32
    %eq3A_221 = arith.cmpi eq, %arg0, %eq3A_220 : i32
    %convert_element_type3A_222 = arith.extui %eq3A_221 : i1 to i32
    %cond3A_223 = arith.constant 0 : i32
    %cond3A_224 = arith.cmpi ne, %convert_element_type3A_222, %cond3A_223 : i32
    scf.if %cond3A_224 {
      %get3A_225 = arith.constant 0 : index
      %get3A_226 = arith.constant 0 : index
      %get3A_227 = vector.load %arg13[%get3A_225, %get3A_226] : memref<4x256xf32, #tpu.memory_space<vmem>>, vector<4x256xf32>
      %mul3A_228 = arith.constant 4.8828125E-4 : f32
      %mul3A_229 = vector.broadcast %mul3A_228 : f32 to vector<4x256xf32>
      %mul3A_230 = arith.mulf %get3A_227, %mul3A_229 : vector<4x256xf32>
      %swap3A_231 = arith.constant 0 : index
      %swap3A_232 = arith.constant 0 : index
      %swap3A_233 = vector.load %arg13[%swap3A_231, %swap3A_232] : memref<4x256xf32, #tpu.memory_space<vmem>>, vector<4x256xf32>
      tpu.vector_store %arg13[%swap3A_231, %swap3A_232], %mul3A_230 {strides = array<i32>} : memref<4x256xf32, #tpu.memory_space<vmem>>, vector<4x256xf32>,
      %get3A_234 = arith.constant 0 : index
      %get3A_235 = arith.constant 0 : index
      %get3A_236 = vector.load %arg11[%get3A_234, %get3A_235] : memref<256x16xf32, #tpu.memory_space<vmem>>, vector<256x16xf32>
      %dot_general3A_237 = arith.constant dense<0.000000e+00> : vector<4x16xf32>
      %dot_general3A_238 = tpu.matmul %mul3A_230, %get3A_236, %dot_general3A_237 {dimension_numbers = #tpu.dot_dimension_numbers<[1], [0], [0], [1], [0, 0, 1, 1], [], []>, transpose_lhs_hint = false} : vector<4x256xf32>, vector<256x16xf32>, vector<4x16xf32> -> vector<4x16xf32>
      %get3A_239 = arith.constant 0 : index
      %get3A_240 = arith.constant 0 : index
      %get3A_241 = vector.load %arg12[%get3A_239, %get3A_240] : memref<1x16xf32, #tpu.memory_space<vmem>>, vector<1x16xf32>
      %add3A_242 = vector.broadcast %get3A_241 : vector<1x16xf32> to vector<4x16xf32>
      %add3A_243 = arith.addf %dot_general3A_238, %add3A_242 : vector<4x16xf32>
      %swap3A_244 = arith.constant 0 : index
      %swap3A_245 = arith.constant 0 : index
      %swap3A_246 = vector.load %arg14[%swap3A_244, %swap3A_245] : memref<4x16xf32, #tpu.memory_space<vmem>>, vector<4x16xf32>
      tpu.vector_store %arg14[%swap3A_244, %swap3A_245], %add3A_243 {strides = array<i32>} : memref<4x16xf32, #tpu.memory_space<vmem>>, vector<4x16xf32>,
    } else {
    }
    return
  }
  func.func @transform_0(%arg0: i32) -> (i32, i32) {
    %c0_i32 = arith.constant 0 : i32
    %c0_i32_0 = arith.constant 0 : i32
    return %arg0, %c0_i32 : i32, i32
  }
  func.func @transform_1(%arg0: i32) -> (i32, i32, i32) {
    %c0_i32 = arith.constant 0 : i32
    %c0_i32_0 = arith.constant 0 : i32
    %c0_i32_1 = arith.constant 0 : i32
    %c0_i32_2 = arith.constant 0 : i32
    return %c0_i32, %c0_i32_0, %c0_i32_1 : i32, i32, i32
  }
  func.func @transform_2(%arg0: i32) -> (i32, i32, i32) {
    %c0_i32 = arith.constant 0 : i32
    %c0_i32_0 = arith.constant 0 : i32
    %c0_i32_1 = arith.constant 0 : i32
    return %c0_i32, %arg0, %c0_i32_0 : i32, i32, i32
  }
  func.func @transform_3(%arg0: i32) -> (i32, i32, i32) {
    %c0_i32 = arith.constant 0 : i32
    %c0_i32_0 = arith.constant 0 : i32
    %c0_i32_1 = arith.constant 0 : i32
    return %c0_i32, %arg0, %c0_i32_0 : i32, i32, i32
  }
  func.func @transform_4(%arg0: i32) -> (i32, i32) {
    %c0_i32 = arith.constant 0 : i32
    %c0_i32_0 = arith.constant 0 : i32
    return %arg0, %c0_i32 : i32, i32
  }
  func.func @transform_5(%arg0: i32) -> (i32, i32) {
    %c0_i32 = arith.constant 0 : i32
    %c0_i32_0 = arith.constant 0 : i32
    %c0_i32_1 = arith.constant 0 : i32
    return %c0_i32, %c0_i32_0 : i32, i32
  }
  func.func @transform_6(%arg0: i32) -> (i32, i32) {
    %c0_i32 = arith.constant 0 : i32
    %c0_i32_0 = arith.constant 0 : i32
    %c0_i32_1 = arith.constant 0 : i32
    return %c0_i32, %c0_i32_0 : i32, i32
  }
  func.func @transform_7(%arg0: i32) -> (i32, i32) {
    %c0_i32 = arith.constant 0 : i32
    %c0_i32_0 = arith.constant 0 : i32
    %c0_i32_1 = arith.constant 0 : i32
    return %c0_i32, %c0_i32_0 : i32, i32
  }
  func.func @transform_8(%arg0: i32) -> (i32, i32) {
    %c0_i32 = arith.constant 0 : i32
    %c0_i32_0 = arith.constant 0 : i32
    %c0_i32_1 = arith.constant 0 : i32
    return %c0_i32, %c0_i32_0 : i32, i32
  }
  func.func @transform_9(%arg0: i32) -> (i32, i32) {
    %c0_i32 = arith.constant 0 : i32
    %c0_i32_0 = arith.constant 0 : i32
    %c0_i32_1 = arith.constant 0 : i32
    return %c0_i32, %c0_i32_0 : i32, i32
  }
  func.func @transform_10(%arg0: i32) -> (i32, i32) {
    %c0_i32 = arith.constant 0 : i32
    %c0_i32_0 = arith.constant 0 : i32
    %c0_i32_1 = arith.constant 0 : i32
    return %c0_i32, %c0_i32_0 : i32, i32
  }
  func.func @transform_11(%arg0: i32) -> (i32, i32) {
    %c0_i32 = arith.constant 0 : i32
    %c0_i32_0 = arith.constant 0 : i32
    %c0_i32_1 = arith.constant 0 : i32
    return %c0_i32, %c0_i32_0 : i32, i32
  }
  func.func @transform_12(%arg0: i32) -> (i32, i32) {
    %c0_i32 = arith.constant 0 : i32
    %c0_i32_0 = arith.constant 0 : i32
    %c0_i32_1 = arith.constant 0 : i32
    return %c0_i32, %c0_i32_0 : i32, i32
  }
  func.func @transform_13(%arg0: i32) -> (i32, i32) {
    %c0_i32 = arith.constant 0 : i32
    %c0_i32_0 = arith.constant 0 : i32
    %c0_i32_1 = arith.constant 0 : i32
    return %c0_i32, %c0_i32_0 : i32, i32
  }
}

</mosaic_0001>

<sc_bundles>
// kernel: kernel.7.cloned.1.call-start
scs
__scs_entry_jumppad:
0x0: {  	(pc) =	sbr.rel $0x88, $3  }
0x1: {  	(tag) =	ssettag $0x0;
	lr =	simm.s32 $0x1  }
0x2: {  	[smem:$0x3F90] =	sst lr;
	_ =	strace $0xD0000000  }
0x3: {  	_ = 	snop  }
0x4: {  	_ = 	snop  }
0x5: {  	_ = 	snop  }
0x6: {  	_ = 	snop  }
0x7: {  	_ = 	snop  }
__scs_overlays_trampoline_lowered:
0x8: {  	[smem:$0x3F9F] =	sst s0  }
0x9: {  	[smem:$0x3FA0] =	sst s1  }
0xa: {  	[smem:$0x3FA1] =	sst s2  }
0xb: {  	[smem:$0x3FA2] =	sst s3  }
0xc: {  	[smem:$0x3FA3] =	sst s4  }
0xd: {  	[smem:$0x3FA4] =	sst s5  }
0xe: {  	[smem:$0x3FA5] =	sst s6  }
0xf: {  	[smem:$0x3FA6] =	sst s7  }
0x10: {  	[smem:$0x3FA7] =	sst s8  }
0x11: {  	[smem:$0x3FA8] =	sst s9;
	s0 =	simm.s32 @!p0 $0x0  }
0x12: {  	s1 =	sld [smem:$0x3F8E];
	s0 =	simm.s32 @p0 $0x1  }
0x13: {  	[smem:$0x3FA9] =	sst s0;
	s0 =	simm.s32 @!p1 $0x0  }
0x14: {  	s2 =	sld [smem:$0x3F8D];
	s0 =	simm.s32 @p1 $0x1  }
0x15: {  	[smem:$0x3FAA] =	sst s0;
	s0 =	simm.s32 @!p2 $0x0  }
0x16: {  	s3 =	sld [smem:$0x3FDB];
	s0 =	simm.s32 @p2 $0x1  }
0x17: {  	s4 =	simm.s32 $0x1BF5;
	[smem:$0x3FAC] =	sst s0  }
0x18: {  	s0 =	sld [smem:$0x3F8F];
	_ =	swait.ge [sflag:s4], $0x0  }
0x19: {  	s7 =	sld [smem:$0x3F90]  }
0x1a: {  	s8 =	sadd.s32 $0xFFFFE003, lr  }
0x1b: {  	s9 =	sadd.s32 $0xFFFFFEF7, lr;
	s5 =	simm.s32 $0xFFFFFFFF;
	p2 =	slt.u32 s8, $0xFFFFF086  }
0x1c: {  	p1 =	slt.u32 s9, $0xF7A;
	s5 =	simm.s32 @!p2 $0x0  }
0x1d: {  	s5 =	simm.s32 @p1 $0x1;
	p0 =	seq.s32 s7, s2  }
0x1e: {  	s7 =	smul.u32 @!p0 $0xF7A, s2;
	p2 =	seq.s32 @!p0 s5, $0x0  }
0x1f: {  	s9 =	smul.u32 $0xF7A, s1;
	s8 =	simm.s32 @!p0 $0x1BF5;
	p2 =	por !p2, p0  }
0x20: {  	[sflag:s8] =	ssyncset.s32 @!p0 $0xFFFFF086;
	s6 =	sadd.s32 @!p0 s3, s7;
	s7 =	simm.s32 @!p0 $0x108  }
0x21: {  	s3 =	sadd.s32 s3, s9;
	s6 =	sadd.s32 @!p0 $0x88, s6;
	s7 =	simm.s32 @p2 $0x1082  }
0x22: {  	[simem:s7], [sflag:s8] =	dma.local @!p0 [hbm:s6], $0xF7A  }
0x23: {  	s9 =	sor.u32 $0xD0000000, s2;
	s6 =	simm.s32 $0x108;
	_ =	swait.ge @!p0 [sflag:s8], $0x0  }
0x24: {  	s3 =	sadd.s32 $0x88, s3;
	s6 =	simm.s32 @!p1 $0x1082;
	[sflag:s4] =	ssyncset.s32 $0xFFFFF086  }
0x25: {  	[simem:s6], [sflag:s4] =	dma.local [hbm:s3], $0xF7A  }
0x26: {  	[smem:$0x3F90] =	sst s1;
	(tag) =	ssettag s2;
	_ =	strace s9  }
0x27: {  	s1 =	sld [smem:$0x3FA0]  }
0x28: {  	s2 =	sld [smem:$0x3FA1]  }
0x29: {  	s4 =	sld [smem:$0x3FA3]  }
0x2a: {  	p0 =	seq.s32 s5, $0x0;
	s5 =	sld [smem:$0x3FA4]  }
0x2b: {  	s6 =	sld [smem:$0x3FA5]  }
0x2c: {  	s7 =	sld [smem:$0x3FA6]  }
0x2d: {  	s3 =	simm.s32 $0x108;
	s8 =	sld [smem:$0x3FA7]  }
0x2e: {  	s3 =	simm.s32 @!p0 $0x1082;
	s9 =	sld [smem:$0x3FA8]  }
0x2f: {  	lr =	sadd.s32 s0, s3;
	s0 =	sld [smem:$0x3F9F]  }
0x30: {  	s3 =	sld [smem:$0x3FA2]  }
0x31: {  	[smem:$0x3FAB] =	sst s10  }
0x32: {  	s10 =	sld [smem:$0x3FA9];
	_ =	sdelay $0x3  }
0x33: {  	p0 =	seq.s32 s10, $0x1;
	s10 =	sld [smem:$0x3FAB];
	_ =	sdelay $0x3  }
0x34: {  	[smem:$0x3FAB] =	sst s10  }
0x35: {  	s10 =	sld [smem:$0x3FAA];
	_ =	sdelay $0x3  }
0x36: {  	p1 =	seq.s32 s10, $0x1;
	s10 =	sld [smem:$0x3FAB];
	_ =	sdelay $0x3  }
0x37: {  	[smem:$0x3FAB] =	sst s10  }
0x38: {  	s10 =	sld [smem:$0x3FAC]  }
0x39: {  	_ = 	snop;
	(pc) =	sbr.ind lr, $3  }
0x3a: {  	_ = 	snop  }
0x3b: {  	_ = 	snop  }
0x3c: {  	p2 =	seq.s32 s10, $0x1;
	s10 =	sld [smem:$0x3FAB]  }
0x3d: {  	_ =	shalt  }
0x3e: {  	_ =	shalt  }
0x3f: {  	_ =	shalt  }
0x40: {  	_ =	shalt  }
0x41: {  	_ =	shalt  }
0x42: {  	_ =	shalt  }
0x43: {  	_ =	shalt  }
0x44: {  	_ =	shalt  }
0x45: {  	_ =	shalt  }
0x46: {  	_ =	shalt  }
0x47: {  	_ =	shalt  }
0x48: {  	_ =	shalt  }
0x49: {  	_ =	shalt  }
0x4a: {  	_ =	shalt  }
0x4b: {  	_ =	shalt  }
0x4c: {  	_ =	shalt  }
0x4d: {  	_ =	shalt  }
0x4e: {  	_ =	shalt  }
0x4f: {  	_ =	shalt  }
0x50: {  	_ =	shalt  }
0x51: {  	_ =	shalt  }
0x52: {  	_ =	shalt  }
0x53: {  	_ =	shalt  }
0x54: {  	_ =	shalt  }
0x55: {  	_ =	shalt  }
0x56: {  	_ =	shalt  }
0x57: {  	_ =	shalt  }
0x58: {  	_ =	shalt  }
0x59: {  	_ =	shalt  }
0x5a: {  	_ =	shalt  }
0x5b: {  	_ =	shalt  }
0x5c: {  	_ =	shalt  }
0x5d: {  	_ =	shalt  }
0x5e: {  	_ =	shalt  }
0x5f: {  	_ =	shalt  }
0x60: {  	_ =	shalt  }
0x61: {  	_ =	shalt  }
0x62: {  	_ =	shalt  }
0x63: {  	_ =	shalt  }
0x64: {  	_ =	shalt  }
0x65: {  	_ =	shalt  }
0x66: {  	_ =	shalt  }
0x67: {  	_ =	shalt  }
0x68: {  	_ =	shalt  }
0x69: {  	_ =	shalt  }
0x6a: {  	_ =	shalt  }
0x6b: {  	_ =	shalt  }
0x6c: {  	_ =	shalt  }
0x6d: {  	_ =	shalt  }
0x6e: {  	_ =	shalt  }
0x6f: {  	_ =	shalt  }
0x70: {  	_ =	shalt  }
0x71: {  	_ =	shalt  }
0x72: {  	_ =	shalt  }
0x73: {  	_ =	shalt  }
0x74: {  	_ =	shalt  }
0x75: {  	_ =	shalt  }
0x76: {  	_ =	shalt  }
0x77: {  	_ =	shalt  }
0x78: {  	_ =	shalt  }
0x79: {  	_ =	shalt  }
0x7a: {  	_ =	shalt  }
0x7b: {  	_ =	shalt  }
0x7c: {  	_ =	shalt  }
0x7d: {  	_ =	shalt  }
0x7e: {  	_ =	shalt  }
0x7f: {  	_ =	shalt  }
0x80: {  	_ =	shalt  }
0x81: {  	_ =	shalt  }
0x82: {  	_ =	shalt  }
0x83: {  	_ =	shalt  }
0x84: {  	_ =	shalt  }
0x85: {  	_ =	shalt  }
0x86: {  	_ =	shalt  }
0x87: {  	_ =	shalt  }
.Lfunc_end0:
.L_simem_size_0:
called_computation_lowered:
.L_overlay_start_0:
0x88: {  	s2 =	sld [smem:$0x3FD9]  }
0x89: {  	s3 =	sld [smem:$0x3FFE];
	_ =	sdelay $0x1  }
0x8a: {  	s1 =	srdreg.scid  }
0x8b: {  	s0 =	sand.u32 $0x1, s1  }
0x8c: {  	s16 =	sshll.u32 s0, $0xA;
	s2 =	sadd.s32 s3, s2  }
0x8d: {  	s2 =	sadd.s32 s2, s16  }
0x8e: {  	[smem:$0x3FB7] =	sst s2  }
0x8f: {  	_ = 	snop  }
0x90: {  	(tm) =	ssettm $0x1  }
0x91: {  	s17 =	sld [smem:$0x3FFB];
	_ =	sdelay $0x3  }
0x92: {  	_ =	strace s17  }
0x93: {  	s2 =	sld [smem:$0x3FFC];
	_ =	sdelay $0x3  }
0x94: {  	_ =	strace s2  }
0x95: {  	s2 =	sld [smem:$0x3FFD];
	_ =	sdelay $0x3  }
0x96: {  	_ =	strace s2  }
0x97: {  	_ =	strace $0x8FFFFFFF  }
0x98: {  	s18 =	sld [smem:$0x3FDB];
	_ =	sdelay $0x1  }
0x99: {  	s19 =	simm.s32 $_scs_section_size  }
0x9a: {  	s4 =	simm.s32 $_size__tile_overlayer_lowered;
	s5 =	simm.s32 $_tile_overlayer_lowered  }
0x9b: {  	s22 =	simm.s32 $0x1BFF;
	s21 =	sshll.u32 s5, $0x1;
	s2 =	sadd.s32 s19, s18  }
0x9c: {  	s6 =	simm.s32 $0x0;
	s20 =	sshll.u32 s4, $0x1;
	s4 =	sadd.s32 s21, s2  }
0x9d: {  	[timem:s6], [sflag:s22] =	dma.local [hbm:s4], s20  }
0x9e: {  	_ =	swait.ge [sflag:s22], s20  }
0x9f: {  	s3 =	ssub.s32 $0x0, s20;
	[sflag:s22] =	ssyncset.done $0x0  }
0xa0: {  	[sflag:s22] =	ssyncadd.s32 s3;
	_ =	sdelay $0x1  }
0xa1: {  	s23 =	simm.s32 $0x1B8B  }
0xa2: {  	_ =	swait.ge [sflag:s23], $0x1  }
0xa3: {  	[sflag:s23] =	ssyncset.done $0x0  }
0xa4: {  	s25 =	simm.s32 $0x1B8E;
	s24 =	sld [smem:$0x3FFE];
	[sflag:s23] =	ssyncadd.s32 $0xFFFFFFFF  }
0xa5: {  	s26 =	simm.s32 $execute0_lowered;
	[smem:$0x3FD2] =	sst s25  }
0xa6: {  	s4 =	sshll.u32 s26, $0x1;
	_ =	strace $0x80000046;
	[dreg:$0x1] =	wrdreg $0xFFFFFFFF  }
0xa7: {  	s28 =	simm.s32 $_size_execute0_lowered;
	s2 =	sadd.s32 s2, s4;
	[dreg:$0x0] =	wrdreg $0x0  }
0xa8: {  	s4 =	sshll.u32 s28, $0x1;
	[dreg:$0x2] =	wrdreg s2  }
0xa9: {  	[dreg:$0x3] =	wrdreg s4  }
0xaa: {  	[dreg:$0x4] =	wrdreg $0xC0  }
0xab: {  	_ =	task [dreg:s6], $0x5FFFF  }
0xac: {  	[dreg:$0x1] =	wrdreg $0xFFFFFFFF  }
0xad: {  	[dreg:$0x0] =	wrdreg $0x60  }
0xae: {  	[dreg:$0x2] =	wrdreg s24  }
0xaf: {  	[dreg:$0x3] =	wrdreg $0x31000  }
0xb0: {  	[dreg:$0x4] =	wrdreg $0x9  }
0xb1: {  	_ =	task.clear_ibuf [dreg:s6], $0x5FFFF;
	_ =	strace $0x90000046  }
0xb2: {  	s29 =	simm.s32 $0x9;
	_ =	strace $0x80000048  }
0xb3: {  	_ =	swait.ge [sflag:s29], $0x1  }
0xb4: {  	[sflag:s29] =	ssyncadd.s32 $0xFFFFFFFF  }
0xb5: {  	_ =	strace $0x90000048  }
0xb6: {  	_ =	sfence  }
0xb7: {  	s30 =	sld [smem:$0x0];
	_ =	sdelay $0x2  }
0xb8: {  	s31 =	sshll.u32 s1, $0xD;
	s1 =	sshrl.u32 s1, $0x2  }
0xb9: {  	s3 =	sand.u32 $0x4000, s31;
	s1 =	sadd.s32 s1, s30  }
0xba: {  	s0 =	sor.u32 s3, s0;
	s1 =	sshll.u32 s1, $0x11  }
0xbb: {  	s0 =	sor.u32 s1, s0  }
0xbc: {  	s0 =	sadd.s32 $0x8F2B, s0  }
0xbd: {  	[sflag:s0] =	ssyncadd.remote.s32 $0x1  }
0xbe: {  	_ =	sfence.sel $0xFFFF  }
0xbf: {  	[dreg:$0x0] =	wrdreg $0xFFFFFFFF;
	(pc) =	sbr.abs _section_cstart, $3  }
0xc0: {  	[dreg:$0x1] =	wrdreg $0xFFFFFFFF  }
0xc1: {  	_ =	task.clear_ibuf [dreg:s6], $0x2FFFF;
	_ =	strace $0x9FFFFFFF  }
0xc2: {  	(tm) =	ssettm $0x7FFFFFFF  }
0xc3: {  	_ =	shalt  }
tec
execute0_lowered:
.L_overlay_start_1:
0x0: {  	(tag) =	ssettag $0x1  }
0x1: {  	s0 =	rddreg [dreg:$0x0]  }
0x2: {  	s1 =	rddreg [dreg:$0x1];
	s3 =	simm.s32 $0x0  }
0x3: {  	s2 =	srdreg.scid;
	s25 =	stileid.u32;
	s28 =	simm.s32 $0x2100  }
0x4: {  	s29 =	simm.s32 $0x80;
	s30 =	simm.s32 $0x2000;
	s31 =	simm.s32 $0x2080  }
0x5: {  	[smem:$0x7FF] =	sst s3;
	s2 =	sand.u32 $0x1, s2;
	s4 =	sshll.u32 s25, $0x9  }
0x6: {  	s19 =	sshll.u32 s25, $0x10;
	_ =	strace $0x80000047;
	s5 =	ssub.s32 $0x2, s2  }
0x7: {  	s4 =	sadd.s32 s4, s0;
	s0 =	sadd.s32 $0x6A00, s0;
	s18 =	sshll.u32 s2, $0x15  }
0x8: {  	s6 =	sshrl.u32 s5, $0x1;
	s24 =	sadd.s32 $0x4A00, s4;
	s4 =	sadd.s32 $0x2A00, s4  }
0x9: {  	s20 =	sor.u32 s19, s18;
	s5 =	ssub.s32 s5, s6;
	[dreg:$0x3] =	wrdreg s24  }
0xa: {  	[dreg:$0x4] =	wrdreg s4;
	s4 =	sshll.u32 s2, $0xA;
	s6 =	sadd.s32 s19, s1  }
0xb: {  	s2 =	sshllo.u32 s2, $0x1;
	s20 =	sshrl.u32 s20, $0x3;
	s7 =	sadd.s32 $0x1000, s6  }
0xc: {  	s8 =	sadd.s32 $0x2000, s6;
	s9 =	sadd.s32 $0x3000, s6;
	s10 =	sadd.s32 $0x4000, s6  }
0xd: {  	s11 =	sadd.s32 $0x5000, s6;
	s12 =	sadd.s32 $0x6000, s6;
	s13 =	sadd.s32 $0x7000, s6  }
0xe: {  	s14 =	sadd.s32 $0x8000, s6;
	s15 =	sadd.s32 $0x9000, s6;
	s16 =	sadd.s32 $0xA000, s6  }
0xf: {  	s17 =	sadd.s32 $0xB000, s6;
	s21 =	sshll.u32 s2, $0x14;
	s18 =	sadd.s32 $0xC000, s6  }
0x10: {  	v0 =	vlaneseq.u32;
	s20 =	sadd.s32 s0, s20;
	s22 =	sadd.s32 $0xE000, s6;
	s21 =	sor.u32 s19, s21  }
0x11: {  	v1 =	vmul.u32 $0x800, v0;
	s23 =	smax.u32 s5, $0x1;
	[dreg:$0x5] =	wrdreg s20;
	s26 =	sshrl.u32 s21, $0x3  }
0x12: {  	v3 =	vimm.f32 $0.0e+00;
	s20 =	sshll.u32 s2, $0x9;
	s21 =	sadd.s32 s0, s26;
	s26 =	sshll.u32 s25, $0x4  }
0x13: {  	s24 =	sadd.s32 $0xF000, s6;
	v0 =	vmov s4;
	s19 =	sadd.s32 $0xD000, s6;
	v2 =	vmov s20;
	s25 =	simm.s32 $0x1;
	v1 =	vor.u32 s26, v1  }
.LBB2_1:
0x14: {  	s0 =	simm.s32 $0x40;
	s2 =	simm.s32 $0x0  }
.LBB2_2:
0x15: {  	p0 =	sne.s32 s0, $0x3FC0;
	[tilespmem:s2+$0x2100] =	vst v3;
	s2 =	smov.u32 s0;
	s0 =	sadd.s32 $0x40, s0  }
.Ltmp0:
0x16: {  	(pc) =	sbr.rel @p0 .LBB2_2-.Ltmp0, $2  }
0x17: {  	_ =	sdelay $0x2  }
0x18: {  	s2 =	sshra.s32 s2, $0x2  }
0x19: {  	[tilespmem:s2+$0x2100] =	vst v3;
	s0 =	simm.s32 $0x0;
	s5 =	rddreg [dreg:$0x3]  }
0x1a: {  	[tilespmem:s0], [sflag:$0x1] =	stream.linear.gather [hbm4b:s5+s0], $0x1000, $0x38;
	[tilespmem:$0x13100] =	vst v63  }
0x1b: {  	_ =	swait.ge [sflag:s25], $0x1000  }
0x1c: {  	[sflag:s25] =	ssyncset.done $0x0  }
0x1d: {  	s4 =	simm.s32 $0x1000;
	s20 =	rddreg [dreg:$0x4];
	[sflag:s25] =	ssyncadd.s32 $0xFFFFF000  }
0x1e: {  	[tilespmem:s4], [sflag:$0x1] =	stream.linear.gather [hbm4b:s20+s0], $0x1000, $0x38;
	[tilespmem:$0x13100] =	vst v63  }
0x1f: {  	_ =	swait.ge [sflag:s25], $0x1000  }
0x20: {  	[sflag:s25] =	ssyncset.done $0x0  }
0x21: {  	[sflag:s25] =	ssyncadd.s32 $0xFFFFF000  }
0x22: {  	[spmem:s6] =	stream.linear.scatter [tilespmem:s28], [sflag:$0x1], $0x1000, $0x38;
	[tilespmem:$0x13100] =	vst v63  }
0x23: {  	_ =	swait.ge [sflag:s25], $0x1000  }
0x24: {  	[sflag:s25] =	ssyncset.done $0x0  }
0x25: {  	[sflag:s25] =	ssyncadd.s32 $0xFFFFF000  }
0x26: {  	[spmem:s7] =	stream.linear.scatter [tilespmem:s28], [sflag:$0x1], $0x1000, $0x38;
	[tilespmem:$0x13100] =	vst v63  }
0x27: {  	_ =	swait.ge [sflag:s25], $0x1000  }
0x28: {  	[sflag:s25] =	ssyncset.done $0x0  }
0x29: {  	[sflag:s25] =	ssyncadd.s32 $0xFFFFF000  }
0x2a: {  	[spmem:s8] =	stream.linear.scatter [tilespmem:s28], [sflag:$0x1], $0x1000, $0x38;
	[tilespmem:$0x13100] =	vst v63  }
0x2b: {  	_ =	swait.ge [sflag:s25], $0x1000  }
0x2c: {  	[sflag:s25] =	ssyncset.done $0x0  }
0x2d: {  	[sflag:s25] =	ssyncadd.s32 $0xFFFFF000  }
0x2e: {  	[spmem:s9] =	stream.linear.scatter [tilespmem:s28], [sflag:$0x1], $0x1000, $0x38;
	[tilespmem:$0x13100] =	vst v63  }
0x2f: {  	_ =	swait.ge [sflag:s25], $0x1000  }
0x30: {  	[sflag:s25] =	ssyncset.done $0x0  }
0x31: {  	[sflag:s25] =	ssyncadd.s32 $0xFFFFF000  }
0x32: {  	[spmem:s10] =	stream.linear.scatter [tilespmem:s28], [sflag:$0x1], $0x1000, $0x38;
	[tilespmem:$0x13100] =	vst v63  }
0x33: {  	_ =	swait.ge [sflag:s25], $0x1000  }
0x34: {  	[sflag:s25] =	ssyncset.done $0x0  }
0x35: {  	[sflag:s25] =	ssyncadd.s32 $0xFFFFF000  }
0x36: {  	[spmem:s11] =	stream.linear.scatter [tilespmem:s28], [sflag:$0x1], $0x1000, $0x38;
	[tilespmem:$0x13100] =	vst v63  }
0x37: {  	_ =	swait.ge [sflag:s25], $0x1000  }
0x38: {  	[sflag:s25] =	ssyncset.done $0x0  }
0x39: {  	[sflag:s25] =	ssyncadd.s32 $0xFFFFF000  }
0x3a: {  	[spmem:s12] =	stream.linear.scatter [tilespmem:s28], [sflag:$0x1], $0x1000, $0x38;
	[tilespmem:$0x13100] =	vst v63  }
0x3b: {  	_ =	swait.ge [sflag:s25], $0x1000  }
0x3c: {  	[sflag:s25] =	ssyncset.done $0x0  }
0x3d: {  	[sflag:s25] =	ssyncadd.s32 $0xFFFFF000  }
0x3e: {  	[spmem:s13] =	stream.linear.scatter [tilespmem:s28], [sflag:$0x1], $0x1000, $0x38;
	[tilespmem:$0x13100] =	vst v63  }
0x3f: {  	_ =	swait.ge [sflag:s25], $0x1000  }
0x40: {  	[sflag:s25] =	ssyncset.done $0x0  }
0x41: {  	[sflag:s25] =	ssyncadd.s32 $0xFFFFF000  }
0x42: {  	[spmem:s14] =	stream.linear.scatter [tilespmem:s28], [sflag:$0x1], $0x1000, $0x38;
	[tilespmem:$0x13100] =	vst v63  }
0x43: {  	_ =	swait.ge [sflag:s25], $0x1000  }
0x44: {  	[sflag:s25] =	ssyncset.done $0x0  }
0x45: {  	[sflag:s25] =	ssyncadd.s32 $0xFFFFF000  }
0x46: {  	[spmem:s15] =	stream.linear.scatter [tilespmem:s28], [sflag:$0x1], $0x1000, $0x38;
	[tilespmem:$0x13100] =	vst v63  }
0x47: {  	_ =	swait.ge [sflag:s25], $0x1000  }
0x48: {  	[sflag:s25] =	ssyncset.done $0x0  }
0x49: {  	[sflag:s25] =	ssyncadd.s32 $0xFFFFF000  }
0x4a: {  	[spmem:s16] =	stream.linear.scatter [tilespmem:s28], [sflag:$0x1], $0x1000, $0x38;
	[tilespmem:$0x13100] =	vst v63  }
0x4b: {  	_ =	swait.ge [sflag:s25], $0x1000  }
0x4c: {  	[sflag:s25] =	ssyncset.done $0x0  }
0x4d: {  	[sflag:s25] =	ssyncadd.s32 $0xFFFFF000  }
0x4e: {  	[spmem:s17] =	stream.linear.scatter [tilespmem:s28], [sflag:$0x1], $0x1000, $0x38;
	[tilespmem:$0x13100] =	vst v63  }
0x4f: {  	_ =	swait.ge [sflag:s25], $0x1000  }
0x50: {  	[sflag:s25] =	ssyncset.done $0x0  }
0x51: {  	[sflag:s25] =	ssyncadd.s32 $0xFFFFF000  }
0x52: {  	[spmem:s18] =	stream.linear.scatter [tilespmem:s28], [sflag:$0x1], $0x1000, $0x38;
	[tilespmem:$0x13100] =	vst v63  }
0x53: {  	_ =	swait.ge [sflag:s25], $0x1000  }
0x54: {  	[sflag:s25] =	ssyncset.done $0x0  }
0x55: {  	[sflag:s25] =	ssyncadd.s32 $0xFFFFF000  }
0x56: {  	[spmem:s19] =	stream.linear.scatter [tilespmem:s28], [sflag:$0x1], $0x1000, $0x38;
	[tilespmem:$0x13100] =	vst v63  }
0x57: {  	_ =	swait.ge [sflag:s25], $0x1000  }
0x58: {  	[sflag:s25] =	ssyncset.done $0x0  }
0x59: {  	[sflag:s25] =	ssyncadd.s32 $0xFFFFF000  }
0x5a: {  	[spmem:s22] =	stream.linear.scatter [tilespmem:s28], [sflag:$0x1], $0x1000, $0x38;
	[tilespmem:$0x13100] =	vst v63  }
0x5b: {  	_ =	swait.ge [sflag:s25], $0x1000  }
0x5c: {  	[sflag:s25] =	ssyncset.done $0x0  }
0x5d: {  	[sflag:s25] =	ssyncadd.s32 $0xFFFFF000  }
0x5e: {  	[spmem:s24] =	stream.linear.scatter [tilespmem:s28], [sflag:$0x1], $0x1000, $0x38;
	[tilespmem:$0x13100] =	vst v63  }
0x5f: {  	_ =	swait.ge [sflag:s25], $0x1000  }
0x60: {  	[sflag:s25] =	ssyncset.done $0x0  }
0x61: {  	[sflag:s25] =	ssyncadd.s32 $0xFFFFF000  }
0x62: {  	s26 =	simm.s32 $0x0;
	[bflag:$0x0] =	sbarrier.arrive $0xFFFF  }
0x63: {  	v4 =	vld [tilespmem:s26+$0x0];
	_ =	sdelay $0x1  }
0x64: {  	v5 =	vld [tilespmem:s26+$0x1000];
	_ =	sdelay $0x2  }
0x65: {  	v4 =	vsub.s32 v4, v0  }
0x66: {  	vm0 =	vlt.u32 v4, $0x200;
	v4 =	vshll.u32 v4, $0xB  }
0x67: {  	v4 =	vadd.s32 v5, v4;
	v5 =	vsel vm0, $0x3F800000, v3  }
0x68: {  	v4 =	vsel vm0, v4, v1;
	[tilespmem:$0x2080] =	vst v5  }
0x69: {  	[tilespmem:$0x2000] =	vst v4  }
0x6a: {  	v4 =	vld [tilespmem:s26+$0x10];
	_ =	sdelay $0x1  }
0x6b: {  	v5 =	vld [tilespmem:s26+$0x1010];
	_ =	sdelay $0x2  }
0x6c: {  	v4 =	vsub.s32 v4, v0  }
0x6d: {  	vm9 =	vlt.u32 v4, $0x200;
	v4 =	vshll.u32 v4, $0xB  }
0x6e: {  	v4 =	vadd.s32 v5, v4;
	v5 =	vsel vm9, $0x3F800000, v3  }
0x6f: {  	v4 =	vsel vm9, v4, v1;
	[tilespmem:$0x2090] =	vst v5  }
0x70: {  	[tilespmem:$0x2010] =	vst v4  }
0x71: {  	v4 =	vld [tilespmem:s26+$0x20];
	_ =	sdelay $0x1  }
0x72: {  	v5 =	vld [tilespmem:s26+$0x1020];
	_ =	sdelay $0x2  }
0x73: {  	v4 =	vsub.s32 v4, v0  }
0x74: {  	vm10 =	vlt.u32 v4, $0x200;
	v4 =	vshll.u32 v4, $0xB  }
0x75: {  	v4 =	vadd.s32 v5, v4;
	v5 =	vsel vm10, $0x3F800000, v3  }
0x76: {  	v4 =	vsel vm10, v4, v1;
	[tilespmem:$0x20A0] =	vst v5  }
0x77: {  	[tilespmem:$0x2020] =	vst v4  }
0x78: {  	v4 =	vld [tilespmem:s26+$0x30];
	_ =	sdelay $0x1  }
0x79: {  	v5 =	vld [tilespmem:s26+$0x1030];
	_ =	sdelay $0x2  }
0x7a: {  	v4 =	vsub.s32 v4, v0  }
0x7b: {  	vm11 =	vlt.u32 v4, $0x200;
	v4 =	vshll.u32 v4, $0xB  }
0x7c: {  	v4 =	vadd.s32 v5, v4;
	v5 =	vsel vm11, $0x3F800000, v3  }
0x7d: {  	v4 =	vsel vm11, v4, v1;
	[tilespmem:$0x20B0] =	vst v5  }
0x7e: {  	[tilespmem:$0x2030] =	vst v4  }
0x7f: {  	v4 =	vld [tilespmem:s26+$0x40];
	_ =	sdelay $0x1  }
0x80: {  	v5 =	vld [tilespmem:s26+$0x1040];
	_ =	sdelay $0x2  }
0x81: {  	v4 =	vsub.s32 v4, v0  }
0x82: {  	vm12 =	vlt.u32 v4, $0x200;
	v4 =	vshll.u32 v4, $0xB  }
0x83: {  	v4 =	vadd.s32 v5, v4;
	v5 =	vsel vm12, $0x3F800000, v3  }
0x84: {  	v4 =	vsel vm12, v4, v1;
	[tilespmem:$0x20C0] =	vst v5  }
0x85: {  	[tilespmem:$0x2040] =	vst v4  }
0x86: {  	v4 =	vld [tilespmem:s26+$0x50];
	_ =	sdelay $0x1  }
0x87: {  	v5 =	vld [tilespmem:s26+$0x1050];
	_ =	sdelay $0x2  }
0x88: {  	v4 =	vsub.s32 v4, v0  }
0x89: {  	vm13 =	vlt.u32 v4, $0x200;
	v4 =	vshll.u32 v4, $0xB  }
0x8a: {  	v4 =	vadd.s32 v5, v4;
	v5 =	vsel vm13, $0x3F800000, v3  }
0x8b: {  	v4 =	vsel vm13, v4, v1;
	[tilespmem:$0x20D0] =	vst v5  }
0x8c: {  	[tilespmem:$0x2050] =	vst v4  }
0x8d: {  	v4 =	vld [tilespmem:s26+$0x60];
	_ =	sdelay $0x1  }
0x8e: {  	v5 =	vld [tilespmem:s26+$0x1060];
	_ =	sdelay $0x2  }
0x8f: {  	v4 =	vsub.s32 v4, v0  }
0x90: {  	vm14 =	vlt.u32 v4, $0x200;
	v4 =	vshll.u32 v4, $0xB  }
0x91: {  	v4 =	vadd.s32 v5, v4;
	v5 =	vsel vm14, $0x3F800000, v3  }
0x92: {  	v4 =	vsel vm14, v4, v1;
	[tilespmem:$0x20E0] =	vst v5  }
0x93: {  	[tilespmem:$0x2060] =	vst v4  }
0x94: {  	v4 =	vld [tilespmem:s26+$0x70];
	_ =	sdelay $0x1  }
0x95: {  	v5 =	vld [tilespmem:s26+$0x1070];
	_ =	sdelay $0x2  }
0x96: {  	v4 =	vsub.s32 v4, v0  }
0x97: {  	vm15 =	vlt.u32 v4, $0x200;
	v4 =	vshll.u32 v4, $0xB  }
0x98: {  	v4 =	vadd.s32 v5, v4;
	v5 =	vsel vm15, $0x3F800000, v3  }
0x99: {  	v4 =	vsel vm15, v4, v1;
	[tilespmem:$0x20F0] =	vst v5  }
0x9a: {  	[tilespmem:$0x2070] =	vst v4  }
0x9b: {  	[spmem:s1] =	stream.indirect.scatter.add.f32 [tilespmem:s31], [sflag:$0x1], $0x1, s30, s29, $0xb8;
	[tilespmem:$0x13100] =	vst v63  }
0x9c: {  	s5 =	simm.s32 $0x400;
	s0 =	simm.s32 $0x200;
	_ =	swait.ge [sflag:s25], $0x80  }
.LBB2_4:
0x9d: {  	s4 =	sshra.s32 s0, $0x2  }
0x9e: {  	[sflag:s25] =	ssyncset.done $0x0;
	s0 =	smov.u32 s5;
	s2 =	sadd.s32 $0x200, s5  }
0x9f: {  	p0 =	sne.s32 s5, $0x3E00;
	[sflag:s25] =	ssyncadd.s32 $0xFFFFFF80  }
0xa0: {  	v4 =	vld [tilespmem:s4+$0x0];
	_ =	sdelay $0x1  }
0xa1: {  	v5 =	vld [tilespmem:s4+$0x1000];
	_ =	sdelay $0x2  }
0xa2: {  	v4 =	vsub.s32 v4, v0  }
0xa3: {  	vm0 =	vlt.u32 v4, $0x200;
	v4 =	vshll.u32 v4, $0xB  }
0xa4: {  	v4 =	vadd.s32 v5, v4;
	v5 =	vsel vm0, $0x3F800000, v3  }
0xa5: {  	v4 =	vsel vm0, v4, v1;
	[tilespmem:$0x2080] =	vst v5  }
0xa6: {  	[tilespmem:$0x2000] =	vst v4  }
0xa7: {  	v4 =	vld [tilespmem:s4+$0x10]  }
0xa8: {  	v5 =	vld [tilespmem:s4+$0x1010];
	_ =	sdelay $0x3  }
0xa9: {  	v4 =	vsub.s32 v4, v0  }
0xaa: {  	vm0 =	vlt.u32 v4, $0x200;
	v4 =	vshll.u32 v4, $0xB  }
0xab: {  	v4 =	vadd.s32 v5, v4;
	v5 =	vsel vm0, $0x3F800000, v3  }
0xac: {  	v4 =	vsel vm0, v4, v1;
	[tilespmem:$0x2090] =	vst v5  }
0xad: {  	[tilespmem:$0x2010] =	vst v4  }
0xae: {  	v4 =	vld [tilespmem:s4+$0x20]  }
0xaf: {  	v5 =	vld [tilespmem:s4+$0x1020];
	_ =	sdelay $0x3  }
0xb0: {  	v4 =	vsub.s32 v4, v0  }
0xb1: {  	vm0 =	vlt.u32 v4, $0x200;
	v4 =	vshll.u32 v4, $0xB  }
0xb2: {  	v4 =	vadd.s32 v5, v4;
	v5 =	vsel vm0, $0x3F800000, v3  }
0xb3: {  	v4 =	vsel vm0, v4, v1;
	[tilespmem:$0x20A0] =	vst v5  }
0xb4: {  	[tilespmem:$0x2020] =	vst v4  }
0xb5: {  	v4 =	vld [tilespmem:s4+$0x30]  }
0xb6: {  	v5 =	vld [tilespmem:s4+$0x1030];
	_ =	sdelay $0x3  }
0xb7: {  	v4 =	vsub.s32 v4, v0  }
0xb8: {  	vm0 =	vlt.u32 v4, $0x200;
	v4 =	vshll.u32 v4, $0xB  }
0xb9: {  	v4 =	vadd.s32 v5, v4;
	v5 =	vsel vm0, $0x3F800000, v3  }
0xba: {  	v4 =	vsel vm0, v4, v1;
	[tilespmem:$0x20B0] =	vst v5  }
0xbb: {  	[tilespmem:$0x2030] =	vst v4  }
0xbc: {  	v4 =	vld [tilespmem:s4+$0x40]  }
0xbd: {  	v5 =	vld [tilespmem:s4+$0x1040];
	_ =	sdelay $0x3  }
0xbe: {  	v4 =	vsub.s32 v4, v0  }
0xbf: {  	vm0 =	vlt.u32 v4, $0x200;
	v4 =	vshll.u32 v4, $0xB  }
0xc0: {  	v4 =	vadd.s32 v5, v4;
	v5 =	vsel vm0, $0x3F800000, v3  }
0xc1: {  	v4 =	vsel vm0, v4, v1;
	[tilespmem:$0x20C0] =	vst v5  }
0xc2: {  	[tilespmem:$0x2040] =	vst v4  }
0xc3: {  	v4 =	vld [tilespmem:s4+$0x50]  }
0xc4: {  	v5 =	vld [tilespmem:s4+$0x1050];
	_ =	sdelay $0x3  }
0xc5: {  	v4 =	vsub.s32 v4, v0  }
0xc6: {  	vm0 =	vlt.u32 v4, $0x200;
	v4 =	vshll.u32 v4, $0xB  }
0xc7: {  	v4 =	vadd.s32 v5, v4;
	v5 =	vsel vm0, $0x3F800000, v3  }
0xc8: {  	v4 =	vsel vm0, v4, v1;
	[tilespmem:$0x20D0] =	vst v5  }
0xc9: {  	[tilespmem:$0x2050] =	vst v4  }
0xca: {  	v4 =	vld [tilespmem:s4+$0x60]  }
0xcb: {  	v5 =	vld [tilespmem:s4+$0x1060];
	_ =	sdelay $0x3  }
0xcc: {  	v4 =	vsub.s32 v4, v0  }
0xcd: {  	vm0 =	vlt.u32 v4, $0x200;
	v4 =	vshll.u32 v4, $0xB  }
0xce: {  	v4 =	vadd.s32 v5, v4;
	v5 =	vsel vm0, $0x3F800000, v3  }
0xcf: {  	v4 =	vsel vm0, v4, v1;
	[tilespmem:$0x20E0] =	vst v5  }
0xd0: {  	[tilespmem:$0x2060] =	vst v4  }
0xd1: {  	v4 =	vld [tilespmem:s4+$0x70]  }
0xd2: {  	v5 =	vld [tilespmem:s4+$0x1070];
	_ =	sdelay $0x3  }
0xd3: {  	v4 =	vsub.s32 v4, v0  }
0xd4: {  	vm0 =	vlt.u32 v4, $0x200;
	v4 =	vshll.u32 v4, $0xB  }
.Ltmp1:
0xd5: {  	v4 =	vadd.s32 v5, v4;
	v5 =	vsel vm0, $0x3F800000, v3;
	(pc) =	sbr.rel @p0 .LBB2_4-.Ltmp1, $4  }
0xd6: {  	v4 =	vsel vm0, v4, v1;
	[tilespmem:$0x20F0] =	vst v5  }
0xd7: {  	[tilespmem:$0x2070] =	vst v4  }
0xd8: {  	[spmem:s1] =	stream.indirect.scatter.add.f32 [tilespmem:s31], [sflag:$0x1], $0x1, s30, s29, $0xb8;
	[tilespmem:$0x13100] =	vst v63  }
0xd9: {  	s5 =	smov.u32 s2;
	_ =	swait.ge [sflag:s25], $0x80  }
0xda: {  	[sflag:s25] =	ssyncset.done $0x0  }
0xdb: {  	s0 =	sshra.s32 s0, $0x2;
	[sflag:s25] =	ssyncadd.s32 $0xFFFFFF80  }
0xdc: {  	v4 =	vld [tilespmem:s0+$0x0];
	_ =	sdelay $0x1  }
0xdd: {  	v5 =	vld [tilespmem:s0+$0x1000];
	_ =	sdelay $0x2  }
0xde: {  	v4 =	vsub.s32 v4, v0  }
0xdf: {  	vm0 =	vlt.u32 v4, $0x200;
	v4 =	vshll.u32 v4, $0xB  }
0xe0: {  	v4 =	vadd.s32 v5, v4;
	v5 =	vsel vm0, $0x3F800000, v3  }
0xe1: {  	v4 =	vsel vm0, v4, v1;
	[tilespmem:$0x2080] =	vst v5  }
0xe2: {  	[tilespmem:$0x2000] =	vst v4  }
0xe3: {  	v4 =	vld [tilespmem:s0+$0x10];
	_ =	sdelay $0x1  }
0xe4: {  	v5 =	vld [tilespmem:s0+$0x1010];
	_ =	sdelay $0x2  }
0xe5: {  	v4 =	vsub.s32 v4, v0  }
0xe6: {  	vm13 =	vlt.u32 v4, $0x200;
	v4 =	vshll.u32 v4, $0xB  }
0xe7: {  	v4 =	vadd.s32 v5, v4;
	v5 =	vsel vm13, $0x3F800000, v3  }
0xe8: {  	v4 =	vsel vm13, v4, v1;
	[tilespmem:$0x2090] =	vst v5  }
0xe9: {  	[tilespmem:$0x2010] =	vst v4  }
0xea: {  	v4 =	vld [tilespmem:s0+$0x20];
	_ =	sdelay $0x1  }
0xeb: {  	v5 =	vld [tilespmem:s0+$0x1020];
	_ =	sdelay $0x2  }
0xec: {  	v4 =	vsub.s32 v4, v0  }
0xed: {  	vm14 =	vlt.u32 v4, $0x200;
	v4 =	vshll.u32 v4, $0xB  }
0xee: {  	v4 =	vadd.s32 v5, v4;
	v5 =	vsel vm14, $0x3F800000, v3  }
0xef: {  	v4 =	vsel vm14, v4, v1;
	[tilespmem:$0x20A0] =	vst v5  }
0xf0: {  	[tilespmem:$0x2020] =	vst v4  }
0xf1: {  	v4 =	vld [tilespmem:s0+$0x30];
	_ =	sdelay $0x1  }
0xf2: {  	v5 =	vld [tilespmem:s0+$0x1030];
	_ =	sdelay $0x2  }
0xf3: {  	v4 =	vsub.s32 v4, v0  }
0xf4: {  	vm15 =	vlt.u32 v4, $0x200;
	v4 =	vshll.u32 v4, $0xB  }
0xf5: {  	v4 =	vadd.s32 v5, v4;
	v5 =	vsel vm15, $0x3F800000, v3  }
0xf6: {  	v4 =	vsel vm15, v4, v1;
	[tilespmem:$0x20B0] =	vst v5  }
0xf7: {  	[tilespmem:$0x2030] =	vst v4  }
0xf8: {  	v4 =	vld [tilespmem:s0+$0x40];
	_ =	sdelay $0x1  }
0xf9: {  	v5 =	vld [tilespmem:s0+$0x1040];
	_ =	sdelay $0x2  }
0xfa: {  	v4 =	vsub.s32 v4, v0  }
0xfb: {  	vm4 =	vlt.u32 v4, $0x200;
	v4 =	vshll.u32 v4, $0xB  }
0xfc: {  	v4 =	vadd.s32 v5, v4;
	v5 =	vsel vm4, $0x3F800000, v3  }
0xfd: {  	v4 =	vsel vm4, v4, v1;
	[tilespmem:$0x20C0] =	vst v5  }
0xfe: {  	[tilespmem:$0x2040] =	vst v4  }
0xff: {  	v4 =	vld [tilespmem:s0+$0x50];
	_ =	sdelay $0x1  }
0x100: {  	v5 =	vld [tilespmem:s0+$0x1050];
	_ =	sdelay $0x2  }
0x101: {  	v4 =	vsub.s32 v4, v0  }
0x102: {  	vm5 =	vlt.u32 v4, $0x200;
	v4 =	vshll.u32 v4, $0xB  }
0x103: {  	v4 =	vadd.s32 v5, v4;
	v5 =	vsel vm5, $0x3F800000, v3  }
0x104: {  	v4 =	vsel vm5, v4, v1;
	[tilespmem:$0x20D0] =	vst v5  }
0x105: {  	[tilespmem:$0x2050] =	vst v4  }
0x106: {  	v4 =	vld [tilespmem:s0+$0x60];
	_ =	sdelay $0x1  }
0x107: {  	v5 =	vld [tilespmem:s0+$0x1060];
	_ =	sdelay $0x2  }
0x108: {  	v4 =	vsub.s32 v4, v0  }
0x109: {  	vm6 =	vlt.u32 v4, $0x200;
	v4 =	vshll.u32 v4, $0xB  }
0x10a: {  	v4 =	vadd.s32 v5, v4;
	v5 =	vsel vm6, $0x3F800000, v3  }
0x10b: {  	v4 =	vsel vm6, v4, v1;
	[tilespmem:$0x20E0] =	vst v5  }
0x10c: {  	[tilespmem:$0x2060] =	vst v4  }
0x10d: {  	v4 =	vld [tilespmem:s0+$0x70];
	_ =	sdelay $0x1  }
0x10e: {  	v5 =	vld [tilespmem:s0+$0x1070];
	_ =	sdelay $0x2  }
0x10f: {  	v4 =	vsub.s32 v4, v0  }
0x110: {  	vm7 =	vlt.u32 v4, $0x200;
	v4 =	vshll.u32 v4, $0xB  }
0x111: {  	v4 =	vadd.s32 v5, v4;
	v5 =	vsel vm7, $0x3F800000, v3  }
0x112: {  	v4 =	vsel vm7, v4, v1;
	[tilespmem:$0x20F0] =	vst v5  }
0x113: {  	[tilespmem:$0x2070] =	vst v4  }
0x114: {  	[spmem:s1] =	stream.indirect.scatter.add.f32 [tilespmem:s31], [sflag:$0x1], $0x1, s30, s29, $0xb8;
	[tilespmem:$0x13100] =	vst v63  }
0x115: {  	_ =	swait.ge [sflag:s25], $0x80  }
0x116: {  	[sflag:s25] =	ssyncset.done $0x0  }
0x117: {  	s5 =	stileid.u32;
	[sflag:s25] =	ssyncadd.s32 $0xFFFFFF80  }
0x118: {  	s0 =	sshll.u32 s5, $0x6;
	[bflag:$0x0] =	sbarrier.arrive $0xFFFF  }
0x119: {  	s26 =	sshrl.u32 s6, $0x3;
	s0 =	sor.u32 $0x1C01, s0;
	s2 =	rddreg [dreg:$0x5]  }
0x11a: {  	[hbm:s2], [sflag:s0] =	dma.local [spmem:s26], $0x2000  }
0x11b: {  	_ =	swait.ge [sflag:s25], $0x2000  }
0x11c: {  	[sflag:s25] =	ssyncset.done $0x0  }
0x11d: {  	[sflag:s25] =	ssyncadd.s32 $0xFFFFE000  }
0x11e: {  	[bflag:$0x0] =	sbarrier.arrive $0xFFFF  }
0x11f: {  	[spmem:s6] =	stream.linear.scatter [tilespmem:s28], [sflag:$0x1], $0x1000, $0x38;
	[tilespmem:$0x13100] =	vst v63  }
0x120: {  	_ =	swait.ge [sflag:s25], $0x1000  }
0x121: {  	[sflag:s25] =	ssyncset.done $0x0  }
0x122: {  	[sflag:s25] =	ssyncadd.s32 $0xFFFFF000  }
0x123: {  	[spmem:s7] =	stream.linear.scatter [tilespmem:s28], [sflag:$0x1], $0x1000, $0x38;
	[tilespmem:$0x13100] =	vst v63  }
0x124: {  	_ =	swait.ge [sflag:s25], $0x1000  }
0x125: {  	[sflag:s25] =	ssyncset.done $0x0  }
0x126: {  	[sflag:s25] =	ssyncadd.s32 $0xFFFFF000  }
0x127: {  	[spmem:s8] =	stream.linear.scatter [tilespmem:s28], [sflag:$0x1], $0x1000, $0x38;
	[tilespmem:$0x13100] =	vst v63  }
0x128: {  	_ =	swait.ge [sflag:s25], $0x1000  }
0x129: {  	[sflag:s25] =	ssyncset.done $0x0  }
0x12a: {  	[sflag:s25] =	ssyncadd.s32 $0xFFFFF000  }
0x12b: {  	[spmem:s9] =	stream.linear.scatter [tilespmem:s28], [sflag:$0x1], $0x1000, $0x38;
	[tilespmem:$0x13100] =	vst v63  }
0x12c: {  	_ =	swait.ge [sflag:s25], $0x1000  }
0x12d: {  	[sflag:s25] =	ssyncset.done $0x0  }
0x12e: {  	[sflag:s25] =	ssyncadd.s32 $0xFFFFF000  }
0x12f: {  	[spmem:s10] =	stream.linear.scatter [tilespmem:s28], [sflag:$0x1], $0x1000, $0x38;
	[tilespmem:$0x13100] =	vst v63  }
0x130: {  	_ =	swait.ge [sflag:s25], $0x1000  }
0x131: {  	[sflag:s25] =	ssyncset.done $0x0  }
0x132: {  	[sflag:s25] =	ssyncadd.s32 $0xFFFFF000  }
0x133: {  	[spmem:s11] =	stream.linear.scatter [tilespmem:s28], [sflag:$0x1], $0x1000, $0x38;
	[tilespmem:$0x13100] =	vst v63  }
0x134: {  	_ =	swait.ge [sflag:s25], $0x1000  }
0x135: {  	[sflag:s25] =	ssyncset.done $0x0  }
0x136: {  	[sflag:s25] =	ssyncadd.s32 $0xFFFFF000  }
0x137: {  	[spmem:s12] =	stream.linear.scatter [tilespmem:s28], [sflag:$0x1], $0x1000, $0x38;
	[tilespmem:$0x13100] =	vst v63  }
0x138: {  	_ =	swait.ge [sflag:s25], $0x1000  }
0x139: {  	[sflag:s25] =	ssyncset.done $0x0  }
0x13a: {  	[sflag:s25] =	ssyncadd.s32 $0xFFFFF000  }
0x13b: {  	[spmem:s13] =	stream.linear.scatter [tilespmem:s28], [sflag:$0x1], $0x1000, $0x38;
	[tilespmem:$0x13100] =	vst v63  }
0x13c: {  	_ =	swait.ge [sflag:s25], $0x1000  }
0x13d: {  	[sflag:s25] =	ssyncset.done $0x0  }
0x13e: {  	[sflag:s25] =	ssyncadd.s32 $0xFFFFF000  }
0x13f: {  	[spmem:s14] =	stream.linear.scatter [tilespmem:s28], [sflag:$0x1], $0x1000, $0x38;
	[tilespmem:$0x13100] =	vst v63  }
0x140: {  	_ =	swait.ge [sflag:s25], $0x1000  }
0x141: {  	[sflag:s25] =	ssyncset.done $0x0  }
0x142: {  	[sflag:s25] =	ssyncadd.s32 $0xFFFFF000  }
0x143: {  	[spmem:s15] =	stream.linear.scatter [tilespmem:s28], [sflag:$0x1], $0x1000, $0x38;
	[tilespmem:$0x13100] =	vst v63  }
0x144: {  	_ =	swait.ge [sflag:s25], $0x1000  }
0x145: {  	[sflag:s25] =	ssyncset.done $0x0  }
0x146: {  	[sflag:s25] =	ssyncadd.s32 $0xFFFFF000  }
0x147: {  	[spmem:s16] =	stream.linear.scatter [tilespmem:s28], [sflag:$0x1], $0x1000, $0x38;
	[tilespmem:$0x13100] =	vst v63  }
0x148: {  	_ =	swait.ge [sflag:s25], $0x1000  }
0x149: {  	[sflag:s25] =	ssyncset.done $0x0  }
0x14a: {  	[sflag:s25] =	ssyncadd.s32 $0xFFFFF000  }
0x14b: {  	[spmem:s17] =	stream.linear.scatter [tilespmem:s28], [sflag:$0x1], $0x1000, $0x38;
	[tilespmem:$0x13100] =	vst v63  }
0x14c: {  	_ =	swait.ge [sflag:s25], $0x1000  }
0x14d: {  	[sflag:s25] =	ssyncset.done $0x0  }
0x14e: {  	[sflag:s25] =	ssyncadd.s32 $0xFFFFF000  }
0x14f: {  	[spmem:s18] =	stream.linear.scatter [tilespmem:s28], [sflag:$0x1], $0x1000, $0x38;
	[tilespmem:$0x13100] =	vst v63  }
0x150: {  	_ =	swait.ge [sflag:s25], $0x1000  }
0x151: {  	[sflag:s25] =	ssyncset.done $0x0  }
0x152: {  	[sflag:s25] =	ssyncadd.s32 $0xFFFFF000  }
0x153: {  	[spmem:s19] =	stream.linear.scatter [tilespmem:s28], [sflag:$0x1], $0x1000, $0x38;
	[tilespmem:$0x13100] =	vst v63  }
0x154: {  	_ =	swait.ge [sflag:s25], $0x1000  }
0x155: {  	[sflag:s25] =	ssyncset.done $0x0  }
0x156: {  	[sflag:s25] =	ssyncadd.s32 $0xFFFFF000  }
0x157: {  	[spmem:s22] =	stream.linear.scatter [tilespmem:s28], [sflag:$0x1], $0x1000, $0x38;
	[tilespmem:$0x13100] =	vst v63  }
0x158: {  	_ =	swait.ge [sflag:s25], $0x1000  }
0x159: {  	[sflag:s25] =	ssyncset.done $0x0  }
0x15a: {  	[sflag:s25] =	ssyncadd.s32 $0xFFFFF000  }
0x15b: {  	[spmem:s24] =	stream.linear.scatter [tilespmem:s28], [sflag:$0x1], $0x1000, $0x38;
	[tilespmem:$0x13100] =	vst v63  }
0x15c: {  	_ =	swait.ge [sflag:s25], $0x1000  }
0x15d: {  	[sflag:s25] =	ssyncset.done $0x0  }
0x15e: {  	[sflag:s25] =	ssyncadd.s32 $0xFFFFF000  }
0x15f: {  	s20 =	simm.s32 $0x0;
	[bflag:$0x0] =	sbarrier.arrive $0xFFFF  }
0x160: {  	v4 =	vld [tilespmem:s20+$0x0];
	_ =	sdelay $0x1  }
0x161: {  	v5 =	vld [tilespmem:s20+$0x1000];
	_ =	sdelay $0x2  }
0x162: {  	v4 =	vsub.s32 v4, v2  }
0x163: {  	vm8 =	vlt.u32 v4, $0x200;
	v4 =	vshll.u32 v4, $0xB  }
0x164: {  	v4 =	vadd.s32 v5, v4;
	v5 =	vsel vm8, $0x3F800000, v3  }
0x165: {  	v4 =	vsel vm8, v4, v1;
	[tilespmem:$0x2080] =	vst v5  }
0x166: {  	[tilespmem:$0x2000] =	vst v4  }
0x167: {  	v4 =	vld [tilespmem:s20+$0x10];
	_ =	sdelay $0x1  }
0x168: {  	v5 =	vld [tilespmem:s20+$0x1010];
	_ =	sdelay $0x2  }
0x169: {  	v4 =	vsub.s32 v4, v2  }
0x16a: {  	vm9 =	vlt.u32 v4, $0x200;
	v4 =	vshll.u32 v4, $0xB  }
0x16b: {  	v4 =	vadd.s32 v5, v4;
	v5 =	vsel vm9, $0x3F800000, v3  }
0x16c: {  	v4 =	vsel vm9, v4, v1;
	[tilespmem:$0x2090] =	vst v5  }
0x16d: {  	[tilespmem:$0x2010] =	vst v4  }
0x16e: {  	v4 =	vld [tilespmem:s20+$0x20];
	_ =	sdelay $0x1  }
0x16f: {  	v5 =	vld [tilespmem:s20+$0x1020];
	_ =	sdelay $0x2  }
0x170: {  	v4 =	vsub.s32 v4, v2  }
0x171: {  	vm10 =	vlt.u32 v4, $0x200;
	v4 =	vshll.u32 v4, $0xB  }
0x172: {  	v4 =	vadd.s32 v5, v4;
	v5 =	vsel vm10, $0x3F800000, v3  }
0x173: {  	v4 =	vsel vm10, v4, v1;
	[tilespmem:$0x20A0] =	vst v5  }
0x174: {  	[tilespmem:$0x2020] =	vst v4  }
0x175: {  	v4 =	vld [tilespmem:s20+$0x30];
	_ =	sdelay $0x1  }
0x176: {  	v5 =	vld [tilespmem:s20+$0x1030];
	_ =	sdelay $0x2  }
0x177: {  	v4 =	vsub.s32 v4, v2  }
0x178: {  	vm11 =	vlt.u32 v4, $0x200;
	v4 =	vshll.u32 v4, $0xB  }
0x179: {  	v4 =	vadd.s32 v5, v4;
	v5 =	vsel vm11, $0x3F800000, v3  }
0x17a: {  	v4 =	vsel vm11, v4, v1;
	[tilespmem:$0x20B0] =	vst v5  }
0x17b: {  	[tilespmem:$0x2030] =	vst v4  }
0x17c: {  	v4 =	vld [tilespmem:s20+$0x40];
	_ =	sdelay $0x1  }
0x17d: {  	v5 =	vld [tilespmem:s20+$0x1040];
	_ =	sdelay $0x2  }
0x17e: {  	v4 =	vsub.s32 v4, v2  }
0x17f: {  	vm12 =	vlt.u32 v4, $0x200;
	v4 =	vshll.u32 v4, $0xB  }
0x180: {  	v4 =	vadd.s32 v5, v4;
	v5 =	vsel vm12, $0x3F800000, v3  }
0x181: {  	v4 =	vsel vm12, v4, v1;
	[tilespmem:$0x20C0] =	vst v5  }
0x182: {  	[tilespmem:$0x2040] =	vst v4  }
0x183: {  	v4 =	vld [tilespmem:s20+$0x50];
	_ =	sdelay $0x1  }
0x184: {  	v5 =	vld [tilespmem:s20+$0x1050];
	_ =	sdelay $0x2  }
0x185: {  	v4 =	vsub.s32 v4, v2  }
0x186: {  	vm13 =	vlt.u32 v4, $0x200;
	v4 =	vshll.u32 v4, $0xB  }
0x187: {  	v4 =	vadd.s32 v5, v4;
	v5 =	vsel vm13, $0x3F800000, v3  }
0x188: {  	v4 =	vsel vm13, v4, v1;
	[tilespmem:$0x20D0] =	vst v5  }
0x189: {  	[tilespmem:$0x2050] =	vst v4  }
0x18a: {  	v4 =	vld [tilespmem:s20+$0x60];
	_ =	sdelay $0x1  }
0x18b: {  	v5 =	vld [tilespmem:s20+$0x1060];
	_ =	sdelay $0x2  }
0x18c: {  	v4 =	vsub.s32 v4, v2  }
0x18d: {  	vm14 =	vlt.u32 v4, $0x200;
	v4 =	vshll.u32 v4, $0xB  }
0x18e: {  	v4 =	vadd.s32 v5, v4;
	v5 =	vsel vm14, $0x3F800000, v3  }
0x18f: {  	v4 =	vsel vm14, v4, v1;
	[tilespmem:$0x20E0] =	vst v5  }
0x190: {  	[tilespmem:$0x2060] =	vst v4  }
0x191: {  	v4 =	vld [tilespmem:s20+$0x70];
	_ =	sdelay $0x1  }
0x192: {  	v5 =	vld [tilespmem:s20+$0x1070];
	_ =	sdelay $0x2  }
0x193: {  	v4 =	vsub.s32 v4, v2  }
0x194: {  	vm15 =	vlt.u32 v4, $0x200;
	v4 =	vshll.u32 v4, $0xB  }
0x195: {  	v4 =	vadd.s32 v5, v4;
	v5 =	vsel vm15, $0x3F800000, v3  }
0x196: {  	v4 =	vsel vm15, v4, v1;
	[tilespmem:$0x20F0] =	vst v5  }
0x197: {  	[tilespmem:$0x2070] =	vst v4  }
0x198: {  	[spmem:s1] =	stream.indirect.scatter.add.f32 [tilespmem:s31], [sflag:$0x1], $0x1, s30, s29, $0xb8;
	[tilespmem:$0x13100] =	vst v63  }
0x199: {  	s4 =	simm.s32 $0x400;
	s2 =	simm.s32 $0x200;
	_ =	swait.ge [sflag:s25], $0x80  }
.LBB2_6:
0x19a: {  	s5 =	sshra.s32 s2, $0x2  }
0x19b: {  	[sflag:s25] =	ssyncset.done $0x0;
	s2 =	smov.u32 s4;
	s20 =	sadd.s32 $0x200, s4  }
0x19c: {  	p0 =	sne.s32 s4, $0x3E00;
	[sflag:s25] =	ssyncadd.s32 $0xFFFFFF80  }
0x19d: {  	v4 =	vld [tilespmem:s5+$0x0];
	_ =	sdelay $0x1  }
0x19e: {  	v5 =	vld [tilespmem:s5+$0x1000];
	_ =	sdelay $0x2  }
0x19f: {  	v4 =	vsub.s32 v4, v2  }
0x1a0: {  	vm0 =	vlt.u32 v4, $0x200;
	v4 =	vshll.u32 v4, $0xB  }
0x1a1: {  	v4 =	vadd.s32 v5, v4;
	v5 =	vsel vm0, $0x3F800000, v3  }
0x1a2: {  	v4 =	vsel vm0, v4, v1;
	[tilespmem:$0x2080] =	vst v5  }
0x1a3: {  	[tilespmem:$0x2000] =	vst v4  }
0x1a4: {  	v4 =	vld [tilespmem:s5+$0x10]  }
0x1a5: {  	v5 =	vld [tilespmem:s5+$0x1010];
	_ =	sdelay $0x3  }
0x1a6: {  	v4 =	vsub.s32 v4, v2  }
0x1a7: {  	vm0 =	vlt.u32 v4, $0x200;
	v4 =	vshll.u32 v4, $0xB  }
0x1a8: {  	v4 =	vadd.s32 v5, v4;
	v5 =	vsel vm0, $0x3F800000, v3  }
0x1a9: {  	v4 =	vsel vm0, v4, v1;
	[tilespmem:$0x2090] =	vst v5  }
0x1aa: {  	[tilespmem:$0x2010] =	vst v4  }
0x1ab: {  	v4 =	vld [tilespmem:s5+$0x20]  }
0x1ac: {  	v5 =	vld [tilespmem:s5+$0x1020];
	_ =	sdelay $0x3  }
0x1ad: {  	v4 =	vsub.s32 v4, v2  }
0x1ae: {  	vm0 =	vlt.u32 v4, $0x200;
	v4 =	vshll.u32 v4, $0xB  }
0x1af: {  	v4 =	vadd.s32 v5, v4;
	v5 =	vsel vm0, $0x3F800000, v3  }
0x1b0: {  	v4 =	vsel vm0, v4, v1;
	[tilespmem:$0x20A0] =	vst v5  }
0x1b1: {  	[tilespmem:$0x2020] =	vst v4  }
0x1b2: {  	v4 =	vld [tilespmem:s5+$0x30]  }
0x1b3: {  	v5 =	vld [tilespmem:s5+$0x1030];
	_ =	sdelay $0x3  }
0x1b4: {  	v4 =	vsub.s32 v4, v2  }
0x1b5: {  	vm0 =	vlt.u32 v4, $0x200;
	v4 =	vshll.u32 v4, $0xB  }
0x1b6: {  	v4 =	vadd.s32 v5, v4;
	v5 =	vsel vm0, $0x3F800000, v3  }
0x1b7: {  	v4 =	vsel vm0, v4, v1;
	[tilespmem:$0x20B0] =	vst v5  }
0x1b8: {  	[tilespmem:$0x2030] =	vst v4  }
0x1b9: {  	v4 =	vld [tilespmem:s5+$0x40]  }
0x1ba: {  	v5 =	vld [tilespmem:s5+$0x1040];
	_ =	sdelay $0x3  }
0x1bb: {  	v4 =	vsub.s32 v4, v2  }
0x1bc: {  	vm0 =	vlt.u32 v4, $0x200;
	v4 =	vshll.u32 v4, $0xB  }
0x1bd: {  	v4 =	vadd.s32 v5, v4;
	v5 =	vsel vm0, $0x3F800000, v3  }
0x1be: {  	v4 =	vsel vm0, v4, v1;
	[tilespmem:$0x20C0] =	vst v5  }
0x1bf: {  	[tilespmem:$0x2040] =	vst v4  }
0x1c0: {  	v4 =	vld [tilespmem:s5+$0x50]  }
0x1c1: {  	v5 =	vld [tilespmem:s5+$0x1050];
	_ =	sdelay $0x3  }
0x1c2: {  	v4 =	vsub.s32 v4, v2  }
0x1c3: {  	vm0 =	vlt.u32 v4, $0x200;
	v4 =	vshll.u32 v4, $0xB  }
0x1c4: {  	v4 =	vadd.s32 v5, v4;
	v5 =	vsel vm0, $0x3F800000, v3  }
0x1c5: {  	v4 =	vsel vm0, v4, v1;
	[tilespmem:$0x20D0] =	vst v5  }
0x1c6: {  	[tilespmem:$0x2050] =	vst v4  }
0x1c7: {  	v4 =	vld [tilespmem:s5+$0x60]  }
0x1c8: {  	v5 =	vld [tilespmem:s5+$0x1060];
	_ =	sdelay $0x3  }
0x1c9: {  	v4 =	vsub.s32 v4, v2  }
0x1ca: {  	vm0 =	vlt.u32 v4, $0x200;
	v4 =	vshll.u32 v4, $0xB  }
0x1cb: {  	v4 =	vadd.s32 v5, v4;
	v5 =	vsel vm0, $0x3F800000, v3  }
0x1cc: {  	v4 =	vsel vm0, v4, v1;
	[tilespmem:$0x20E0] =	vst v5  }
0x1cd: {  	[tilespmem:$0x2060] =	vst v4  }
0x1ce: {  	v4 =	vld [tilespmem:s5+$0x70]  }
0x1cf: {  	v5 =	vld [tilespmem:s5+$0x1070];
	_ =	sdelay $0x3  }
0x1d0: {  	v4 =	vsub.s32 v4, v2  }
0x1d1: {  	vm0 =	vlt.u32 v4, $0x200;
	v4 =	vshll.u32 v4, $0xB  }
.Ltmp2:
0x1d2: {  	v4 =	vadd.s32 v5, v4;
	v5 =	vsel vm0, $0x3F800000, v3;
	(pc) =	sbr.rel @p0 .LBB2_6-.Ltmp2, $4  }
0x1d3: {  	v4 =	vsel vm0, v4, v1;
	[tilespmem:$0x20F0] =	vst v5  }
0x1d4: {  	[tilespmem:$0x2070] =	vst v4  }
0x1d5: {  	[spmem:s1] =	stream.indirect.scatter.add.f32 [tilespmem:s31], [sflag:$0x1], $0x1, s30, s29, $0xb8;
	[tilespmem:$0x13100] =	vst v63  }
0x1d6: {  	s4 =	smov.u32 s20;
	_ =	swait.ge [sflag:s25], $0x80  }
0x1d7: {  	[sflag:s25] =	ssyncset.done $0x0  }
0x1d8: {  	s2 =	sshra.s32 s2, $0x2;
	[sflag:s25] =	ssyncadd.s32 $0xFFFFFF80  }
0x1d9: {  	v4 =	vld [tilespmem:s2+$0x0];
	_ =	sdelay $0x1  }
0x1da: {  	v5 =	vld [tilespmem:s2+$0x1000];
	_ =	sdelay $0x2  }
0x1db: {  	v4 =	vsub.s32 v4, v2  }
0x1dc: {  	vm0 =	vlt.u32 v4, $0x200;
	v4 =	vshll.u32 v4, $0xB  }
0x1dd: {  	v4 =	vadd.s32 v5, v4;
	v5 =	vsel vm0, $0x3F800000, v3  }
0x1de: {  	v4 =	vsel vm0, v4, v1;
	[tilespmem:$0x2080] =	vst v5  }
0x1df: {  	[tilespmem:$0x2000] =	vst v4  }
0x1e0: {  	v4 =	vld [tilespmem:s2+$0x10];
	_ =	sdelay $0x1  }
0x1e1: {  	v5 =	vld [tilespmem:s2+$0x1010];
	_ =	sdelay $0x2  }
0x1e2: {  	v4 =	vsub.s32 v4, v2  }
0x1e3: {  	vm9 =	vlt.u32 v4, $0x200;
	v4 =	vshll.u32 v4, $0xB  }
0x1e4: {  	v4 =	vadd.s32 v5, v4;
	v5 =	vsel vm9, $0x3F800000, v3  }
0x1e5: {  	v4 =	vsel vm9, v4, v1;
	[tilespmem:$0x2090] =	vst v5  }
0x1e6: {  	[tilespmem:$0x2010] =	vst v4  }
0x1e7: {  	v4 =	vld [tilespmem:s2+$0x20];
	_ =	sdelay $0x1  }
0x1e8: {  	v5 =	vld [tilespmem:s2+$0x1020];
	_ =	sdelay $0x2  }
0x1e9: {  	v4 =	vsub.s32 v4, v2  }
0x1ea: {  	vm10 =	vlt.u32 v4, $0x200;
	v4 =	vshll.u32 v4, $0xB  }
0x1eb: {  	v4 =	vadd.s32 v5, v4;
	v5 =	vsel vm10, $0x3F800000, v3  }
0x1ec: {  	v4 =	vsel vm10, v4, v1;
	[tilespmem:$0x20A0] =	vst v5  }
0x1ed: {  	[tilespmem:$0x2020] =	vst v4  }
0x1ee: {  	v4 =	vld [tilespmem:s2+$0x30];
	_ =	sdelay $0x1  }
0x1ef: {  	v5 =	vld [tilespmem:s2+$0x1030];
	_ =	sdelay $0x2  }
0x1f0: {  	v4 =	vsub.s32 v4, v2  }
0x1f1: {  	vm11 =	vlt.u32 v4, $0x200;
	v4 =	vshll.u32 v4, $0xB  }
0x1f2: {  	v4 =	vadd.s32 v5, v4;
	v5 =	vsel vm11, $0x3F800000, v3  }
0x1f3: {  	v4 =	vsel vm11, v4, v1;
	[tilespmem:$0x20B0] =	vst v5  }
0x1f4: {  	[tilespmem:$0x2030] =	vst v4  }
0x1f5: {  	v4 =	vld [tilespmem:s2+$0x40];
	_ =	sdelay $0x1  }
0x1f6: {  	v5 =	vld [tilespmem:s2+$0x1040];
	_ =	sdelay $0x2  }
0x1f7: {  	v4 =	vsub.s32 v4, v2  }
0x1f8: {  	vm12 =	vlt.u32 v4, $0x200;
	v4 =	vshll.u32 v4, $0xB  }
0x1f9: {  	v4 =	vadd.s32 v5, v4;
	v5 =	vsel vm12, $0x3F800000, v3  }
0x1fa: {  	v4 =	vsel vm12, v4, v1;
	[tilespmem:$0x20C0] =	vst v5  }
0x1fb: {  	[tilespmem:$0x2040] =	vst v4  }
0x1fc: {  	v4 =	vld [tilespmem:s2+$0x50];
	_ =	sdelay $0x1  }
0x1fd: {  	v5 =	vld [tilespmem:s2+$0x1050];
	_ =	sdelay $0x2  }
0x1fe: {  	v4 =	vsub.s32 v4, v2  }
0x1ff: {  	vm13 =	vlt.u32 v4, $0x200;
	v4 =	vshll.u32 v4, $0xB  }
0x200: {  	v4 =	vadd.s32 v5, v4;
	v5 =	vsel vm13, $0x3F800000, v3  }
0x201: {  	v4 =	vsel vm13, v4, v1;
	[tilespmem:$0x20D0] =	vst v5  }
0x202: {  	[tilespmem:$0x2050] =	vst v4  }
0x203: {  	v4 =	vld [tilespmem:s2+$0x60];
	_ =	sdelay $0x1  }
0x204: {  	v5 =	vld [tilespmem:s2+$0x1060];
	_ =	sdelay $0x2  }
0x205: {  	v4 =	vsub.s32 v4, v2  }
0x206: {  	vm14 =	vlt.u32 v4, $0x200;
	v4 =	vshll.u32 v4, $0xB  }
0x207: {  	v4 =	vadd.s32 v5, v4;
	v5 =	vsel vm14, $0x3F800000, v3  }
0x208: {  	v4 =	vsel vm14, v4, v1;
	[tilespmem:$0x20E0] =	vst v5  }
0x209: {  	[tilespmem:$0x2060] =	vst v4  }
0x20a: {  	v4 =	vld [tilespmem:s2+$0x70];
	_ =	sdelay $0x1  }
0x20b: {  	v5 =	vld [tilespmem:s2+$0x1070];
	_ =	sdelay $0x2  }
0x20c: {  	v4 =	vsub.s32 v4, v2  }
0x20d: {  	vm15 =	vlt.u32 v4, $0x200;
	v4 =	vshll.u32 v4, $0xB  }
0x20e: {  	v4 =	vadd.s32 v5, v4;
	v5 =	vsel vm15, $0x3F800000, v3  }
0x20f: {  	v4 =	vsel vm15, v4, v1;
	[tilespmem:$0x20F0] =	vst v5  }
0x210: {  	[tilespmem:$0x2070] =	vst v4  }
0x211: {  	[spmem:s1] =	stream.indirect.scatter.add.f32 [tilespmem:s31], [sflag:$0x1], $0x1, s30, s29, $0xb8;
	[tilespmem:$0x13100] =	vst v63  }
0x212: {  	_ =	swait.ge [sflag:s25], $0x80  }
0x213: {  	[sflag:s25] =	ssyncset.done $0x0  }
0x214: {  	s3 =	sadd.s32 $0x1, s3;
	[sflag:s25] =	ssyncadd.s32 $0xFFFFFF80  }
0x215: {  	p0 =	sne.s32 s3, s23;
	[bflag:$0x0] =	sbarrier.arrive $0xFFFF  }
0x216: {  	[hbm:s21], [sflag:s0] =	dma.local [spmem:s26], $0x2000  }
.Ltmp3:
0x217: {  	_ =	swait.ge [sflag:s25], $0x2000;
	(pc) =	sbr.rel @p0 .LBB2_1-.Ltmp3, $3  }
0x218: {  	[sflag:s25] =	ssyncset.done $0x0  }
0x219: {  	[sflag:s25] =	ssyncadd.s32 $0xFFFFE000  }
0x21a: {  	[bflag:$0x0] =	sbarrier.arrive $0xFFFF;
	_ =	sdelay $0x1  }
0x21b: {  	_ =	sfence.sel $0x180000  }
0x21c: {  	[bflag:$0x0] =	sbarrier.arrive $0xFFFF  }
0x21d: {  	_ =	strace $0x90000047  }
0x21e: {  	s0 =	stileid.u32;
	[bflag:$0x2] =	sbarrier.arrive $0xFFFF  }
0x21f: {  	p0 =	sne.s32 s0, $0x0;
	s0 =	rddreg [dreg:$0x2]  }
0x220: {  	s0 =	sadd.s32 @!p0 $0x100000, s0  }
0x221: {  	[sflag:s0] =	ssyncadd.tile.s32 @!p0 $0x1;
	_ =	shalt  }
.Lfunc_end2:
_tile_overlayer_lowered:
.L_overlay_start_2:
0x222: {  	(tag) =	ssettag $0x2  }
0x223: {  	s0 =	rddreg [dreg:$0x0];
	s2 =	stileid.u32  }
0x224: {  	s1 =	rddreg [dreg:$0x1];
	p0 =	sne.s32 s2, $0x0  }
0x225: {  	s3 =	rddreg [dreg:$0x2];
	[bflag:$0x3] =	sbarrier.arrive $0xFFFF;
	s2 =	simm.s32 @!p0 $0x1C01  }
0x226: {  	[timem:s3], [sflag:s2] =	dma.local @!p0 [hbm:s0], s1  }
0x227: {  	s0 =	simm.s32 @!p0 $0x1  }
0x228: {  	_ =	swait.ge @!p0 [sflag:s0], s1  }
0x229: {  	s1 =	ssub.s32 @!p0 $0x0, s1;
	[sflag:s0] =	ssyncset.done @!p0 $0x0  }
0x22a: {  	[sflag:s0] =	ssyncadd.s32 @!p0 s1  }
0x22b: {  	[bflag:$0x3] =	sbarrier.arrive $0xFFFF  }
0x22c: {  	_ =	shalt  }

</sc_bundles>
